<compile_context>
chip_gen: v7x
topology: tpu7x:2x2x1
jax: 0.10.2.dev20260603
libtpu: 0.0.44.dev20260713+nightly
codegen_flags: <defaults>
</compile_context>

<pallas_src>
import functools

import jax
import jax.numpy as jnp
from jax import lax
from jax.experimental import pallas as pl
from jax.experimental.pallas import tpu as pltpu
from jax.experimental.pallas import tpu_sc as plsc

N = 10000
E = 320000
D_IN = 128
H = 96
C = 64
BN_EPS = 1e-5

NC = 2
NS = 16
NW = NC * NS
EPW = E // NW
LANE_WIN = 128
NWIN = EPW // LANE_WIN
TAIL = EPW - NWIN * LANE_WIN
NPAD = 10240
ZROWS = NPAD // NS

ROW_BLK = 2000


@functools.partial(
    pl.kernel,
    out_type=(
        jax.ShapeDtypeStruct((NPAD, H), jnp.bfloat16),
        jax.ShapeDtypeStruct((NPAD, H), jnp.bfloat16),
    ),
    mesh=plsc.VectorSubcoreMesh(core_axis_name="c", subcore_axis_name="s"),
    compiler_params=pltpu.CompilerParams(use_tc_tiling_on_sc=False),
    scratch_types=[
        pltpu.VMEM((EPW,), jnp.int32),
        pltpu.VMEM((EPW,), jnp.int32),
        [pltpu.VMEM((LANE_WIN, H), jnp.bfloat16) for _ in range(8)],
        pltpu.VMEM((TAIL, H), jnp.bfloat16),
        pltpu.VMEM_SHARED((NPAD, H), jnp.bfloat16),
        [pltpu.SemaphoreType.DMA for _ in range(8)],
        [pltpu.SemaphoreType.DMA for _ in range(8)],
        pltpu.SemaphoreType.DMA,
    ],
)
def _sc_agg(edge_hbm, x_hbm, zero_hbm, out0_hbm, out1_hbm,
            src_v, dst_v, rows, rows_t, agg_sh, gsem, ssem, stsem):
    c = lax.axis_index("c")
    s = lax.axis_index("s")
    wid = s * NC + c

    def fire_gather(w, b):
        pltpu.async_copy(x_hbm.at[src_v.at[pl.ds(w * LANE_WIN, LANE_WIN)]],
                         rows[b], gsem[b])

    def wait_gather(b):
        pltpu.make_async_copy(x_hbm.at[src_v.at[pl.ds(0, LANE_WIN)]],
                              rows[b], gsem[b]).wait()

    def fire_scatter(w, b):
        pltpu.async_copy(rows[b],
                         agg_sh.at[dst_v.at[pl.ds(w * LANE_WIN, LANE_WIN)]],
                         ssem[b], add=True)

    def wait_scatter(b):
        pltpu.make_async_copy(rows[b],
                              agg_sh.at[dst_v.at[pl.ds(0, LANE_WIN)]],
                              ssem[b]).wait()

    base = wid * EPW
    zcp = pltpu.make_async_copy(zero_hbm, agg_sh.at[pl.ds(s * ZROWS, ZROWS)],
                                stsem)
    zcp.start()
    pltpu.async_copy(edge_hbm.at[0, pl.ds(base, EPW)], src_v, gsem[0])
    pltpu.async_copy(edge_hbm.at[1, pl.ds(base, EPW)], dst_v, gsem[1])
    pltpu.make_async_copy(edge_hbm.at[0, pl.ds(base, EPW)], src_v,
                          gsem[0]).wait()
    pltpu.make_async_copy(edge_hbm.at[1, pl.ds(base, EPW)], dst_v,
                          gsem[1]).wait()
    for b in range(4):
        fire_gather(b, b)
    zcp.wait()
    plsc.subcore_barrier()
    for w in range(4):
        wait_gather(w)
        fire_scatter(w, w)
        fire_gather(w + 4, w + 4)

    def body(i, carry):
        for b8 in range(8):
            w = 4 + 8 * i + b8
            b = (4 + b8) % 8
            wait_gather(b)
            fire_scatter(w, b)
            wait_scatter((b + 4) % 8)
            fire_gather(w + 4, (b + 4) % 8)
        return carry

    LOOP_I = (NWIN - 14) // 8
    lax.fori_loop(0, LOOP_I, body, 0)

    for w in range(4 + 8 * LOOP_I, NWIN):
        b = w % 8
        wait_gather(b)
        fire_scatter(w, b)
        wait_scatter((b + 4) % 8)
        if w + 4 < NWIN:
            fire_gather(w + 4, (b + 4) % 8)
    for w in range(NWIN - 4, NWIN):
        wait_scatter(w % 8)

    tail_off = NWIN * LANE_WIN
    pltpu.async_copy(x_hbm.at[src_v.at[pl.ds(tail_off, TAIL)]],
                     rows_t, gsem[0])
    pltpu.make_async_copy(x_hbm.at[src_v.at[pl.ds(tail_off, TAIL)]],
                          rows_t, gsem[0]).wait()
    pltpu.sync_copy(rows_t, agg_sh.at[dst_v.at[pl.ds(tail_off, TAIL)]],
                    add=True)

    plsc.subcore_barrier()

    @pl.when(c == 0)
    def _():
        pltpu.sync_copy(agg_sh.at[pl.ds(s * ZROWS, ZROWS)],
                        out0_hbm.at[pl.ds(s * ZROWS, ZROWS)])

    @pl.when(c == 1)
    def _():
        pltpu.sync_copy(agg_sh.at[pl.ds(s * ZROWS, ZROWS)],
                        out1_hbm.at[pl.ds(s * ZROWS, ZROWS)])


def _embed_body(h_ref, w_ref, b_ref, o_ref):
    o_ref[...] = (
        jnp.dot(h_ref[...], w_ref[...], preferred_element_type=jnp.float32)
        + b_ref[...]
    )


def _embed(h, W_embed, b_embed):
    return pl.pallas_call(
        _embed_body,
        grid=(N // ROW_BLK,),
        in_specs=[
            pl.BlockSpec((ROW_BLK, D_IN), lambda i: (i, 0)),
            pl.BlockSpec((D_IN, H), lambda i: (0, 0)),
            pl.BlockSpec((1, H), lambda i: (0, 0)),
        ],
        out_specs=pl.BlockSpec((ROW_BLK, H), lambda i: (i, 0)),
        out_shape=jax.ShapeDtypeStruct((N, H), jnp.float32),
    )(h, W_embed, b_embed.reshape(1, H))


def _layer_body(x_ref, p0_ref, p1_ref, w_ref, b_ref, g_ref, bt_ref, o_ref):
    y = (x_ref[...]
         + p0_ref[...].astype(jnp.float32)
         + p1_ref[...].astype(jnp.float32))
    z = jnp.dot(y, w_ref[...], preferred_element_type=jnp.float32) + b_ref[...]
    scale = g_ref[...] * jax.lax.rsqrt(jnp.float32(1.0 + BN_EPS))
    o_ref[...] = jnp.maximum(z * scale + bt_ref[...], 0.0)


def _layer(x, p0, p1, W, b, gamma, beta):
    return pl.pallas_call(
        _layer_body,
        grid=(N // ROW_BLK,),
        in_specs=[
            pl.BlockSpec((ROW_BLK, H), lambda i: (i, 0)),
            pl.BlockSpec((ROW_BLK, H), lambda i: (i, 0)),
            pl.BlockSpec((ROW_BLK, H), lambda i: (i, 0)),
            pl.BlockSpec((H, H), lambda i: (0, 0)),
            pl.BlockSpec((1, H), lambda i: (0, 0)),
            pl.BlockSpec((1, H), lambda i: (0, 0)),
            pl.BlockSpec((1, H), lambda i: (0, 0)),
        ],
        out_specs=pl.BlockSpec((ROW_BLK, H), lambda i: (i, 0)),
        out_shape=jax.ShapeDtypeStruct((N, H), jnp.float32),
    )(x, p0, p1, W, b.reshape(1, H), gamma.reshape(1, H), beta.reshape(1, H))


def _final_body(x_ref, p0_ref, p1_ref, w_ref, b_ref, g_ref, bt_ref,
                wr_ref, br_ref, o_ref):
    y = (x_ref[...]
         + p0_ref[...].astype(jnp.float32)
         + p1_ref[...].astype(jnp.float32))
    z = jnp.dot(y, w_ref[...], preferred_element_type=jnp.float32) + b_ref[...]
    scale = g_ref[...] * jax.lax.rsqrt(jnp.float32(1.0 + BN_EPS))
    a = jnp.maximum(z * scale + bt_ref[...], 0.0)
    logits = (
        jnp.dot(a, wr_ref[...], preferred_element_type=jnp.float32)
        + br_ref[...]
    )
    m = jnp.max(logits, axis=1, keepdims=True)
    sh = logits - m
    lse = jnp.log(jnp.sum(jnp.exp(sh), axis=1, keepdims=True))
    o_ref[...] = sh - lse


def _final(x, p0, p1, W, b, gamma, beta, W_read, b_read):
    return pl.pallas_call(
        _final_body,
        grid=(N // ROW_BLK,),
        in_specs=[
            pl.BlockSpec((ROW_BLK, H), lambda i: (i, 0)),
            pl.BlockSpec((ROW_BLK, H), lambda i: (i, 0)),
            pl.BlockSpec((ROW_BLK, H), lambda i: (i, 0)),
            pl.BlockSpec((H, H), lambda i: (0, 0)),
            pl.BlockSpec((1, H), lambda i: (0, 0)),
            pl.BlockSpec((1, H), lambda i: (0, 0)),
            pl.BlockSpec((1, H), lambda i: (0, 0)),
            pl.BlockSpec((H, C), lambda i: (0, 0)),
            pl.BlockSpec((1, C), lambda i: (0, 0)),
        ],
        out_specs=pl.BlockSpec((ROW_BLK, C), lambda i: (i, 0)),
        out_shape=jax.ShapeDtypeStruct((N, C), jnp.float32),
    )(x, p0, p1, W, b.reshape(1, H), gamma.reshape(1, H), beta.reshape(1, H),
      W_read, b_read.reshape(1, C))


def kernel(h, edge_index, W_embed, b_embed, W0, b0, gamma0, beta0,
           W1, b1, gamma1, beta1, W_read, b_read):
    zeros_blk = jnp.zeros((ZROWS, H), jnp.bfloat16)

    x = _embed(h, W_embed, b_embed)
    a0, a1 = _sc_agg(edge_index, x.astype(jnp.bfloat16), zeros_blk)
    x = _layer(x, a0, a1, W0, b0, gamma0, beta0)
    a0, a1 = _sc_agg(edge_index, x.astype(jnp.bfloat16), zeros_blk)
    return _final(x, a0, a1, W1, b1, gamma1, beta1, W_read, b_read)

# --- scband reference (transcript-rebuilt; emitter-appended) ---
"""Pipeline reference for scband-gin-dgl-58110907515583 (READ-ONLY COPY).

The authoritative reference and input builder live on the scoring server;
editing this copy changes nothing except your own understanding.
"""

import jax, jax.numpy as jnp
import numpy as np

N = 10000
E = 320000
D_IN = 128
H = 96
C = 64
BN_EPS = 1e-5

def setup_inputs(seed: int = 0):
    key = jax.random.key(seed)
    ks = jax.random.split(key, 8)
    inp = {}
    inp["h"] = jax.random.normal(ks[0], (N, D_IN), dtype=jnp.float32)
    inp["edge_index"] = jax.random.randint(ks[1], (2, E), 0, N, dtype=jnp.int32)
    inp["W_embed"] = jax.random.normal(ks[2], (D_IN, H), dtype=jnp.float32) / np.sqrt(D_IN)
    inp["b_embed"] = jnp.zeros((H,), dtype=jnp.float32)
    inp["W0"] = jax.random.normal(ks[3], (H, H), dtype=jnp.float32) / np.sqrt(H)
    inp["b0"] = jnp.zeros((H,), dtype=jnp.float32)
    inp["gamma0"] = jnp.ones((H,), dtype=jnp.float32)
    inp["beta0"] = jnp.zeros((H,), dtype=jnp.float32)
    inp["W1"] = jax.random.normal(ks[4], (H, H), dtype=jnp.float32) / np.sqrt(H)
    inp["b1"] = jnp.zeros((H,), dtype=jnp.float32)
    inp["gamma1"] = jnp.ones((H,), dtype=jnp.float32)
    inp["beta1"] = jnp.zeros((H,), dtype=jnp.float32)
    inp["W_read"] = jax.random.normal(ks[5], (H, C), dtype=jnp.float32) / np.sqrt(H)
    inp["b_read"] = jnp.zeros((C,), dtype=jnp.float32)
    return inp

def _bn_eval(x, gamma, beta):
    # eval-mode BatchNorm1d with running_mean=0, running_var=1
    return x * (gamma / jnp.sqrt(1.0 + BN_EPS)) + beta

def reference(h, edge_index, W_embed, b_embed, W0, b0, gamma0, beta0, W1, b1, gamma1, beta1, W_read, b_read):
    src = edge_index[0]
    dst = edge_index[1]
    # embedding_h
    x = h @ W_embed + b_embed
    # two GIN layers: GINConv(eps=0, sum-aggregation) + ApplyNodeFunc(MLP(1 layer) -> BN -> ReLU)
    for (W, b, g, bt) in ((W0, b0, gamma0, beta0), (W1, b1, gamma1, beta1)):
        agg = jnp.zeros_like(x).at[dst].add(x[src])  # scatter-add: sum over in-neighbors
        x = x + agg                                   # (1 + eps) * h + sum_neigh, eps = 0
        x = x @ W + b                                 # MLP with num_layers=1 -> single Linear
        x = _bn_eval(x, g, bt)
        x = jax.nn.relu(x)
        # dropout is identity in eval mode
    logits = x @ W_read + b_read                      # readout
    return jax.nn.log_softmax(logits, axis=1)

if __name__ == "__main__":
    import jax
    _d = setup_inputs()
    print(jax.jit(kernel)(*tuple(_d.values())))

</pallas_src>

<mosaic_0001>
#map = affine_map<(d0, d1) -> (0, 0)>
module attributes {stable_mosaic.version = 14 : i64} {
  func.func @_sc_agg(%arg0: i32, %arg1: i32, %arg2: memref<2x320000xi32, #tpu.memory_space<hbm>>, %arg3: memref<10000x96xbf16, #tpu.memory_space<hbm>>, %arg4: memref<640x96xbf16, #tpu.memory_space<hbm>>, %arg5: memref<10240x96xbf16, #tpu.memory_space<hbm>>, %arg6: memref<10240x96xbf16, #tpu.memory_space<hbm>>, %arg7: memref<10000xi32, #tpu.memory_space<vmem>>, %arg8: memref<10000xi32, #tpu.memory_space<vmem>>, %arg9: memref<128x96xbf16, #tpu.memory_space<vmem>>, %arg10: memref<128x96xbf16, #tpu.memory_space<vmem>>, %arg11: memref<128x96xbf16, #tpu.memory_space<vmem>>, %arg12: memref<128x96xbf16, #tpu.memory_space<vmem>>, %arg13: memref<128x96xbf16, #tpu.memory_space<vmem>>, %arg14: memref<128x96xbf16, #tpu.memory_space<vmem>>, %arg15: memref<128x96xbf16, #tpu.memory_space<vmem>>, %arg16: memref<128x96xbf16, #tpu.memory_space<vmem>>, %arg17: memref<16x96xbf16, #tpu.memory_space<vmem>>, %arg18: memref<10240x96xbf16, #tpu.memory_space<vmem_shared>>, %arg19: memref<!tpu.dma_semaphore, #tpu.memory_space<semaphore_mem>>, %arg20: memref<!tpu.dma_semaphore, #tpu.memory_space<semaphore_mem>>, %arg21: memref<!tpu.dma_semaphore, #tpu.memory_space<semaphore_mem>>, %arg22: memref<!tpu.dma_semaphore, #tpu.memory_space<semaphore_mem>>, %arg23: memref<!tpu.dma_semaphore, #tpu.memory_space<semaphore_mem>>, %arg24: memref<!tpu.dma_semaphore, #tpu.memory_space<semaphore_mem>>, %arg25: memref<!tpu.dma_semaphore, #tpu.memory_space<semaphore_mem>>, %arg26: memref<!tpu.dma_semaphore, #tpu.memory_space<semaphore_mem>>, %arg27: memref<!tpu.dma_semaphore, #tpu.memory_space<semaphore_mem>>, %arg28: memref<!tpu.dma_semaphore, #tpu.memory_space<semaphore_mem>>, %arg29: memref<!tpu.dma_semaphore, #tpu.memory_space<semaphore_mem>>, %arg30: memref<!tpu.dma_semaphore, #tpu.memory_space<semaphore_mem>>, %arg31: memref<!tpu.dma_semaphore, #tpu.memory_space<semaphore_mem>>, %arg32: memref<!tpu.dma_semaphore, #tpu.memory_space<semaphore_mem>>, %arg33: memref<!tpu.dma_semaphore, #tpu.memory_space<semaphore_mem>>, %arg34: memref<!tpu.dma_semaphore, #tpu.memory_space<semaphore_mem>>, %arg35: memref<!tpu.dma_semaphore, #tpu.memory_space<semaphore_mem>>) attributes {dimension_semantics = [#tpu.dimension_semantics<core_parallel>, #tpu.dimension_semantics<subcore_parallel>], iteration_bounds = array<i64: 2, 16>, scalar_prefetch = 0 : i64, scratch_operands = 29 : i64, tpu.core_type = #tpu.core_type<sc_vector_subcore>, window_params = [{transform_indices = #map}, {transform_indices = #map}, {transform_indices = #map}, {transform_indices = #map}, {transform_indices = #map}]} {
    %mul3A = arith.constant 2 : i32
    %mul3A_0 = arith.muli %arg1, %mul3A : i32
    %add3A = arith.addi %mul3A_0, %arg0 : i32
    %mul3A_1 = arith.constant 10000 : i32
    %mul3A_2 = arith.muli %add3A, %mul3A_1 : i32
    %mul3A_3 = arith.constant 640 : i32
    %mul3A_4 = arith.muli %arg1, %mul3A_3 : i32
    %dma_start3A = arith.constant 0 : i32
    %dma_start3A_5 = tpu.memref_slice %arg18[%mul3A_4, %dma_start3A] : memref<10240x96xbf16, #tpu.memory_space<vmem_shared>> -> memref<640x96xbf16, #tpu.memory_space<vmem_shared>>
    tpu.enqueue_dma source(%arg4 : memref<640x96xbf16, #tpu.memory_space<hbm>>) target(%dma_start3A_5 : memref<640x96xbf16, #tpu.memory_space<vmem_shared>>) target_semaphore(%arg35 : memref<!tpu.dma_semaphore, #tpu.memory_space<semaphore_mem>>)
    %dma_start3A_6 = arith.constant 0 : i32
    %dma_start3A_7 = tpu.memref_slice %arg2[%dma_start3A_6, %mul3A_2] : memref<2x320000xi32, #tpu.memory_space<hbm>> -> memref<1x10000xi32, #tpu.memory_space<hbm>>
    %dma_start3A_8 = tpu.memref_squeeze %dma_start3A_7 : memref<1x10000xi32, #tpu.memory_space<hbm>> -> memref<10000xi32, #tpu.memory_space<hbm>>
    %dma_start3A_9 = tpu.memref_slice %arg2[%dma_start3A_6, %mul3A_2] : memref<2x320000xi32, #tpu.memory_space<hbm>> -> memref<1x10000xi32, #tpu.memory_space<hbm>>
    %dma_start3A_10 = tpu.memref_squeeze %dma_start3A_9 : memref<1x10000xi32, #tpu.memory_space<hbm>> -> memref<10000xi32, #tpu.memory_space<hbm>>
    tpu.enqueue_dma source(%dma_start3A_10 : memref<10000xi32, #tpu.memory_space<hbm>>) target(%arg7 : memref<10000xi32, #tpu.memory_space<vmem>>) target_semaphore(%arg19 : memref<!tpu.dma_semaphore, #tpu.memory_space<semaphore_mem>>)
    %dma_start3A_11 = arith.constant 1 : i32
    %dma_start3A_12 = tpu.memref_slice %arg2[%dma_start3A_11, %mul3A_2] : memref<2x320000xi32, #tpu.memory_space<hbm>> -> memref<1x10000xi32, #tpu.memory_space<hbm>>
    %dma_start3A_13 = tpu.memref_squeeze %dma_start3A_12 : memref<1x10000xi32, #tpu.memory_space<hbm>> -> memref<10000xi32, #tpu.memory_space<hbm>>
    %dma_start3A_14 = tpu.memref_slice %arg2[%dma_start3A_11, %mul3A_2] : memref<2x320000xi32, #tpu.memory_space<hbm>> -> memref<1x10000xi32, #tpu.memory_space<hbm>>
    %dma_start3A_15 = tpu.memref_squeeze %dma_start3A_14 : memref<1x10000xi32, #tpu.memory_space<hbm>> -> memref<10000xi32, #tpu.memory_space<hbm>>
    tpu.enqueue_dma source(%dma_start3A_15 : memref<10000xi32, #tpu.memory_space<hbm>>) target(%arg8 : memref<10000xi32, #tpu.memory_space<vmem>>) target_semaphore(%arg20 : memref<!tpu.dma_semaphore, #tpu.memory_space<semaphore_mem>>)
    %dma_wait3A = arith.constant 0 : i32
    %dma_wait3A_16 = tpu.memref_slice %arg2[%dma_wait3A, %mul3A_2] : memref<2x320000xi32, #tpu.memory_space<hbm>> -> memref<1x10000xi32, #tpu.memory_space<hbm>>
    %dma_wait3A_17 = tpu.memref_squeeze %dma_wait3A_16 : memref<1x10000xi32, #tpu.memory_space<hbm>> -> memref<10000xi32, #tpu.memory_space<hbm>>
    %dma_wait3A_18 = tpu.memref_slice %arg2[%dma_wait3A, %mul3A_2] : memref<2x320000xi32, #tpu.memory_space<hbm>> -> memref<1x10000xi32, #tpu.memory_space<hbm>>
    %dma_wait3A_19 = tpu.memref_squeeze %dma_wait3A_18 : memref<1x10000xi32, #tpu.memory_space<hbm>> -> memref<10000xi32, #tpu.memory_space<hbm>>
    tpu.wait_dma2 semaphore(%arg19 : memref<!tpu.dma_semaphore, #tpu.memory_space<semaphore_mem>>) src(%dma_wait3A_19 : memref<10000xi32, #tpu.memory_space<hbm>>) dst(%arg7 : memref<10000xi32, #tpu.memory_space<vmem>>)
    %dma_wait3A_20 = arith.constant 1 : i32
    %dma_wait3A_21 = tpu.memref_slice %arg2[%dma_wait3A_20, %mul3A_2] : memref<2x320000xi32, #tpu.memory_space<hbm>> -> memref<1x10000xi32, #tpu.memory_space<hbm>>
    %dma_wait3A_22 = tpu.memref_squeeze %dma_wait3A_21 : memref<1x10000xi32, #tpu.memory_space<hbm>> -> memref<10000xi32, #tpu.memory_space<hbm>>
    %dma_wait3A_23 = tpu.memref_slice %arg2[%dma_wait3A_20, %mul3A_2] : memref<2x320000xi32, #tpu.memory_space<hbm>> -> memref<1x10000xi32, #tpu.memory_space<hbm>>
    %dma_wait3A_24 = tpu.memref_squeeze %dma_wait3A_23 : memref<1x10000xi32, #tpu.memory_space<hbm>> -> memref<10000xi32, #tpu.memory_space<hbm>>
    tpu.wait_dma2 semaphore(%arg20 : memref<!tpu.dma_semaphore, #tpu.memory_space<semaphore_mem>>) src(%dma_wait3A_24 : memref<10000xi32, #tpu.memory_space<hbm>>) dst(%arg8 : memref<10000xi32, #tpu.memory_space<vmem>>)
    %dma_start3A_25 = arith.constant 0 : i32
    %dma_start3A_26 = tpu.memref_slice %arg7[%dma_start3A_25] : memref<10000xi32, #tpu.memory_space<vmem>> -> memref<128xi32, #tpu.memory_space<vmem>>
    %dma_start3A_27 = arith.constant 0 : i32
    %dma_start3A_28 = arith.constant 0 : i32
    %dma_start3A_29 = tpu.memref_slice %arg3[%dma_start3A_27, %dma_start3A_28] : memref<10000x96xbf16, #tpu.memory_space<hbm>> -> memref<10000x96xbf16, #tpu.memory_space<hbm>>
    tpu.enqueue_indirect_dma source(%dma_start3A_29 : memref<10000x96xbf16, #tpu.memory_space<hbm>>) target(%arg9 : memref<128x96xbf16, #tpu.memory_space<vmem>>) offsets(%dma_start3A_26 : memref<128xi32, #tpu.memory_space<vmem>>) semaphore(%arg19 : memref<!tpu.dma_semaphore, #tpu.memory_space<semaphore_mem>>)
    %dma_start3A_30 = arith.constant 128 : i32
    %dma_start3A_31 = tpu.memref_slice %arg7[%dma_start3A_30] : memref<10000xi32, #tpu.memory_space<vmem>> -> memref<128xi32, #tpu.memory_space<vmem>>
    %dma_start3A_32 = arith.constant 0 : i32
    %dma_start3A_33 = arith.constant 0 : i32
    %dma_start3A_34 = tpu.memref_slice %arg3[%dma_start3A_32, %dma_start3A_33] : memref<10000x96xbf16, #tpu.memory_space<hbm>> -> memref<10000x96xbf16, #tpu.memory_space<hbm>>
    tpu.enqueue_indirect_dma source(%dma_start3A_34 : memref<10000x96xbf16, #tpu.memory_space<hbm>>) target(%arg10 : memref<128x96xbf16, #tpu.memory_space<vmem>>) offsets(%dma_start3A_31 : memref<128xi32, #tpu.memory_space<vmem>>) semaphore(%arg20 : memref<!tpu.dma_semaphore, #tpu.memory_space<semaphore_mem>>)
    %dma_start3A_35 = arith.constant 256 : i32
    %dma_start3A_36 = tpu.memref_slice %arg7[%dma_start3A_35] : memref<10000xi32, #tpu.memory_space<vmem>> -> memref<128xi32, #tpu.memory_space<vmem>>
    %dma_start3A_37 = arith.constant 0 : i32
    %dma_start3A_38 = arith.constant 0 : i32
    %dma_start3A_39 = tpu.memref_slice %arg3[%dma_start3A_37, %dma_start3A_38] : memref<10000x96xbf16, #tpu.memory_space<hbm>> -> memref<10000x96xbf16, #tpu.memory_space<hbm>>
    tpu.enqueue_indirect_dma source(%dma_start3A_39 : memref<10000x96xbf16, #tpu.memory_space<hbm>>) target(%arg11 : memref<128x96xbf16, #tpu.memory_space<vmem>>) offsets(%dma_start3A_36 : memref<128xi32, #tpu.memory_space<vmem>>) semaphore(%arg21 : memref<!tpu.dma_semaphore, #tpu.memory_space<semaphore_mem>>)
    %dma_start3A_40 = arith.constant 384 : i32
    %dma_start3A_41 = tpu.memref_slice %arg7[%dma_start3A_40] : memref<10000xi32, #tpu.memory_space<vmem>> -> memref<128xi32, #tpu.memory_space<vmem>>
    %dma_start3A_42 = arith.constant 0 : i32
    %dma_start3A_43 = arith.constant 0 : i32
    %dma_start3A_44 = tpu.memref_slice %arg3[%dma_start3A_42, %dma_start3A_43] : memref<10000x96xbf16, #tpu.memory_space<hbm>> -> memref<10000x96xbf16, #tpu.memory_space<hbm>>
    tpu.enqueue_indirect_dma source(%dma_start3A_44 : memref<10000x96xbf16, #tpu.memory_space<hbm>>) target(%arg12 : memref<128x96xbf16, #tpu.memory_space<vmem>>) offsets(%dma_start3A_41 : memref<128xi32, #tpu.memory_space<vmem>>) semaphore(%arg22 : memref<!tpu.dma_semaphore, #tpu.memory_space<semaphore_mem>>)
    %dma_wait3A_45 = arith.constant 0 : i32
    %dma_wait3A_46 = tpu.memref_slice %arg18[%mul3A_4, %dma_wait3A_45] : memref<10240x96xbf16, #tpu.memory_space<vmem_shared>> -> memref<640x96xbf16, #tpu.memory_space<vmem_shared>>
    tpu.wait_dma2 semaphore(%arg35 : memref<!tpu.dma_semaphore, #tpu.memory_space<semaphore_mem>>) src(%arg4 : memref<640x96xbf16, #tpu.memory_space<hbm>>) dst(%dma_wait3A_46 : memref<640x96xbf16, #tpu.memory_space<vmem_shared>>)
    %barrier3A = arith.constant 0 : index
    tpu.barrier barrier_id(%barrier3A)
    %dma_wait3A_47 = arith.constant 0 : i32
    %dma_wait3A_48 = tpu.memref_slice %arg7[%dma_wait3A_47] : memref<10000xi32, #tpu.memory_space<vmem>> -> memref<128xi32, #tpu.memory_space<vmem>>
    %dma_wait3A_49 = arith.constant 0 : i32
    %dma_wait3A_50 = arith.constant 0 : i32
    %dma_wait3A_51 = tpu.memref_slice %arg3[%dma_wait3A_49, %dma_wait3A_50] : memref<10000x96xbf16, #tpu.memory_space<hbm>> -> memref<10000x96xbf16, #tpu.memory_space<hbm>>
    tpu.wait_indirect_dma semaphore(%arg19 : memref<!tpu.dma_semaphore, #tpu.memory_space<semaphore_mem>>) src(%dma_wait3A_51 : memref<10000x96xbf16, #tpu.memory_space<hbm>>) dst(%arg9 : memref<128x96xbf16, #tpu.memory_space<vmem>>)
    %dma_start3A_52 = arith.constant 0 : i32
    %dma_start3A_53 = tpu.memref_slice %arg8[%dma_start3A_52] : memref<10000xi32, #tpu.memory_space<vmem>> -> memref<128xi32, #tpu.memory_space<vmem>>
    %dma_start3A_54 = arith.constant 0 : i32
    %dma_start3A_55 = arith.constant 0 : i32
    %dma_start3A_56 = tpu.memref_slice %arg18[%dma_start3A_54, %dma_start3A_55] : memref<10240x96xbf16, #tpu.memory_space<vmem_shared>> -> memref<10240x96xbf16, #tpu.memory_space<vmem_shared>>
    tpu.enqueue_indirect_dma source(%arg9 : memref<128x96xbf16, #tpu.memory_space<vmem>>) target(%dma_start3A_56 : memref<10240x96xbf16, #tpu.memory_space<vmem_shared>>) offsets(%dma_start3A_53 : memref<128xi32, #tpu.memory_space<vmem>>) semaphore(%arg27 : memref<!tpu.dma_semaphore, #tpu.memory_space<semaphore_mem>>) {add = true}
    %dma_start3A_57 = arith.constant 512 : i32
    %dma_start3A_58 = tpu.memref_slice %arg7[%dma_start3A_57] : memref<10000xi32, #tpu.memory_space<vmem>> -> memref<128xi32, #tpu.memory_space<vmem>>
    %dma_start3A_59 = arith.constant 0 : i32
    %dma_start3A_60 = arith.constant 0 : i32
    %dma_start3A_61 = tpu.memref_slice %arg3[%dma_start3A_59, %dma_start3A_60] : memref<10000x96xbf16, #tpu.memory_space<hbm>> -> memref<10000x96xbf16, #tpu.memory_space<hbm>>
    tpu.enqueue_indirect_dma source(%dma_start3A_61 : memref<10000x96xbf16, #tpu.memory_space<hbm>>) target(%arg13 : memref<128x96xbf16, #tpu.memory_space<vmem>>) offsets(%dma_start3A_58 : memref<128xi32, #tpu.memory_space<vmem>>) semaphore(%arg23 : memref<!tpu.dma_semaphore, #tpu.memory_space<semaphore_mem>>)
    %dma_wait3A_62 = arith.constant 0 : i32
    %dma_wait3A_63 = tpu.memref_slice %arg7[%dma_wait3A_62] : memref<10000xi32, #tpu.memory_space<vmem>> -> memref<128xi32, #tpu.memory_space<vmem>>
    %dma_wait3A_64 = arith.constant 0 : i32
    %dma_wait3A_65 = arith.constant 0 : i32
    %dma_wait3A_66 = tpu.memref_slice %arg3[%dma_wait3A_64, %dma_wait3A_65] : memref<10000x96xbf16, #tpu.memory_space<hbm>> -> memref<10000x96xbf16, #tpu.memory_space<hbm>>
    tpu.wait_indirect_dma semaphore(%arg20 : memref<!tpu.dma_semaphore, #tpu.memory_space<semaphore_mem>>) src(%dma_wait3A_66 : memref<10000x96xbf16, #tpu.memory_space<hbm>>) dst(%arg10 : memref<128x96xbf16, #tpu.memory_space<vmem>>)
    %dma_start3A_67 = arith.constant 128 : i32
    %dma_start3A_68 = tpu.memref_slice %arg8[%dma_start3A_67] : memref<10000xi32, #tpu.memory_space<vmem>> -> memref<128xi32, #tpu.memory_space<vmem>>
    %dma_start3A_69 = arith.constant 0 : i32
    %dma_start3A_70 = arith.constant 0 : i32
    %dma_start3A_71 = tpu.memref_slice %arg18[%dma_start3A_69, %dma_start3A_70] : memref<10240x96xbf16, #tpu.memory_space<vmem_shared>> -> memref<10240x96xbf16, #tpu.memory_space<vmem_shared>>
    tpu.enqueue_indirect_dma source(%arg10 : memref<128x96xbf16, #tpu.memory_space<vmem>>) target(%dma_start3A_71 : memref<10240x96xbf16, #tpu.memory_space<vmem_shared>>) offsets(%dma_start3A_68 : memref<128xi32, #tpu.memory_space<vmem>>) semaphore(%arg28 : memref<!tpu.dma_semaphore, #tpu.memory_space<semaphore_mem>>) {add = true}
    %dma_start3A_72 = arith.constant 640 : i32
    %dma_start3A_73 = tpu.memref_slice %arg7[%dma_start3A_72] : memref<10000xi32, #tpu.memory_space<vmem>> -> memref<128xi32, #tpu.memory_space<vmem>>
    %dma_start3A_74 = arith.constant 0 : i32
    %dma_start3A_75 = arith.constant 0 : i32
    %dma_start3A_76 = tpu.memref_slice %arg3[%dma_start3A_74, %dma_start3A_75] : memref<10000x96xbf16, #tpu.memory_space<hbm>> -> memref<10000x96xbf16, #tpu.memory_space<hbm>>
    tpu.enqueue_indirect_dma source(%dma_start3A_76 : memref<10000x96xbf16, #tpu.memory_space<hbm>>) target(%arg14 : memref<128x96xbf16, #tpu.memory_space<vmem>>) offsets(%dma_start3A_73 : memref<128xi32, #tpu.memory_space<vmem>>) semaphore(%arg24 : memref<!tpu.dma_semaphore, #tpu.memory_space<semaphore_mem>>)
    %dma_wait3A_77 = arith.constant 0 : i32
    %dma_wait3A_78 = tpu.memref_slice %arg7[%dma_wait3A_77] : memref<10000xi32, #tpu.memory_space<vmem>> -> memref<128xi32, #tpu.memory_space<vmem>>
    %dma_wait3A_79 = arith.constant 0 : i32
    %dma_wait3A_80 = arith.constant 0 : i32
    %dma_wait3A_81 = tpu.memref_slice %arg3[%dma_wait3A_79, %dma_wait3A_80] : memref<10000x96xbf16, #tpu.memory_space<hbm>> -> memref<10000x96xbf16, #tpu.memory_space<hbm>>
    tpu.wait_indirect_dma semaphore(%arg21 : memref<!tpu.dma_semaphore, #tpu.memory_space<semaphore_mem>>) src(%dma_wait3A_81 : memref<10000x96xbf16, #tpu.memory_space<hbm>>) dst(%arg11 : memref<128x96xbf16, #tpu.memory_space<vmem>>)
    %dma_start3A_82 = arith.constant 256 : i32
    %dma_start3A_83 = tpu.memref_slice %arg8[%dma_start3A_82] : memref<10000xi32, #tpu.memory_space<vmem>> -> memref<128xi32, #tpu.memory_space<vmem>>
    %dma_start3A_84 = arith.constant 0 : i32
    %dma_start3A_85 = arith.constant 0 : i32
    %dma_start3A_86 = tpu.memref_slice %arg18[%dma_start3A_84, %dma_start3A_85] : memref<10240x96xbf16, #tpu.memory_space<vmem_shared>> -> memref<10240x96xbf16, #tpu.memory_space<vmem_shared>>
    tpu.enqueue_indirect_dma source(%arg11 : memref<128x96xbf16, #tpu.memory_space<vmem>>) target(%dma_start3A_86 : memref<10240x96xbf16, #tpu.memory_space<vmem_shared>>) offsets(%dma_start3A_83 : memref<128xi32, #tpu.memory_space<vmem>>) semaphore(%arg29 : memref<!tpu.dma_semaphore, #tpu.memory_space<semaphore_mem>>) {add = true}
    %dma_start3A_87 = arith.constant 768 : i32
    %dma_start3A_88 = tpu.memref_slice %arg7[%dma_start3A_87] : memref<10000xi32, #tpu.memory_space<vmem>> -> memref<128xi32, #tpu.memory_space<vmem>>
    %dma_start3A_89 = arith.constant 0 : i32
    %dma_start3A_90 = arith.constant 0 : i32
    %dma_start3A_91 = tpu.memref_slice %arg3[%dma_start3A_89, %dma_start3A_90] : memref<10000x96xbf16, #tpu.memory_space<hbm>> -> memref<10000x96xbf16, #tpu.memory_space<hbm>>
    tpu.enqueue_indirect_dma source(%dma_start3A_91 : memref<10000x96xbf16, #tpu.memory_space<hbm>>) target(%arg15 : memref<128x96xbf16, #tpu.memory_space<vmem>>) offsets(%dma_start3A_88 : memref<128xi32, #tpu.memory_space<vmem>>) semaphore(%arg25 : memref<!tpu.dma_semaphore, #tpu.memory_space<semaphore_mem>>)
    %dma_wait3A_92 = arith.constant 0 : i32
    %dma_wait3A_93 = tpu.memref_slice %arg7[%dma_wait3A_92] : memref<10000xi32, #tpu.memory_space<vmem>> -> memref<128xi32, #tpu.memory_space<vmem>>
    %dma_wait3A_94 = arith.constant 0 : i32
    %dma_wait3A_95 = arith.constant 0 : i32
    %dma_wait3A_96 = tpu.memref_slice %arg3[%dma_wait3A_94, %dma_wait3A_95] : memref<10000x96xbf16, #tpu.memory_space<hbm>> -> memref<10000x96xbf16, #tpu.memory_space<hbm>>
    tpu.wait_indirect_dma semaphore(%arg22 : memref<!tpu.dma_semaphore, #tpu.memory_space<semaphore_mem>>) src(%dma_wait3A_96 : memref<10000x96xbf16, #tpu.memory_space<hbm>>) dst(%arg12 : memref<128x96xbf16, #tpu.memory_space<vmem>>)
    %dma_start3A_97 = arith.constant 384 : i32
    %dma_start3A_98 = tpu.memref_slice %arg8[%dma_start3A_97] : memref<10000xi32, #tpu.memory_space<vmem>> -> memref<128xi32, #tpu.memory_space<vmem>>
    %dma_start3A_99 = arith.constant 0 : i32
    %dma_start3A_100 = arith.constant 0 : i32
    %dma_start3A_101 = tpu.memref_slice %arg18[%dma_start3A_99, %dma_start3A_100] : memref<10240x96xbf16, #tpu.memory_space<vmem_shared>> -> memref<10240x96xbf16, #tpu.memory_space<vmem_shared>>
    tpu.enqueue_indirect_dma source(%arg12 : memref<128x96xbf16, #tpu.memory_space<vmem>>) target(%dma_start3A_101 : memref<10240x96xbf16, #tpu.memory_space<vmem_shared>>) offsets(%dma_start3A_98 : memref<128xi32, #tpu.memory_space<vmem>>) semaphore(%arg30 : memref<!tpu.dma_semaphore, #tpu.memory_space<semaphore_mem>>) {add = true}
    %dma_start3A_102 = arith.constant 896 : i32
    %dma_start3A_103 = tpu.memref_slice %arg7[%dma_start3A_102] : memref<10000xi32, #tpu.memory_space<vmem>> -> memref<128xi32, #tpu.memory_space<vmem>>
    %dma_start3A_104 = arith.constant 0 : i32
    %dma_start3A_105 = arith.constant 0 : i32
    %dma_start3A_106 = tpu.memref_slice %arg3[%dma_start3A_104, %dma_start3A_105] : memref<10000x96xbf16, #tpu.memory_space<hbm>> -> memref<10000x96xbf16, #tpu.memory_space<hbm>>
    tpu.enqueue_indirect_dma source(%dma_start3A_106 : memref<10000x96xbf16, #tpu.memory_space<hbm>>) target(%arg16 : memref<128x96xbf16, #tpu.memory_space<vmem>>) offsets(%dma_start3A_103 : memref<128xi32, #tpu.memory_space<vmem>>) semaphore(%arg26 : memref<!tpu.dma_semaphore, #tpu.memory_space<semaphore_mem>>)
    %scan3A = arith.constant 0 : i32
    %scan3A_107 = arith.constant 0 : i32
    %scan3A_108 = arith.constant 8 : i32
    %scan3A_109 = arith.addi %scan3A_107, %scan3A_108 : i32
    %scan3A_110 = arith.constant 1 : i32
    scf.for %scan3A_330 = %scan3A_107 to %scan3A_109 step %scan3A_110  : i32 {
      %mul3A_331 = arith.constant 8 : i32
      %mul3A_332 = arith.muli %mul3A_331, %scan3A_330 : i32
      %add3A_333 = arith.constant 4 : i32
      %add3A_334 = arith.addi %add3A_333, %mul3A_332 : i32
      %add3A_335 = arith.constant 0 : i32
      %add3A_336 = arith.addi %add3A_334, %add3A_335 : i32
      %dma_wait3A_337 = arith.constant 0 : i32
      %dma_wait3A_338 = tpu.memref_slice %arg7[%dma_wait3A_337] : memref<10000xi32, #tpu.memory_space<vmem>> -> memref<128xi32, #tpu.memory_space<vmem>>
      %dma_wait3A_339 = arith.constant 0 : i32
      %dma_wait3A_340 = arith.constant 0 : i32
      %dma_wait3A_341 = tpu.memref_slice %arg3[%dma_wait3A_339, %dma_wait3A_340] : memref<10000x96xbf16, #tpu.memory_space<hbm>> -> memref<10000x96xbf16, #tpu.memory_space<hbm>>
      tpu.wait_indirect_dma semaphore(%arg23 : memref<!tpu.dma_semaphore, #tpu.memory_space<semaphore_mem>>) src(%dma_wait3A_341 : memref<10000x96xbf16, #tpu.memory_space<hbm>>) dst(%arg13 : memref<128x96xbf16, #tpu.memory_space<vmem>>)
      %mul3A_342 = arith.constant 128 : i32
      %mul3A_343 = arith.muli %add3A_336, %mul3A_342 : i32
      %dma_start3A_344 = tpu.memref_slice %arg8[%mul3A_343] : memref<10000xi32, #tpu.memory_space<vmem>> -> memref<128xi32, #tpu.memory_space<vmem>>
      %dma_start3A_345 = arith.constant 0 : i32
      %dma_start3A_346 = arith.constant 0 : i32
      %dma_start3A_347 = tpu.memref_slice %arg18[%dma_start3A_345, %dma_start3A_346] : memref<10240x96xbf16, #tpu.memory_space<vmem_shared>> -> memref<10240x96xbf16, #tpu.memory_space<vmem_shared>>
      tpu.enqueue_indirect_dma source(%arg13 : memref<128x96xbf16, #tpu.memory_space<vmem>>) target(%dma_start3A_347 : memref<10240x96xbf16, #tpu.memory_space<vmem_shared>>) offsets(%dma_start3A_344 : memref<128xi32, #tpu.memory_space<vmem>>) semaphore(%arg31 : memref<!tpu.dma_semaphore, #tpu.memory_space<semaphore_mem>>) {add = true}
      %dma_wait3A_348 = arith.constant 0 : i32
      %dma_wait3A_349 = tpu.memref_slice %arg8[%dma_wait3A_348] : memref<10000xi32, #tpu.memory_space<vmem>> -> memref<128xi32, #tpu.memory_space<vmem>>
      %dma_wait3A_350 = arith.constant 0 : i32
      %dma_wait3A_351 = arith.constant 0 : i32
      %dma_wait3A_352 = tpu.memref_slice %arg18[%dma_wait3A_350, %dma_wait3A_351] : memref<10240x96xbf16, #tpu.memory_space<vmem_shared>> -> memref<10240x96xbf16, #tpu.memory_space<vmem_shared>>
      tpu.wait_indirect_dma semaphore(%arg27 : memref<!tpu.dma_semaphore, #tpu.memory_space<semaphore_mem>>) src(%arg9 : memref<128x96xbf16, #tpu.memory_space<vmem>>) dst(%dma_wait3A_352 : memref<10240x96xbf16, #tpu.memory_space<vmem_shared>>)
      %add3A_353 = arith.constant 4 : i32
      %add3A_354 = arith.addi %add3A_336, %add3A_353 : i32
      %mul3A_355 = arith.constant 128 : i32
      %mul3A_356 = arith.muli %add3A_354, %mul3A_355 : i32
      %dma_start3A_357 = tpu.memref_slice %arg7[%mul3A_356] : memref<10000xi32, #tpu.memory_space<vmem>> -> memref<128xi32, #tpu.memory_space<vmem>>
      %dma_start3A_358 = arith.constant 0 : i32
      %dma_start3A_359 = arith.constant 0 : i32
      %dma_start3A_360 = tpu.memref_slice %arg3[%dma_start3A_358, %dma_start3A_359] : memref<10000x96xbf16, #tpu.memory_space<hbm>> -> memref<10000x96xbf16, #tpu.memory_space<hbm>>
      tpu.enqueue_indirect_dma source(%dma_start3A_360 : memref<10000x96xbf16, #tpu.memory_space<hbm>>) target(%arg9 : memref<128x96xbf16, #tpu.memory_space<vmem>>) offsets(%dma_start3A_357 : memref<128xi32, #tpu.memory_space<vmem>>) semaphore(%arg19 : memref<!tpu.dma_semaphore, #tpu.memory_space<semaphore_mem>>)
      %mul3A_361 = arith.constant 8 : i32
      %mul3A_362 = arith.muli %mul3A_361, %scan3A_330 : i32
      %add3A_363 = arith.constant 4 : i32
      %add3A_364 = arith.addi %add3A_363, %mul3A_362 : i32
      %add3A_365 = arith.constant 1 : i32
      %add3A_366 = arith.addi %add3A_364, %add3A_365 : i32
      %dma_wait3A_367 = arith.constant 0 : i32
      %dma_wait3A_368 = tpu.memref_slice %arg7[%dma_wait3A_367] : memref<10000xi32, #tpu.memory_space<vmem>> -> memref<128xi32, #tpu.memory_space<vmem>>
      %dma_wait3A_369 = arith.constant 0 : i32
      %dma_wait3A_370 = arith.constant 0 : i32
      %dma_wait3A_371 = tpu.memref_slice %arg3[%dma_wait3A_369, %dma_wait3A_370] : memref<10000x96xbf16, #tpu.memory_space<hbm>> -> memref<10000x96xbf16, #tpu.memory_space<hbm>>
      tpu.wait_indirect_dma semaphore(%arg24 : memref<!tpu.dma_semaphore, #tpu.memory_space<semaphore_mem>>) src(%dma_wait3A_371 : memref<10000x96xbf16, #tpu.memory_space<hbm>>) dst(%arg14 : memref<128x96xbf16, #tpu.memory_space<vmem>>)
      %mul3A_372 = arith.constant 128 : i32
      %mul3A_373 = arith.muli %add3A_366, %mul3A_372 : i32
      %dma_start3A_374 = tpu.memref_slice %arg8[%mul3A_373] : memref<10000xi32, #tpu.memory_space<vmem>> -> memref<128xi32, #tpu.memory_space<vmem>>
      %dma_start3A_375 = arith.constant 0 : i32
      %dma_start3A_376 = arith.constant 0 : i32
      %dma_start3A_377 = tpu.memref_slice %arg18[%dma_start3A_375, %dma_start3A_376] : memref<10240x96xbf16, #tpu.memory_space<vmem_shared>> -> memref<10240x96xbf16, #tpu.memory_space<vmem_shared>>
      tpu.enqueue_indirect_dma source(%arg14 : memref<128x96xbf16, #tpu.memory_space<vmem>>) target(%dma_start3A_377 : memref<10240x96xbf16, #tpu.memory_space<vmem_shared>>) offsets(%dma_start3A_374 : memref<128xi32, #tpu.memory_space<vmem>>) semaphore(%arg32 : memref<!tpu.dma_semaphore, #tpu.memory_space<semaphore_mem>>) {add = true}
      %dma_wait3A_378 = arith.constant 0 : i32
      %dma_wait3A_379 = tpu.memref_slice %arg8[%dma_wait3A_378] : memref<10000xi32, #tpu.memory_space<vmem>> -> memref<128xi32, #tpu.memory_space<vmem>>
      %dma_wait3A_380 = arith.constant 0 : i32
      %dma_wait3A_381 = arith.constant 0 : i32
      %dma_wait3A_382 = tpu.memref_slice %arg18[%dma_wait3A_380, %dma_wait3A_381] : memref<10240x96xbf16, #tpu.memory_space<vmem_shared>> -> memref<10240x96xbf16, #tpu.memory_space<vmem_shared>>
      tpu.wait_indirect_dma semaphore(%arg28 : memref<!tpu.dma_semaphore, #tpu.memory_space<semaphore_mem>>) src(%arg10 : memref<128x96xbf16, #tpu.memory_space<vmem>>) dst(%dma_wait3A_382 : memref<10240x96xbf16, #tpu.memory_space<vmem_shared>>)
      %add3A_383 = arith.constant 4 : i32
      %add3A_384 = arith.addi %add3A_366, %add3A_383 : i32
      %mul3A_385 = arith.constant 128 : i32
      %mul3A_386 = arith.muli %add3A_384, %mul3A_385 : i32
      %dma_start3A_387 = tpu.memref_slice %arg7[%mul3A_386] : memref<10000xi32, #tpu.memory_space<vmem>> -> memref<128xi32, #tpu.memory_space<vmem>>
      %dma_start3A_388 = arith.constant 0 : i32
      %dma_start3A_389 = arith.constant 0 : i32
      %dma_start3A_390 = tpu.memref_slice %arg3[%dma_start3A_388, %dma_start3A_389] : memref<10000x96xbf16, #tpu.memory_space<hbm>> -> memref<10000x96xbf16, #tpu.memory_space<hbm>>
      tpu.enqueue_indirect_dma source(%dma_start3A_390 : memref<10000x96xbf16, #tpu.memory_space<hbm>>) target(%arg10 : memref<128x96xbf16, #tpu.memory_space<vmem>>) offsets(%dma_start3A_387 : memref<128xi32, #tpu.memory_space<vmem>>) semaphore(%arg20 : memref<!tpu.dma_semaphore, #tpu.memory_space<semaphore_mem>>)
      %mul3A_391 = arith.constant 8 : i32
      %mul3A_392 = arith.muli %mul3A_391, %scan3A_330 : i32
      %add3A_393 = arith.constant 4 : i32
      %add3A_394 = arith.addi %add3A_393, %mul3A_392 : i32
      %add3A_395 = arith.constant 2 : i32
      %add3A_396 = arith.addi %add3A_394, %add3A_395 : i32
      %dma_wait3A_397 = arith.constant 0 : i32
      %dma_wait3A_398 = tpu.memref_slice %arg7[%dma_wait3A_397] : memref<10000xi32, #tpu.memory_space<vmem>> -> memref<128xi32, #tpu.memory_space<vmem>>
      %dma_wait3A_399 = arith.constant 0 : i32
      %dma_wait3A_400 = arith.constant 0 : i32
      %dma_wait3A_401 = tpu.memref_slice %arg3[%dma_wait3A_399, %dma_wait3A_400] : memref<10000x96xbf16, #tpu.memory_space<hbm>> -> memref<10000x96xbf16, #tpu.memory_space<hbm>>
      tpu.wait_indirect_dma semaphore(%arg25 : memref<!tpu.dma_semaphore, #tpu.memory_space<semaphore_mem>>) src(%dma_wait3A_401 : memref<10000x96xbf16, #tpu.memory_space<hbm>>) dst(%arg15 : memref<128x96xbf16, #tpu.memory_space<vmem>>)
      %mul3A_402 = arith.constant 128 : i32
      %mul3A_403 = arith.muli %add3A_396, %mul3A_402 : i32
      %dma_start3A_404 = tpu.memref_slice %arg8[%mul3A_403] : memref<10000xi32, #tpu.memory_space<vmem>> -> memref<128xi32, #tpu.memory_space<vmem>>
      %dma_start3A_405 = arith.constant 0 : i32
      %dma_start3A_406 = arith.constant 0 : i32
      %dma_start3A_407 = tpu.memref_slice %arg18[%dma_start3A_405, %dma_start3A_406] : memref<10240x96xbf16, #tpu.memory_space<vmem_shared>> -> memref<10240x96xbf16, #tpu.memory_space<vmem_shared>>
      tpu.enqueue_indirect_dma source(%arg15 : memref<128x96xbf16, #tpu.memory_space<vmem>>) target(%dma_start3A_407 : memref<10240x96xbf16, #tpu.memory_space<vmem_shared>>) offsets(%dma_start3A_404 : memref<128xi32, #tpu.memory_space<vmem>>) semaphore(%arg33 : memref<!tpu.dma_semaphore, #tpu.memory_space<semaphore_mem>>) {add = true}
      %dma_wait3A_408 = arith.constant 0 : i32
      %dma_wait3A_409 = tpu.memref_slice %arg8[%dma_wait3A_408] : memref<10000xi32, #tpu.memory_space<vmem>> -> memref<128xi32, #tpu.memory_space<vmem>>
      %dma_wait3A_410 = arith.constant 0 : i32
      %dma_wait3A_411 = arith.constant 0 : i32
      %dma_wait3A_412 = tpu.memref_slice %arg18[%dma_wait3A_410, %dma_wait3A_411] : memref<10240x96xbf16, #tpu.memory_space<vmem_shared>> -> memref<10240x96xbf16, #tpu.memory_space<vmem_shared>>
      tpu.wait_indirect_dma semaphore(%arg29 : memref<!tpu.dma_semaphore, #tpu.memory_space<semaphore_mem>>) src(%arg11 : memref<128x96xbf16, #tpu.memory_space<vmem>>) dst(%dma_wait3A_412 : memref<10240x96xbf16, #tpu.memory_space<vmem_shared>>)
      %add3A_413 = arith.constant 4 : i32
      %add3A_414 = arith.addi %add3A_396, %add3A_413 : i32
      %mul3A_415 = arith.constant 128 : i32
      %mul3A_416 = arith.muli %add3A_414, %mul3A_415 : i32
      %dma_start3A_417 = tpu.memref_slice %arg7[%mul3A_416] : memref<10000xi32, #tpu.memory_space<vmem>> -> memref<128xi32, #tpu.memory_space<vmem>>
      %dma_start3A_418 = arith.constant 0 : i32
      %dma_start3A_419 = arith.constant 0 : i32
      %dma_start3A_420 = tpu.memref_slice %arg3[%dma_start3A_418, %dma_start3A_419] : memref<10000x96xbf16, #tpu.memory_space<hbm>> -> memref<10000x96xbf16, #tpu.memory_space<hbm>>
      tpu.enqueue_indirect_dma source(%dma_start3A_420 : memref<10000x96xbf16, #tpu.memory_space<hbm>>) target(%arg11 : memref<128x96xbf16, #tpu.memory_space<vmem>>) offsets(%dma_start3A_417 : memref<128xi32, #tpu.memory_space<vmem>>) semaphore(%arg21 : memref<!tpu.dma_semaphore, #tpu.memory_space<semaphore_mem>>)
      %mul3A_421 = arith.constant 8 : i32
      %mul3A_422 = arith.muli %mul3A_421, %scan3A_330 : i32
      %add3A_423 = arith.constant 4 : i32
      %add3A_424 = arith.addi %add3A_423, %mul3A_422 : i32
      %add3A_425 = arith.constant 3 : i32
      %add3A_426 = arith.addi %add3A_424, %add3A_425 : i32
      %dma_wait3A_427 = arith.constant 0 : i32
      %dma_wait3A_428 = tpu.memref_slice %arg7[%dma_wait3A_427] : memref<10000xi32, #tpu.memory_space<vmem>> -> memref<128xi32, #tpu.memory_space<vmem>>
      %dma_wait3A_429 = arith.constant 0 : i32
      %dma_wait3A_430 = arith.constant 0 : i32
      %dma_wait3A_431 = tpu.memref_slice %arg3[%dma_wait3A_429, %dma_wait3A_430] : memref<10000x96xbf16, #tpu.memory_space<hbm>> -> memref<10000x96xbf16, #tpu.memory_space<hbm>>
      tpu.wait_indirect_dma semaphore(%arg26 : memref<!tpu.dma_semaphore, #tpu.memory_space<semaphore_mem>>) src(%dma_wait3A_431 : memref<10000x96xbf16, #tpu.memory_space<hbm>>) dst(%arg16 : memref<128x96xbf16, #tpu.memory_space<vmem>>)
      %mul3A_432 = arith.constant 128 : i32
      %mul3A_433 = arith.muli %add3A_426, %mul3A_432 : i32
      %dma_start3A_434 = tpu.memref_slice %arg8[%mul3A_433] : memref<10000xi32, #tpu.memory_space<vmem>> -> memref<128xi32, #tpu.memory_space<vmem>>
      %dma_start3A_435 = arith.constant 0 : i32
      %dma_start3A_436 = arith.constant 0 : i32
      %dma_start3A_437 = tpu.memref_slice %arg18[%dma_start3A_435, %dma_start3A_436] : memref<10240x96xbf16, #tpu.memory_space<vmem_shared>> -> memref<10240x96xbf16, #tpu.memory_space<vmem_shared>>
      tpu.enqueue_indirect_dma source(%arg16 : memref<128x96xbf16, #tpu.memory_space<vmem>>) target(%dma_start3A_437 : memref<10240x96xbf16, #tpu.memory_space<vmem_shared>>) offsets(%dma_start3A_434 : memref<128xi32, #tpu.memory_space<vmem>>) semaphore(%arg34 : memref<!tpu.dma_semaphore, #tpu.memory_space<semaphore_mem>>) {add = true}
      %dma_wait3A_438 = arith.constant 0 : i32
      %dma_wait3A_439 = tpu.memref_slice %arg8[%dma_wait3A_438] : memref<10000xi32, #tpu.memory_space<vmem>> -> memref<128xi32, #tpu.memory_space<vmem>>
      %dma_wait3A_440 = arith.constant 0 : i32
      %dma_wait3A_441 = arith.constant 0 : i32
      %dma_wait3A_442 = tpu.memref_slice %arg18[%dma_wait3A_440, %dma_wait3A_441] : memref<10240x96xbf16, #tpu.memory_space<vmem_shared>> -> memref<10240x96xbf16, #tpu.memory_space<vmem_shared>>
      tpu.wait_indirect_dma semaphore(%arg30 : memref<!tpu.dma_semaphore, #tpu.memory_space<semaphore_mem>>) src(%arg12 : memref<128x96xbf16, #tpu.memory_space<vmem>>) dst(%dma_wait3A_442 : memref<10240x96xbf16, #tpu.memory_space<vmem_shared>>)
      %add3A_443 = arith.constant 4 : i32
      %add3A_444 = arith.addi %add3A_426, %add3A_443 : i32
      %mul3A_445 = arith.constant 128 : i32
      %mul3A_446 = arith.muli %add3A_444, %mul3A_445 : i32
      %dma_start3A_447 = tpu.memref_slice %arg7[%mul3A_446] : memref<10000xi32, #tpu.memory_space<vmem>> -> memref<128xi32, #tpu.memory_space<vmem>>
      %dma_start3A_448 = arith.constant 0 : i32
      %dma_start3A_449 = arith.constant 0 : i32
      %dma_start3A_450 = tpu.memref_slice %arg3[%dma_start3A_448, %dma_start3A_449] : memref<10000x96xbf16, #tpu.memory_space<hbm>> -> memref<10000x96xbf16, #tpu.memory_space<hbm>>
      tpu.enqueue_indirect_dma source(%dma_start3A_450 : memref<10000x96xbf16, #tpu.memory_space<hbm>>) target(%arg12 : memref<128x96xbf16, #tpu.memory_space<vmem>>) offsets(%dma_start3A_447 : memref<128xi32, #tpu.memory_space<vmem>>) semaphore(%arg22 : memref<!tpu.dma_semaphore, #tpu.memory_space<semaphore_mem>>)
      %mul3A_451 = arith.constant 8 : i32
      %mul3A_452 = arith.muli %mul3A_451, %scan3A_330 : i32
      %add3A_453 = arith.constant 4 : i32
      %add3A_454 = arith.addi %add3A_453, %mul3A_452 : i32
      %add3A_455 = arith.constant 4 : i32
      %add3A_456 = arith.addi %add3A_454, %add3A_455 : i32
      %dma_wait3A_457 = arith.constant 0 : i32
      %dma_wait3A_458 = tpu.memref_slice %arg7[%dma_wait3A_457] : memref<10000xi32, #tpu.memory_space<vmem>> -> memref<128xi32, #tpu.memory_space<vmem>>
      %dma_wait3A_459 = arith.constant 0 : i32
      %dma_wait3A_460 = arith.constant 0 : i32
      %dma_wait3A_461 = tpu.memref_slice %arg3[%dma_wait3A_459, %dma_wait3A_460] : memref<10000x96xbf16, #tpu.memory_space<hbm>> -> memref<10000x96xbf16, #tpu.memory_space<hbm>>
      tpu.wait_indirect_dma semaphore(%arg19 : memref<!tpu.dma_semaphore, #tpu.memory_space<semaphore_mem>>) src(%dma_wait3A_461 : memref<10000x96xbf16, #tpu.memory_space<hbm>>) dst(%arg9 : memref<128x96xbf16, #tpu.memory_space<vmem>>)
      %mul3A_462 = arith.constant 128 : i32
      %mul3A_463 = arith.muli %add3A_456, %mul3A_462 : i32
      %dma_start3A_464 = tpu.memref_slice %arg8[%mul3A_463] : memref<10000xi32, #tpu.memory_space<vmem>> -> memref<128xi32, #tpu.memory_space<vmem>>
      %dma_start3A_465 = arith.constant 0 : i32
      %dma_start3A_466 = arith.constant 0 : i32
      %dma_start3A_467 = tpu.memref_slice %arg18[%dma_start3A_465, %dma_start3A_466] : memref<10240x96xbf16, #tpu.memory_space<vmem_shared>> -> memref<10240x96xbf16, #tpu.memory_space<vmem_shared>>
      tpu.enqueue_indirect_dma source(%arg9 : memref<128x96xbf16, #tpu.memory_space<vmem>>) target(%dma_start3A_467 : memref<10240x96xbf16, #tpu.memory_space<vmem_shared>>) offsets(%dma_start3A_464 : memref<128xi32, #tpu.memory_space<vmem>>) semaphore(%arg27 : memref<!tpu.dma_semaphore, #tpu.memory_space<semaphore_mem>>) {add = true}
      %dma_wait3A_468 = arith.constant 0 : i32
      %dma_wait3A_469 = tpu.memref_slice %arg8[%dma_wait3A_468] : memref<10000xi32, #tpu.memory_space<vmem>> -> memref<128xi32, #tpu.memory_space<vmem>>
      %dma_wait3A_470 = arith.constant 0 : i32
      %dma_wait3A_471 = arith.constant 0 : i32
      %dma_wait3A_472 = tpu.memref_slice %arg18[%dma_wait3A_470, %dma_wait3A_471] : memref<10240x96xbf16, #tpu.memory_space<vmem_shared>> -> memref<10240x96xbf16, #tpu.memory_space<vmem_shared>>
      tpu.wait_indirect_dma semaphore(%arg31 : memref<!tpu.dma_semaphore, #tpu.memory_space<semaphore_mem>>) src(%arg13 : memref<128x96xbf16, #tpu.memory_space<vmem>>) dst(%dma_wait3A_472 : memref<10240x96xbf16, #tpu.memory_space<vmem_shared>>)
      %add3A_473 = arith.constant 4 : i32
      %add3A_474 = arith.addi %add3A_456, %add3A_473 : i32
      %mul3A_475 = arith.constant 128 : i32
      %mul3A_476 = arith.muli %add3A_474, %mul3A_475 : i32
      %dma_start3A_477 = tpu.memref_slice %arg7[%mul3A_476] : memref<10000xi32, #tpu.memory_space<vmem>> -> memref<128xi32, #tpu.memory_space<vmem>>
      %dma_start3A_478 = arith.constant 0 : i32
      %dma_start3A_479 = arith.constant 0 : i32
      %dma_start3A_480 = tpu.memref_slice %arg3[%dma_start3A_478, %dma_start3A_479] : memref<10000x96xbf16, #tpu.memory_space<hbm>> -> memref<10000x96xbf16, #tpu.memory_space<hbm>>
      tpu.enqueue_indirect_dma source(%dma_start3A_480 : memref<10000x96xbf16, #tpu.memory_space<hbm>>) target(%arg13 : memref<128x96xbf16, #tpu.memory_space<vmem>>) offsets(%dma_start3A_477 : memref<128xi32, #tpu.memory_space<vmem>>) semaphore(%arg23 : memref<!tpu.dma_semaphore, #tpu.memory_space<semaphore_mem>>)
      %mul3A_481 = arith.constant 8 : i32
      %mul3A_482 = arith.muli %mul3A_481, %scan3A_330 : i32
      %add3A_483 = arith.constant 4 : i32
      %add3A_484 = arith.addi %add3A_483, %mul3A_482 : i32
      %add3A_485 = arith.constant 5 : i32
      %add3A_486 = arith.addi %add3A_484, %add3A_485 : i32
      %dma_wait3A_487 = arith.constant 0 : i32
      %dma_wait3A_488 = tpu.memref_slice %arg7[%dma_wait3A_487] : memref<10000xi32, #tpu.memory_space<vmem>> -> memref<128xi32, #tpu.memory_space<vmem>>
      %dma_wait3A_489 = arith.constant 0 : i32
      %dma_wait3A_490 = arith.constant 0 : i32
      %dma_wait3A_491 = tpu.memref_slice %arg3[%dma_wait3A_489, %dma_wait3A_490] : memref<10000x96xbf16, #tpu.memory_space<hbm>> -> memref<10000x96xbf16, #tpu.memory_space<hbm>>
      tpu.wait_indirect_dma semaphore(%arg20 : memref<!tpu.dma_semaphore, #tpu.memory_space<semaphore_mem>>) src(%dma_wait3A_491 : memref<10000x96xbf16, #tpu.memory_space<hbm>>) dst(%arg10 : memref<128x96xbf16, #tpu.memory_space<vmem>>)
      %mul3A_492 = arith.constant 128 : i32
      %mul3A_493 = arith.muli %add3A_486, %mul3A_492 : i32
      %dma_start3A_494 = tpu.memref_slice %arg8[%mul3A_493] : memref<10000xi32, #tpu.memory_space<vmem>> -> memref<128xi32, #tpu.memory_space<vmem>>
      %dma_start3A_495 = arith.constant 0 : i32
      %dma_start3A_496 = arith.constant 0 : i32
      %dma_start3A_497 = tpu.memref_slice %arg18[%dma_start3A_495, %dma_start3A_496] : memref<10240x96xbf16, #tpu.memory_space<vmem_shared>> -> memref<10240x96xbf16, #tpu.memory_space<vmem_shared>>
      tpu.enqueue_indirect_dma source(%arg10 : memref<128x96xbf16, #tpu.memory_space<vmem>>) target(%dma_start3A_497 : memref<10240x96xbf16, #tpu.memory_space<vmem_shared>>) offsets(%dma_start3A_494 : memref<128xi32, #tpu.memory_space<vmem>>) semaphore(%arg28 : memref<!tpu.dma_semaphore, #tpu.memory_space<semaphore_mem>>) {add = true}
      %dma_wait3A_498 = arith.constant 0 : i32
      %dma_wait3A_499 = tpu.memref_slice %arg8[%dma_wait3A_498] : memref<10000xi32, #tpu.memory_space<vmem>> -> memref<128xi32, #tpu.memory_space<vmem>>
      %dma_wait3A_500 = arith.constant 0 : i32
      %dma_wait3A_501 = arith.constant 0 : i32
      %dma_wait3A_502 = tpu.memref_slice %arg18[%dma_wait3A_500, %dma_wait3A_501] : memref<10240x96xbf16, #tpu.memory_space<vmem_shared>> -> memref<10240x96xbf16, #tpu.memory_space<vmem_shared>>
      tpu.wait_indirect_dma semaphore(%arg32 : memref<!tpu.dma_semaphore, #tpu.memory_space<semaphore_mem>>) src(%arg14 : memref<128x96xbf16, #tpu.memory_space<vmem>>) dst(%dma_wait3A_502 : memref<10240x96xbf16, #tpu.memory_space<vmem_shared>>)
      %add3A_503 = arith.constant 4 : i32
      %add3A_504 = arith.addi %add3A_486, %add3A_503 : i32
      %mul3A_505 = arith.constant 128 : i32
      %mul3A_506 = arith.muli %add3A_504, %mul3A_505 : i32
      %dma_start3A_507 = tpu.memref_slice %arg7[%mul3A_506] : memref<10000xi32, #tpu.memory_space<vmem>> -> memref<128xi32, #tpu.memory_space<vmem>>
      %dma_start3A_508 = arith.constant 0 : i32
      %dma_start3A_509 = arith.constant 0 : i32
      %dma_start3A_510 = tpu.memref_slice %arg3[%dma_start3A_508, %dma_start3A_509] : memref<10000x96xbf16, #tpu.memory_space<hbm>> -> memref<10000x96xbf16, #tpu.memory_space<hbm>>
      tpu.enqueue_indirect_dma source(%dma_start3A_510 : memref<10000x96xbf16, #tpu.memory_space<hbm>>) target(%arg14 : memref<128x96xbf16, #tpu.memory_space<vmem>>) offsets(%dma_start3A_507 : memref<128xi32, #tpu.memory_space<vmem>>) semaphore(%arg24 : memref<!tpu.dma_semaphore, #tpu.memory_space<semaphore_mem>>)
      %mul3A_511 = arith.constant 8 : i32
      %mul3A_512 = arith.muli %mul3A_511, %scan3A_330 : i32
      %add3A_513 = arith.constant 4 : i32
      %add3A_514 = arith.addi %add3A_513, %mul3A_512 : i32
      %add3A_515 = arith.constant 6 : i32
      %add3A_516 = arith.addi %add3A_514, %add3A_515 : i32
      %dma_wait3A_517 = arith.constant 0 : i32
      %dma_wait3A_518 = tpu.memref_slice %arg7[%dma_wait3A_517] : memref<10000xi32, #tpu.memory_space<vmem>> -> memref<128xi32, #tpu.memory_space<vmem>>
      %dma_wait3A_519 = arith.constant 0 : i32
      %dma_wait3A_520 = arith.constant 0 : i32
      %dma_wait3A_521 = tpu.memref_slice %arg3[%dma_wait3A_519, %dma_wait3A_520] : memref<10000x96xbf16, #tpu.memory_space<hbm>> -> memref<10000x96xbf16, #tpu.memory_space<hbm>>
      tpu.wait_indirect_dma semaphore(%arg21 : memref<!tpu.dma_semaphore, #tpu.memory_space<semaphore_mem>>) src(%dma_wait3A_521 : memref<10000x96xbf16, #tpu.memory_space<hbm>>) dst(%arg11 : memref<128x96xbf16, #tpu.memory_space<vmem>>)
      %mul3A_522 = arith.constant 128 : i32
      %mul3A_523 = arith.muli %add3A_516, %mul3A_522 : i32
      %dma_start3A_524 = tpu.memref_slice %arg8[%mul3A_523] : memref<10000xi32, #tpu.memory_space<vmem>> -> memref<128xi32, #tpu.memory_space<vmem>>
      %dma_start3A_525 = arith.constant 0 : i32
      %dma_start3A_526 = arith.constant 0 : i32
      %dma_start3A_527 = tpu.memref_slice %arg18[%dma_start3A_525, %dma_start3A_526] : memref<10240x96xbf16, #tpu.memory_space<vmem_shared>> -> memref<10240x96xbf16, #tpu.memory_space<vmem_shared>>
      tpu.enqueue_indirect_dma source(%arg11 : memref<128x96xbf16, #tpu.memory_space<vmem>>) target(%dma_start3A_527 : memref<10240x96xbf16, #tpu.memory_space<vmem_shared>>) offsets(%dma_start3A_524 : memref<128xi32, #tpu.memory_space<vmem>>) semaphore(%arg29 : memref<!tpu.dma_semaphore, #tpu.memory_space<semaphore_mem>>) {add = true}
      %dma_wait3A_528 = arith.constant 0 : i32
      %dma_wait3A_529 = tpu.memref_slice %arg8[%dma_wait3A_528] : memref<10000xi32, #tpu.memory_space<vmem>> -> memref<128xi32, #tpu.memory_space<vmem>>
      %dma_wait3A_530 = arith.constant 0 : i32
      %dma_wait3A_531 = arith.constant 0 : i32
      %dma_wait3A_532 = tpu.memref_slice %arg18[%dma_wait3A_530, %dma_wait3A_531] : memref<10240x96xbf16, #tpu.memory_space<vmem_shared>> -> memref<10240x96xbf16, #tpu.memory_space<vmem_shared>>
      tpu.wait_indirect_dma semaphore(%arg33 : memref<!tpu.dma_semaphore, #tpu.memory_space<semaphore_mem>>) src(%arg15 : memref<128x96xbf16, #tpu.memory_space<vmem>>) dst(%dma_wait3A_532 : memref<10240x96xbf16, #tpu.memory_space<vmem_shared>>)
      %add3A_533 = arith.constant 4 : i32
      %add3A_534 = arith.addi %add3A_516, %add3A_533 : i32
      %mul3A_535 = arith.constant 128 : i32
      %mul3A_536 = arith.muli %add3A_534, %mul3A_535 : i32
      %dma_start3A_537 = tpu.memref_slice %arg7[%mul3A_536] : memref<10000xi32, #tpu.memory_space<vmem>> -> memref<128xi32, #tpu.memory_space<vmem>>
      %dma_start3A_538 = arith.constant 0 : i32
      %dma_start3A_539 = arith.constant 0 : i32
      %dma_start3A_540 = tpu.memref_slice %arg3[%dma_start3A_538, %dma_start3A_539] : memref<10000x96xbf16, #tpu.memory_space<hbm>> -> memref<10000x96xbf16, #tpu.memory_space<hbm>>
      tpu.enqueue_indirect_dma source(%dma_start3A_540 : memref<10000x96xbf16, #tpu.memory_space<hbm>>) target(%arg15 : memref<128x96xbf16, #tpu.memory_space<vmem>>) offsets(%dma_start3A_537 : memref<128xi32, #tpu.memory_space<vmem>>) semaphore(%arg25 : memref<!tpu.dma_semaphore, #tpu.memory_space<semaphore_mem>>)
      %mul3A_541 = arith.constant 8 : i32
      %mul3A_542 = arith.muli %mul3A_541, %scan3A_330 : i32
      %add3A_543 = arith.constant 4 : i32
      %add3A_544 = arith.addi %add3A_543, %mul3A_542 : i32
      %add3A_545 = arith.constant 7 : i32
      %add3A_546 = arith.addi %add3A_544, %add3A_545 : i32
      %dma_wait3A_547 = arith.constant 0 : i32
      %dma_wait3A_548 = tpu.memref_slice %arg7[%dma_wait3A_547] : memref<10000xi32, #tpu.memory_space<vmem>> -> memref<128xi32, #tpu.memory_space<vmem>>
      %dma_wait3A_549 = arith.constant 0 : i32
      %dma_wait3A_550 = arith.constant 0 : i32
      %dma_wait3A_551 = tpu.memref_slice %arg3[%dma_wait3A_549, %dma_wait3A_550] : memref<10000x96xbf16, #tpu.memory_space<hbm>> -> memref<10000x96xbf16, #tpu.memory_space<hbm>>
      tpu.wait_indirect_dma semaphore(%arg22 : memref<!tpu.dma_semaphore, #tpu.memory_space<semaphore_mem>>) src(%dma_wait3A_551 : memref<10000x96xbf16, #tpu.memory_space<hbm>>) dst(%arg12 : memref<128x96xbf16, #tpu.memory_space<vmem>>)
      %mul3A_552 = arith.constant 128 : i32
      %mul3A_553 = arith.muli %add3A_546, %mul3A_552 : i32
      %dma_start3A_554 = tpu.memref_slice %arg8[%mul3A_553] : memref<10000xi32, #tpu.memory_space<vmem>> -> memref<128xi32, #tpu.memory_space<vmem>>
      %dma_start3A_555 = arith.constant 0 : i32
      %dma_start3A_556 = arith.constant 0 : i32
      %dma_start3A_557 = tpu.memref_slice %arg18[%dma_start3A_555, %dma_start3A_556] : memref<10240x96xbf16, #tpu.memory_space<vmem_shared>> -> memref<10240x96xbf16, #tpu.memory_space<vmem_shared>>
      tpu.enqueue_indirect_dma source(%arg12 : memref<128x96xbf16, #tpu.memory_space<vmem>>) target(%dma_start3A_557 : memref<10240x96xbf16, #tpu.memory_space<vmem_shared>>) offsets(%dma_start3A_554 : memref<128xi32, #tpu.memory_space<vmem>>) semaphore(%arg30 : memref<!tpu.dma_semaphore, #tpu.memory_space<semaphore_mem>>) {add = true}
      %dma_wait3A_558 = arith.constant 0 : i32
      %dma_wait3A_559 = tpu.memref_slice %arg8[%dma_wait3A_558] : memref<10000xi32, #tpu.memory_space<vmem>> -> memref<128xi32, #tpu.memory_space<vmem>>
      %dma_wait3A_560 = arith.constant 0 : i32
      %dma_wait3A_561 = arith.constant 0 : i32
      %dma_wait3A_562 = tpu.memref_slice %arg18[%dma_wait3A_560, %dma_wait3A_561] : memref<10240x96xbf16, #tpu.memory_space<vmem_shared>> -> memref<10240x96xbf16, #tpu.memory_space<vmem_shared>>
      tpu.wait_indirect_dma semaphore(%arg34 : memref<!tpu.dma_semaphore, #tpu.memory_space<semaphore_mem>>) src(%arg16 : memref<128x96xbf16, #tpu.memory_space<vmem>>) dst(%dma_wait3A_562 : memref<10240x96xbf16, #tpu.memory_space<vmem_shared>>)
      %add3A_563 = arith.constant 4 : i32
      %add3A_564 = arith.addi %add3A_546, %add3A_563 : i32
      %mul3A_565 = arith.constant 128 : i32
      %mul3A_566 = arith.muli %add3A_564, %mul3A_565 : i32
      %dma_start3A_567 = tpu.memref_slice %arg7[%mul3A_566] : memref<10000xi32, #tpu.memory_space<vmem>> -> memref<128xi32, #tpu.memory_space<vmem>>
      %dma_start3A_568 = arith.constant 0 : i32
      %dma_start3A_569 = arith.constant 0 : i32
      %dma_start3A_570 = tpu.memref_slice %arg3[%dma_start3A_568, %dma_start3A_569] : memref<10000x96xbf16, #tpu.memory_space<hbm>> -> memref<10000x96xbf16, #tpu.memory_space<hbm>>
      tpu.enqueue_indirect_dma source(%dma_start3A_570 : memref<10000x96xbf16, #tpu.memory_space<hbm>>) target(%arg16 : memref<128x96xbf16, #tpu.memory_space<vmem>>) offsets(%dma_start3A_567 : memref<128xi32, #tpu.memory_space<vmem>>) semaphore(%arg26 : memref<!tpu.dma_semaphore, #tpu.memory_space<semaphore_mem>>)
    }
    %scan3A_111 = arith.constant 8 : i32
    %dma_wait3A_112 = arith.constant 0 : i32
    %dma_wait3A_113 = tpu.memref_slice %arg7[%dma_wait3A_112] : memref<10000xi32, #tpu.memory_space<vmem>> -> memref<128xi32, #tpu.memory_space<vmem>>
    %dma_wait3A_114 = arith.constant 0 : i32
    %dma_wait3A_115 = arith.constant 0 : i32
    %dma_wait3A_116 = tpu.memref_slice %arg3[%dma_wait3A_114, %dma_wait3A_115] : memref<10000x96xbf16, #tpu.memory_space<hbm>> -> memref<10000x96xbf16, #tpu.memory_space<hbm>>
    tpu.wait_indirect_dma semaphore(%arg23 : memref<!tpu.dma_semaphore, #tpu.memory_space<semaphore_mem>>) src(%dma_wait3A_116 : memref<10000x96xbf16, #tpu.memory_space<hbm>>) dst(%arg13 : memref<128x96xbf16, #tpu.memory_space<vmem>>)
    %dma_start3A_117 = arith.constant 8704 : i32
    %dma_start3A_118 = tpu.memref_slice %arg8[%dma_start3A_117] : memref<10000xi32, #tpu.memory_space<vmem>> -> memref<128xi32, #tpu.memory_space<vmem>>
    %dma_start3A_119 = arith.constant 0 : i32
    %dma_start3A_120 = arith.constant 0 : i32
    %dma_start3A_121 = tpu.memref_slice %arg18[%dma_start3A_119, %dma_start3A_120] : memref<10240x96xbf16, #tpu.memory_space<vmem_shared>> -> memref<10240x96xbf16, #tpu.memory_space<vmem_shared>>
    tpu.enqueue_indirect_dma source(%arg13 : memref<128x96xbf16, #tpu.memory_space<vmem>>) target(%dma_start3A_121 : memref<10240x96xbf16, #tpu.memory_space<vmem_shared>>) offsets(%dma_start3A_118 : memref<128xi32, #tpu.memory_space<vmem>>) semaphore(%arg31 : memref<!tpu.dma_semaphore, #tpu.memory_space<semaphore_mem>>) {add = true}
    %dma_wait3A_122 = arith.constant 0 : i32
    %dma_wait3A_123 = tpu.memref_slice %arg8[%dma_wait3A_122] : memref<10000xi32, #tpu.memory_space<vmem>> -> memref<128xi32, #tpu.memory_space<vmem>>
    %dma_wait3A_124 = arith.constant 0 : i32
    %dma_wait3A_125 = arith.constant 0 : i32
    %dma_wait3A_126 = tpu.memref_slice %arg18[%dma_wait3A_124, %dma_wait3A_125] : memref<10240x96xbf16, #tpu.memory_space<vmem_shared>> -> memref<10240x96xbf16, #tpu.memory_space<vmem_shared>>
    tpu.wait_indirect_dma semaphore(%arg27 : memref<!tpu.dma_semaphore, #tpu.memory_space<semaphore_mem>>) src(%arg9 : memref<128x96xbf16, #tpu.memory_space<vmem>>) dst(%dma_wait3A_126 : memref<10240x96xbf16, #tpu.memory_space<vmem_shared>>)
    %dma_start3A_127 = arith.constant 9216 : i32
    %dma_start3A_128 = tpu.memref_slice %arg7[%dma_start3A_127] : memref<10000xi32, #tpu.memory_space<vmem>> -> memref<128xi32, #tpu.memory_space<vmem>>
    %dma_start3A_129 = arith.constant 0 : i32
    %dma_start3A_130 = arith.constant 0 : i32
    %dma_start3A_131 = tpu.memref_slice %arg3[%dma_start3A_129, %dma_start3A_130] : memref<10000x96xbf16, #tpu.memory_space<hbm>> -> memref<10000x96xbf16, #tpu.memory_space<hbm>>
    tpu.enqueue_indirect_dma source(%dma_start3A_131 : memref<10000x96xbf16, #tpu.memory_space<hbm>>) target(%arg9 : memref<128x96xbf16, #tpu.memory_space<vmem>>) offsets(%dma_start3A_128 : memref<128xi32, #tpu.memory_space<vmem>>) semaphore(%arg19 : memref<!tpu.dma_semaphore, #tpu.memory_space<semaphore_mem>>)
    %dma_wait3A_132 = arith.constant 0 : i32
    %dma_wait3A_133 = tpu.memref_slice %arg7[%dma_wait3A_132] : memref<10000xi32, #tpu.memory_space<vmem>> -> memref<128xi32, #tpu.memory_space<vmem>>
    %dma_wait3A_134 = arith.constant 0 : i32
    %dma_wait3A_135 = arith.constant 0 : i32
    %dma_wait3A_136 = tpu.memref_slice %arg3[%dma_wait3A_134, %dma_wait3A_135] : memref<10000x96xbf16, #tpu.memory_space<hbm>> -> memref<10000x96xbf16, #tpu.memory_space<hbm>>
    tpu.wait_indirect_dma semaphore(%arg24 : memref<!tpu.dma_semaphore, #tpu.memory_space<semaphore_mem>>) src(%dma_wait3A_136 : memref<10000x96xbf16, #tpu.memory_space<hbm>>) dst(%arg14 : memref<128x96xbf16, #tpu.memory_space<vmem>>)
    %dma_start3A_137 = arith.constant 8832 : i32
    %dma_start3A_138 = tpu.memref_slice %arg8[%dma_start3A_137] : memref<10000xi32, #tpu.memory_space<vmem>> -> memref<128xi32, #tpu.memory_space<vmem>>
    %dma_start3A_139 = arith.constant 0 : i32
    %dma_start3A_140 = arith.constant 0 : i32
    %dma_start3A_141 = tpu.memref_slice %arg18[%dma_start3A_139, %dma_start3A_140] : memref<10240x96xbf16, #tpu.memory_space<vmem_shared>> -> memref<10240x96xbf16, #tpu.memory_space<vmem_shared>>
    tpu.enqueue_indirect_dma source(%arg14 : memref<128x96xbf16, #tpu.memory_space<vmem>>) target(%dma_start3A_141 : memref<10240x96xbf16, #tpu.memory_space<vmem_shared>>) offsets(%dma_start3A_138 : memref<128xi32, #tpu.memory_space<vmem>>) semaphore(%arg32 : memref<!tpu.dma_semaphore, #tpu.memory_space<semaphore_mem>>) {add = true}
    %dma_wait3A_142 = arith.constant 0 : i32
    %dma_wait3A_143 = tpu.memref_slice %arg8[%dma_wait3A_142] : memref<10000xi32, #tpu.memory_space<vmem>> -> memref<128xi32, #tpu.memory_space<vmem>>
    %dma_wait3A_144 = arith.constant 0 : i32
    %dma_wait3A_145 = arith.constant 0 : i32
    %dma_wait3A_146 = tpu.memref_slice %arg18[%dma_wait3A_144, %dma_wait3A_145] : memref<10240x96xbf16, #tpu.memory_space<vmem_shared>> -> memref<10240x96xbf16, #tpu.memory_space<vmem_shared>>
    tpu.wait_indirect_dma semaphore(%arg28 : memref<!tpu.dma_semaphore, #tpu.memory_space<semaphore_mem>>) src(%arg10 : memref<128x96xbf16, #tpu.memory_space<vmem>>) dst(%dma_wait3A_146 : memref<10240x96xbf16, #tpu.memory_space<vmem_shared>>)
    %dma_start3A_147 = arith.constant 9344 : i32
    %dma_start3A_148 = tpu.memref_slice %arg7[%dma_start3A_147] : memref<10000xi32, #tpu.memory_space<vmem>> -> memref<128xi32, #tpu.memory_space<vmem>>
    %dma_start3A_149 = arith.constant 0 : i32
    %dma_start3A_150 = arith.constant 0 : i32
    %dma_start3A_151 = tpu.memref_slice %arg3[%dma_start3A_149, %dma_start3A_150] : memref<10000x96xbf16, #tpu.memory_space<hbm>> -> memref<10000x96xbf16, #tpu.memory_space<hbm>>
    tpu.enqueue_indirect_dma source(%dma_start3A_151 : memref<10000x96xbf16, #tpu.memory_space<hbm>>) target(%arg10 : memref<128x96xbf16, #tpu.memory_space<vmem>>) offsets(%dma_start3A_148 : memref<128xi32, #tpu.memory_space<vmem>>) semaphore(%arg20 : memref<!tpu.dma_semaphore, #tpu.memory_space<semaphore_mem>>)
    %dma_wait3A_152 = arith.constant 0 : i32
    %dma_wait3A_153 = tpu.memref_slice %arg7[%dma_wait3A_152] : memref<10000xi32, #tpu.memory_space<vmem>> -> memref<128xi32, #tpu.memory_space<vmem>>
    %dma_wait3A_154 = arith.constant 0 : i32
    %dma_wait3A_155 = arith.constant 0 : i32
    %dma_wait3A_156 = tpu.memref_slice %arg3[%dma_wait3A_154, %dma_wait3A_155] : memref<10000x96xbf16, #tpu.memory_space<hbm>> -> memref<10000x96xbf16, #tpu.memory_space<hbm>>
    tpu.wait_indirect_dma semaphore(%arg25 : memref<!tpu.dma_semaphore, #tpu.memory_space<semaphore_mem>>) src(%dma_wait3A_156 : memref<10000x96xbf16, #tpu.memory_space<hbm>>) dst(%arg15 : memref<128x96xbf16, #tpu.memory_space<vmem>>)
    %dma_start3A_157 = arith.constant 8960 : i32
    %dma_start3A_158 = tpu.memref_slice %arg8[%dma_start3A_157] : memref<10000xi32, #tpu.memory_space<vmem>> -> memref<128xi32, #tpu.memory_space<vmem>>
    %dma_start3A_159 = arith.constant 0 : i32
    %dma_start3A_160 = arith.constant 0 : i32
    %dma_start3A_161 = tpu.memref_slice %arg18[%dma_start3A_159, %dma_start3A_160] : memref<10240x96xbf16, #tpu.memory_space<vmem_shared>> -> memref<10240x96xbf16, #tpu.memory_space<vmem_shared>>
    tpu.enqueue_indirect_dma source(%arg15 : memref<128x96xbf16, #tpu.memory_space<vmem>>) target(%dma_start3A_161 : memref<10240x96xbf16, #tpu.memory_space<vmem_shared>>) offsets(%dma_start3A_158 : memref<128xi32, #tpu.memory_space<vmem>>) semaphore(%arg33 : memref<!tpu.dma_semaphore, #tpu.memory_space<semaphore_mem>>) {add = true}
    %dma_wait3A_162 = arith.constant 0 : i32
    %dma_wait3A_163 = tpu.memref_slice %arg8[%dma_wait3A_162] : memref<10000xi32, #tpu.memory_space<vmem>> -> memref<128xi32, #tpu.memory_space<vmem>>
    %dma_wait3A_164 = arith.constant 0 : i32
    %dma_wait3A_165 = arith.constant 0 : i32
    %dma_wait3A_166 = tpu.memref_slice %arg18[%dma_wait3A_164, %dma_wait3A_165] : memref<10240x96xbf16, #tpu.memory_space<vmem_shared>> -> memref<10240x96xbf16, #tpu.memory_space<vmem_shared>>
    tpu.wait_indirect_dma semaphore(%arg29 : memref<!tpu.dma_semaphore, #tpu.memory_space<semaphore_mem>>) src(%arg11 : memref<128x96xbf16, #tpu.memory_space<vmem>>) dst(%dma_wait3A_166 : memref<10240x96xbf16, #tpu.memory_space<vmem_shared>>)
    %dma_start3A_167 = arith.constant 9472 : i32
    %dma_start3A_168 = tpu.memref_slice %arg7[%dma_start3A_167] : memref<10000xi32, #tpu.memory_space<vmem>> -> memref<128xi32, #tpu.memory_space<vmem>>
    %dma_start3A_169 = arith.constant 0 : i32
    %dma_start3A_170 = arith.constant 0 : i32
    %dma_start3A_171 = tpu.memref_slice %arg3[%dma_start3A_169, %dma_start3A_170] : memref<10000x96xbf16, #tpu.memory_space<hbm>> -> memref<10000x96xbf16, #tpu.memory_space<hbm>>
    tpu.enqueue_indirect_dma source(%dma_start3A_171 : memref<10000x96xbf16, #tpu.memory_space<hbm>>) target(%arg11 : memref<128x96xbf16, #tpu.memory_space<vmem>>) offsets(%dma_start3A_168 : memref<128xi32, #tpu.memory_space<vmem>>) semaphore(%arg21 : memref<!tpu.dma_semaphore, #tpu.memory_space<semaphore_mem>>)
    %dma_wait3A_172 = arith.constant 0 : i32
    %dma_wait3A_173 = tpu.memref_slice %arg7[%dma_wait3A_172] : memref<10000xi32, #tpu.memory_space<vmem>> -> memref<128xi32, #tpu.memory_space<vmem>>
    %dma_wait3A_174 = arith.constant 0 : i32
    %dma_wait3A_175 = arith.constant 0 : i32
    %dma_wait3A_176 = tpu.memref_slice %arg3[%dma_wait3A_174, %dma_wait3A_175] : memref<10000x96xbf16, #tpu.memory_space<hbm>> -> memref<10000x96xbf16, #tpu.memory_space<hbm>>
    tpu.wait_indirect_dma semaphore(%arg26 : memref<!tpu.dma_semaphore, #tpu.memory_space<semaphore_mem>>) src(%dma_wait3A_176 : memref<10000x96xbf16, #tpu.memory_space<hbm>>) dst(%arg16 : memref<128x96xbf16, #tpu.memory_space<vmem>>)
    %dma_start3A_177 = arith.constant 9088 : i32
    %dma_start3A_178 = tpu.memref_slice %arg8[%dma_start3A_177] : memref<10000xi32, #tpu.memory_space<vmem>> -> memref<128xi32, #tpu.memory_space<vmem>>
    %dma_start3A_179 = arith.constant 0 : i32
    %dma_start3A_180 = arith.constant 0 : i32
    %dma_start3A_181 = tpu.memref_slice %arg18[%dma_start3A_179, %dma_start3A_180] : memref<10240x96xbf16, #tpu.memory_space<vmem_shared>> -> memref<10240x96xbf16, #tpu.memory_space<vmem_shared>>
    tpu.enqueue_indirect_dma source(%arg16 : memref<128x96xbf16, #tpu.memory_space<vmem>>) target(%dma_start3A_181 : memref<10240x96xbf16, #tpu.memory_space<vmem_shared>>) offsets(%dma_start3A_178 : memref<128xi32, #tpu.memory_space<vmem>>) semaphore(%arg34 : memref<!tpu.dma_semaphore, #tpu.memory_space<semaphore_mem>>) {add = true}
    %dma_wait3A_182 = arith.constant 0 : i32
    %dma_wait3A_183 = tpu.memref_slice %arg8[%dma_wait3A_182] : memref<10000xi32, #tpu.memory_space<vmem>> -> memref<128xi32, #tpu.memory_space<vmem>>
    %dma_wait3A_184 = arith.constant 0 : i32
    %dma_wait3A_185 = arith.constant 0 : i32
    %dma_wait3A_186 = tpu.memref_slice %arg18[%dma_wait3A_184, %dma_wait3A_185] : memref<10240x96xbf16, #tpu.memory_space<vmem_shared>> -> memref<10240x96xbf16, #tpu.memory_space<vmem_shared>>
    tpu.wait_indirect_dma semaphore(%arg30 : memref<!tpu.dma_semaphore, #tpu.memory_space<semaphore_mem>>) src(%arg12 : memref<128x96xbf16, #tpu.memory_space<vmem>>) dst(%dma_wait3A_186 : memref<10240x96xbf16, #tpu.memory_space<vmem_shared>>)
    %dma_start3A_187 = arith.constant 9600 : i32
    %dma_start3A_188 = tpu.memref_slice %arg7[%dma_start3A_187] : memref<10000xi32, #tpu.memory_space<vmem>> -> memref<128xi32, #tpu.memory_space<vmem>>
    %dma_start3A_189 = arith.constant 0 : i32
    %dma_start3A_190 = arith.constant 0 : i32
    %dma_start3A_191 = tpu.memref_slice %arg3[%dma_start3A_189, %dma_start3A_190] : memref<10000x96xbf16, #tpu.memory_space<hbm>> -> memref<10000x96xbf16, #tpu.memory_space<hbm>>
    tpu.enqueue_indirect_dma source(%dma_start3A_191 : memref<10000x96xbf16, #tpu.memory_space<hbm>>) target(%arg12 : memref<128x96xbf16, #tpu.memory_space<vmem>>) offsets(%dma_start3A_188 : memref<128xi32, #tpu.memory_space<vmem>>) semaphore(%arg22 : memref<!tpu.dma_semaphore, #tpu.memory_space<semaphore_mem>>)
    %dma_wait3A_192 = arith.constant 0 : i32
    %dma_wait3A_193 = tpu.memref_slice %arg7[%dma_wait3A_192] : memref<10000xi32, #tpu.memory_space<vmem>> -> memref<128xi32, #tpu.memory_space<vmem>>
    %dma_wait3A_194 = arith.constant 0 : i32
    %dma_wait3A_195 = arith.constant 0 : i32
    %dma_wait3A_196 = tpu.memref_slice %arg3[%dma_wait3A_194, %dma_wait3A_195] : memref<10000x96xbf16, #tpu.memory_space<hbm>> -> memref<10000x96xbf16, #tpu.memory_space<hbm>>
    tpu.wait_indirect_dma semaphore(%arg19 : memref<!tpu.dma_semaphore, #tpu.memory_space<semaphore_mem>>) src(%dma_wait3A_196 : memref<10000x96xbf16, #tpu.memory_space<hbm>>) dst(%arg9 : memref<128x96xbf16, #tpu.memory_space<vmem>>)
    %dma_start3A_197 = arith.constant 9216 : i32
    %dma_start3A_198 = tpu.memref_slice %arg8[%dma_start3A_197] : memref<10000xi32, #tpu.memory_space<vmem>> -> memref<128xi32, #tpu.memory_space<vmem>>
    %dma_start3A_199 = arith.constant 0 : i32
    %dma_start3A_200 = arith.constant 0 : i32
    %dma_start3A_201 = tpu.memref_slice %arg18[%dma_start3A_199, %dma_start3A_200] : memref<10240x96xbf16, #tpu.memory_space<vmem_shared>> -> memref<10240x96xbf16, #tpu.memory_space<vmem_shared>>
    tpu.enqueue_indirect_dma source(%arg9 : memref<128x96xbf16, #tpu.memory_space<vmem>>) target(%dma_start3A_201 : memref<10240x96xbf16, #tpu.memory_space<vmem_shared>>) offsets(%dma_start3A_198 : memref<128xi32, #tpu.memory_space<vmem>>) semaphore(%arg27 : memref<!tpu.dma_semaphore, #tpu.memory_space<semaphore_mem>>) {add = true}
    %dma_wait3A_202 = arith.constant 0 : i32
    %dma_wait3A_203 = tpu.memref_slice %arg8[%dma_wait3A_202] : memref<10000xi32, #tpu.memory_space<vmem>> -> memref<128xi32, #tpu.memory_space<vmem>>
    %dma_wait3A_204 = arith.constant 0 : i32
    %dma_wait3A_205 = arith.constant 0 : i32
    %dma_wait3A_206 = tpu.memref_slice %arg18[%dma_wait3A_204, %dma_wait3A_205] : memref<10240x96xbf16, #tpu.memory_space<vmem_shared>> -> memref<10240x96xbf16, #tpu.memory_space<vmem_shared>>
    tpu.wait_indirect_dma semaphore(%arg31 : memref<!tpu.dma_semaphore, #tpu.memory_space<semaphore_mem>>) src(%arg13 : memref<128x96xbf16, #tpu.memory_space<vmem>>) dst(%dma_wait3A_206 : memref<10240x96xbf16, #tpu.memory_space<vmem_shared>>)
    %dma_start3A_207 = arith.constant 9728 : i32
    %dma_start3A_208 = tpu.memref_slice %arg7[%dma_start3A_207] : memref<10000xi32, #tpu.memory_space<vmem>> -> memref<128xi32, #tpu.memory_space<vmem>>
    %dma_start3A_209 = arith.constant 0 : i32
    %dma_start3A_210 = arith.constant 0 : i32
    %dma_start3A_211 = tpu.memref_slice %arg3[%dma_start3A_209, %dma_start3A_210] : memref<10000x96xbf16, #tpu.memory_space<hbm>> -> memref<10000x96xbf16, #tpu.memory_space<hbm>>
    tpu.enqueue_indirect_dma source(%dma_start3A_211 : memref<10000x96xbf16, #tpu.memory_space<hbm>>) target(%arg13 : memref<128x96xbf16, #tpu.memory_space<vmem>>) offsets(%dma_start3A_208 : memref<128xi32, #tpu.memory_space<vmem>>) semaphore(%arg23 : memref<!tpu.dma_semaphore, #tpu.memory_space<semaphore_mem>>)
    %dma_wait3A_212 = arith.constant 0 : i32
    %dma_wait3A_213 = tpu.memref_slice %arg7[%dma_wait3A_212] : memref<10000xi32, #tpu.memory_space<vmem>> -> memref<128xi32, #tpu.memory_space<vmem>>
    %dma_wait3A_214 = arith.constant 0 : i32
    %dma_wait3A_215 = arith.constant 0 : i32
    %dma_wait3A_216 = tpu.memref_slice %arg3[%dma_wait3A_214, %dma_wait3A_215] : memref<10000x96xbf16, #tpu.memory_space<hbm>> -> memref<10000x96xbf16, #tpu.memory_space<hbm>>
    tpu.wait_indirect_dma semaphore(%arg20 : memref<!tpu.dma_semaphore, #tpu.memory_space<semaphore_mem>>) src(%dma_wait3A_216 : memref<10000x96xbf16, #tpu.memory_space<hbm>>) dst(%arg10 : memref<128x96xbf16, #tpu.memory_space<vmem>>)
    %dma_start3A_217 = arith.constant 9344 : i32
    %dma_start3A_218 = tpu.memref_slice %arg8[%dma_start3A_217] : memref<10000xi32, #tpu.memory_space<vmem>> -> memref<128xi32, #tpu.memory_space<vmem>>
    %dma_start3A_219 = arith.constant 0 : i32
    %dma_start3A_220 = arith.constant 0 : i32
    %dma_start3A_221 = tpu.memref_slice %arg18[%dma_start3A_219, %dma_start3A_220] : memref<10240x96xbf16, #tpu.memory_space<vmem_shared>> -> memref<10240x96xbf16, #tpu.memory_space<vmem_shared>>
    tpu.enqueue_indirect_dma source(%arg10 : memref<128x96xbf16, #tpu.memory_space<vmem>>) target(%dma_start3A_221 : memref<10240x96xbf16, #tpu.memory_space<vmem_shared>>) offsets(%dma_start3A_218 : memref<128xi32, #tpu.memory_space<vmem>>) semaphore(%arg28 : memref<!tpu.dma_semaphore, #tpu.memory_space<semaphore_mem>>) {add = true}
    %dma_wait3A_222 = arith.constant 0 : i32
    %dma_wait3A_223 = tpu.memref_slice %arg8[%dma_wait3A_222] : memref<10000xi32, #tpu.memory_space<vmem>> -> memref<128xi32, #tpu.memory_space<vmem>>
    %dma_wait3A_224 = arith.constant 0 : i32
    %dma_wait3A_225 = arith.constant 0 : i32
    %dma_wait3A_226 = tpu.memref_slice %arg18[%dma_wait3A_224, %dma_wait3A_225] : memref<10240x96xbf16, #tpu.memory_space<vmem_shared>> -> memref<10240x96xbf16, #tpu.memory_space<vmem_shared>>
    tpu.wait_indirect_dma semaphore(%arg32 : memref<!tpu.dma_semaphore, #tpu.memory_space<semaphore_mem>>) src(%arg14 : memref<128x96xbf16, #tpu.memory_space<vmem>>) dst(%dma_wait3A_226 : memref<10240x96xbf16, #tpu.memory_space<vmem_shared>>)
    %dma_start3A_227 = arith.constant 9856 : i32
    %dma_start3A_228 = tpu.memref_slice %arg7[%dma_start3A_227] : memref<10000xi32, #tpu.memory_space<vmem>> -> memref<128xi32, #tpu.memory_space<vmem>>
    %dma_start3A_229 = arith.constant 0 : i32
    %dma_start3A_230 = arith.constant 0 : i32
    %dma_start3A_231 = tpu.memref_slice %arg3[%dma_start3A_229, %dma_start3A_230] : memref<10000x96xbf16, #tpu.memory_space<hbm>> -> memref<10000x96xbf16, #tpu.memory_space<hbm>>
    tpu.enqueue_indirect_dma source(%dma_start3A_231 : memref<10000x96xbf16, #tpu.memory_space<hbm>>) target(%arg14 : memref<128x96xbf16, #tpu.memory_space<vmem>>) offsets(%dma_start3A_228 : memref<128xi32, #tpu.memory_space<vmem>>) semaphore(%arg24 : memref<!tpu.dma_semaphore, #tpu.memory_space<semaphore_mem>>)
    %dma_wait3A_232 = arith.constant 0 : i32
    %dma_wait3A_233 = tpu.memref_slice %arg7[%dma_wait3A_232] : memref<10000xi32, #tpu.memory_space<vmem>> -> memref<128xi32, #tpu.memory_space<vmem>>
    %dma_wait3A_234 = arith.constant 0 : i32
    %dma_wait3A_235 = arith.constant 0 : i32
    %dma_wait3A_236 = tpu.memref_slice %arg3[%dma_wait3A_234, %dma_wait3A_235] : memref<10000x96xbf16, #tpu.memory_space<hbm>> -> memref<10000x96xbf16, #tpu.memory_space<hbm>>
    tpu.wait_indirect_dma semaphore(%arg21 : memref<!tpu.dma_semaphore, #tpu.memory_space<semaphore_mem>>) src(%dma_wait3A_236 : memref<10000x96xbf16, #tpu.memory_space<hbm>>) dst(%arg11 : memref<128x96xbf16, #tpu.memory_space<vmem>>)
    %dma_start3A_237 = arith.constant 9472 : i32
    %dma_start3A_238 = tpu.memref_slice %arg8[%dma_start3A_237] : memref<10000xi32, #tpu.memory_space<vmem>> -> memref<128xi32, #tpu.memory_space<vmem>>
    %dma_start3A_239 = arith.constant 0 : i32
    %dma_start3A_240 = arith.constant 0 : i32
    %dma_start3A_241 = tpu.memref_slice %arg18[%dma_start3A_239, %dma_start3A_240] : memref<10240x96xbf16, #tpu.memory_space<vmem_shared>> -> memref<10240x96xbf16, #tpu.memory_space<vmem_shared>>
    tpu.enqueue_indirect_dma source(%arg11 : memref<128x96xbf16, #tpu.memory_space<vmem>>) target(%dma_start3A_241 : memref<10240x96xbf16, #tpu.memory_space<vmem_shared>>) offsets(%dma_start3A_238 : memref<128xi32, #tpu.memory_space<vmem>>) semaphore(%arg29 : memref<!tpu.dma_semaphore, #tpu.memory_space<semaphore_mem>>) {add = true}
    %dma_wait3A_242 = arith.constant 0 : i32
    %dma_wait3A_243 = tpu.memref_slice %arg8[%dma_wait3A_242] : memref<10000xi32, #tpu.memory_space<vmem>> -> memref<128xi32, #tpu.memory_space<vmem>>
    %dma_wait3A_244 = arith.constant 0 : i32
    %dma_wait3A_245 = arith.constant 0 : i32
    %dma_wait3A_246 = tpu.memref_slice %arg18[%dma_wait3A_244, %dma_wait3A_245] : memref<10240x96xbf16, #tpu.memory_space<vmem_shared>> -> memref<10240x96xbf16, #tpu.memory_space<vmem_shared>>
    tpu.wait_indirect_dma semaphore(%arg33 : memref<!tpu.dma_semaphore, #tpu.memory_space<semaphore_mem>>) src(%arg15 : memref<128x96xbf16, #tpu.memory_space<vmem>>) dst(%dma_wait3A_246 : memref<10240x96xbf16, #tpu.memory_space<vmem_shared>>)
    %dma_wait3A_247 = arith.constant 0 : i32
    %dma_wait3A_248 = tpu.memref_slice %arg7[%dma_wait3A_247] : memref<10000xi32, #tpu.memory_space<vmem>> -> memref<128xi32, #tpu.memory_space<vmem>>
    %dma_wait3A_249 = arith.constant 0 : i32
    %dma_wait3A_250 = arith.constant 0 : i32
    %dma_wait3A_251 = tpu.memref_slice %arg3[%dma_wait3A_249, %dma_wait3A_250] : memref<10000x96xbf16, #tpu.memory_space<hbm>> -> memref<10000x96xbf16, #tpu.memory_space<hbm>>
    tpu.wait_indirect_dma semaphore(%arg22 : memref<!tpu.dma_semaphore, #tpu.memory_space<semaphore_mem>>) src(%dma_wait3A_251 : memref<10000x96xbf16, #tpu.memory_space<hbm>>) dst(%arg12 : memref<128x96xbf16, #tpu.memory_space<vmem>>)
    %dma_start3A_252 = arith.constant 9600 : i32
    %dma_start3A_253 = tpu.memref_slice %arg8[%dma_start3A_252] : memref<10000xi32, #tpu.memory_space<vmem>> -> memref<128xi32, #tpu.memory_space<vmem>>
    %dma_start3A_254 = arith.constant 0 : i32
    %dma_start3A_255 = arith.constant 0 : i32
    %dma_start3A_256 = tpu.memref_slice %arg18[%dma_start3A_254, %dma_start3A_255] : memref<10240x96xbf16, #tpu.memory_space<vmem_shared>> -> memref<10240x96xbf16, #tpu.memory_space<vmem_shared>>
    tpu.enqueue_indirect_dma source(%arg12 : memref<128x96xbf16, #tpu.memory_space<vmem>>) target(%dma_start3A_256 : memref<10240x96xbf16, #tpu.memory_space<vmem_shared>>) offsets(%dma_start3A_253 : memref<128xi32, #tpu.memory_space<vmem>>) semaphore(%arg30 : memref<!tpu.dma_semaphore, #tpu.memory_space<semaphore_mem>>) {add = true}
    %dma_wait3A_257 = arith.constant 0 : i32
    %dma_wait3A_258 = tpu.memref_slice %arg8[%dma_wait3A_257] : memref<10000xi32, #tpu.memory_space<vmem>> -> memref<128xi32, #tpu.memory_space<vmem>>
    %dma_wait3A_259 = arith.constant 0 : i32
    %dma_wait3A_260 = arith.constant 0 : i32
    %dma_wait3A_261 = tpu.memref_slice %arg18[%dma_wait3A_259, %dma_wait3A_260] : memref<10240x96xbf16, #tpu.memory_space<vmem_shared>> -> memref<10240x96xbf16, #tpu.memory_space<vmem_shared>>
    tpu.wait_indirect_dma semaphore(%arg34 : memref<!tpu.dma_semaphore, #tpu.memory_space<semaphore_mem>>) src(%arg16 : memref<128x96xbf16, #tpu.memory_space<vmem>>) dst(%dma_wait3A_261 : memref<10240x96xbf16, #tpu.memory_space<vmem_shared>>)
    %dma_wait3A_262 = arith.constant 0 : i32
    %dma_wait3A_263 = tpu.memref_slice %arg7[%dma_wait3A_262] : memref<10000xi32, #tpu.memory_space<vmem>> -> memref<128xi32, #tpu.memory_space<vmem>>
    %dma_wait3A_264 = arith.constant 0 : i32
    %dma_wait3A_265 = arith.constant 0 : i32
    %dma_wait3A_266 = tpu.memref_slice %arg3[%dma_wait3A_264, %dma_wait3A_265] : memref<10000x96xbf16, #tpu.memory_space<hbm>> -> memref<10000x96xbf16, #tpu.memory_space<hbm>>
    tpu.wait_indirect_dma semaphore(%arg23 : memref<!tpu.dma_semaphore, #tpu.memory_space<semaphore_mem>>) src(%dma_wait3A_266 : memref<10000x96xbf16, #tpu.memory_space<hbm>>) dst(%arg13 : memref<128x96xbf16, #tpu.memory_space<vmem>>)
    %dma_start3A_267 = arith.constant 9728 : i32
    %dma_start3A_268 = tpu.memref_slice %arg8[%dma_start3A_267] : memref<10000xi32, #tpu.memory_space<vmem>> -> memref<128xi32, #tpu.memory_space<vmem>>
    %dma_start3A_269 = arith.constant 0 : i32
    %dma_start3A_270 = arith.constant 0 : i32
    %dma_start3A_271 = tpu.memref_slice %arg18[%dma_start3A_269, %dma_start3A_270] : memref<10240x96xbf16, #tpu.memory_space<vmem_shared>> -> memref<10240x96xbf16, #tpu.memory_space<vmem_shared>>
    tpu.enqueue_indirect_dma source(%arg13 : memref<128x96xbf16, #tpu.memory_space<vmem>>) target(%dma_start3A_271 : memref<10240x96xbf16, #tpu.memory_space<vmem_shared>>) offsets(%dma_start3A_268 : memref<128xi32, #tpu.memory_space<vmem>>) semaphore(%arg31 : memref<!tpu.dma_semaphore, #tpu.memory_space<semaphore_mem>>) {add = true}
    %dma_wait3A_272 = arith.constant 0 : i32
    %dma_wait3A_273 = tpu.memref_slice %arg8[%dma_wait3A_272] : memref<10000xi32, #tpu.memory_space<vmem>> -> memref<128xi32, #tpu.memory_space<vmem>>
    %dma_wait3A_274 = arith.constant 0 : i32
    %dma_wait3A_275 = arith.constant 0 : i32
    %dma_wait3A_276 = tpu.memref_slice %arg18[%dma_wait3A_274, %dma_wait3A_275] : memref<10240x96xbf16, #tpu.memory_space<vmem_shared>> -> memref<10240x96xbf16, #tpu.memory_space<vmem_shared>>
    tpu.wait_indirect_dma semaphore(%arg27 : memref<!tpu.dma_semaphore, #tpu.memory_space<semaphore_mem>>) src(%arg9 : memref<128x96xbf16, #tpu.memory_space<vmem>>) dst(%dma_wait3A_276 : memref<10240x96xbf16, #tpu.memory_space<vmem_shared>>)
    %dma_wait3A_277 = arith.constant 0 : i32
    %dma_wait3A_278 = tpu.memref_slice %arg7[%dma_wait3A_277] : memref<10000xi32, #tpu.memory_space<vmem>> -> memref<128xi32, #tpu.memory_space<vmem>>
    %dma_wait3A_279 = arith.constant 0 : i32
    %dma_wait3A_280 = arith.constant 0 : i32
    %dma_wait3A_281 = tpu.memref_slice %arg3[%dma_wait3A_279, %dma_wait3A_280] : memref<10000x96xbf16, #tpu.memory_space<hbm>> -> memref<10000x96xbf16, #tpu.memory_space<hbm>>
    tpu.wait_indirect_dma semaphore(%arg24 : memref<!tpu.dma_semaphore, #tpu.memory_space<semaphore_mem>>) src(%dma_wait3A_281 : memref<10000x96xbf16, #tpu.memory_space<hbm>>) dst(%arg14 : memref<128x96xbf16, #tpu.memory_space<vmem>>)
    %dma_start3A_282 = arith.constant 9856 : i32
    %dma_start3A_283 = tpu.memref_slice %arg8[%dma_start3A_282] : memref<10000xi32, #tpu.memory_space<vmem>> -> memref<128xi32, #tpu.memory_space<vmem>>
    %dma_start3A_284 = arith.constant 0 : i32
    %dma_start3A_285 = arith.constant 0 : i32
    %dma_start3A_286 = tpu.memref_slice %arg18[%dma_start3A_284, %dma_start3A_285] : memref<10240x96xbf16, #tpu.memory_space<vmem_shared>> -> memref<10240x96xbf16, #tpu.memory_space<vmem_shared>>
    tpu.enqueue_indirect_dma source(%arg14 : memref<128x96xbf16, #tpu.memory_space<vmem>>) target(%dma_start3A_286 : memref<10240x96xbf16, #tpu.memory_space<vmem_shared>>) offsets(%dma_start3A_283 : memref<128xi32, #tpu.memory_space<vmem>>) semaphore(%arg32 : memref<!tpu.dma_semaphore, #tpu.memory_space<semaphore_mem>>) {add = true}
    %dma_wait3A_287 = arith.constant 0 : i32
    %dma_wait3A_288 = tpu.memref_slice %arg8[%dma_wait3A_287] : memref<10000xi32, #tpu.memory_space<vmem>> -> memref<128xi32, #tpu.memory_space<vmem>>
    %dma_wait3A_289 = arith.constant 0 : i32
    %dma_wait3A_290 = arith.constant 0 : i32
    %dma_wait3A_291 = tpu.memref_slice %arg18[%dma_wait3A_289, %dma_wait3A_290] : memref<10240x96xbf16, #tpu.memory_space<vmem_shared>> -> memref<10240x96xbf16, #tpu.memory_space<vmem_shared>>
    tpu.wait_indirect_dma semaphore(%arg28 : memref<!tpu.dma_semaphore, #tpu.memory_space<semaphore_mem>>) src(%arg10 : memref<128x96xbf16, #tpu.memory_space<vmem>>) dst(%dma_wait3A_291 : memref<10240x96xbf16, #tpu.memory_space<vmem_shared>>)
    %dma_wait3A_292 = arith.constant 0 : i32
    %dma_wait3A_293 = tpu.memref_slice %arg8[%dma_wait3A_292] : memref<10000xi32, #tpu.memory_space<vmem>> -> memref<128xi32, #tpu.memory_space<vmem>>
    %dma_wait3A_294 = arith.constant 0 : i32
    %dma_wait3A_295 = arith.constant 0 : i32
    %dma_wait3A_296 = tpu.memref_slice %arg18[%dma_wait3A_294, %dma_wait3A_295] : memref<10240x96xbf16, #tpu.memory_space<vmem_shared>> -> memref<10240x96xbf16, #tpu.memory_space<vmem_shared>>
    tpu.wait_indirect_dma semaphore(%arg29 : memref<!tpu.dma_semaphore, #tpu.memory_space<semaphore_mem>>) src(%arg11 : memref<128x96xbf16, #tpu.memory_space<vmem>>) dst(%dma_wait3A_296 : memref<10240x96xbf16, #tpu.memory_space<vmem_shared>>)
    %dma_wait3A_297 = arith.constant 0 : i32
    %dma_wait3A_298 = tpu.memref_slice %arg8[%dma_wait3A_297] : memref<10000xi32, #tpu.memory_space<vmem>> -> memref<128xi32, #tpu.memory_space<vmem>>
    %dma_wait3A_299 = arith.constant 0 : i32
    %dma_wait3A_300 = arith.constant 0 : i32
    %dma_wait3A_301 = tpu.memref_slice %arg18[%dma_wait3A_299, %dma_wait3A_300] : memref<10240x96xbf16, #tpu.memory_space<vmem_shared>> -> memref<10240x96xbf16, #tpu.memory_space<vmem_shared>>
    tpu.wait_indirect_dma semaphore(%arg30 : memref<!tpu.dma_semaphore, #tpu.memory_space<semaphore_mem>>) src(%arg12 : memref<128x96xbf16, #tpu.memory_space<vmem>>) dst(%dma_wait3A_301 : memref<10240x96xbf16, #tpu.memory_space<vmem_shared>>)
    %dma_wait3A_302 = arith.constant 0 : i32
    %dma_wait3A_303 = tpu.memref_slice %arg8[%dma_wait3A_302] : memref<10000xi32, #tpu.memory_space<vmem>> -> memref<128xi32, #tpu.memory_space<vmem>>
    %dma_wait3A_304 = arith.constant 0 : i32
    %dma_wait3A_305 = arith.constant 0 : i32
    %dma_wait3A_306 = tpu.memref_slice %arg18[%dma_wait3A_304, %dma_wait3A_305] : memref<10240x96xbf16, #tpu.memory_space<vmem_shared>> -> memref<10240x96xbf16, #tpu.memory_space<vmem_shared>>
    tpu.wait_indirect_dma semaphore(%arg31 : memref<!tpu.dma_semaphore, #tpu.memory_space<semaphore_mem>>) src(%arg13 : memref<128x96xbf16, #tpu.memory_space<vmem>>) dst(%dma_wait3A_306 : memref<10240x96xbf16, #tpu.memory_space<vmem_shared>>)
    %dma_wait3A_307 = arith.constant 0 : i32
    %dma_wait3A_308 = tpu.memref_slice %arg8[%dma_wait3A_307] : memref<10000xi32, #tpu.memory_space<vmem>> -> memref<128xi32, #tpu.memory_space<vmem>>
    %dma_wait3A_309 = arith.constant 0 : i32
    %dma_wait3A_310 = arith.constant 0 : i32
    %dma_wait3A_311 = tpu.memref_slice %arg18[%dma_wait3A_309, %dma_wait3A_310] : memref<10240x96xbf16, #tpu.memory_space<vmem_shared>> -> memref<10240x96xbf16, #tpu.memory_space<vmem_shared>>
    tpu.wait_indirect_dma semaphore(%arg32 : memref<!tpu.dma_semaphore, #tpu.memory_space<semaphore_mem>>) src(%arg14 : memref<128x96xbf16, #tpu.memory_space<vmem>>) dst(%dma_wait3A_311 : memref<10240x96xbf16, #tpu.memory_space<vmem_shared>>)
    %dma_start3A_312 = arith.constant 9984 : i32
    %dma_start3A_313 = tpu.memref_slice %arg7[%dma_start3A_312] : memref<10000xi32, #tpu.memory_space<vmem>> -> memref<16xi32, #tpu.memory_space<vmem>>
    %dma_start3A_314 = arith.constant 0 : i32
    %dma_start3A_315 = arith.constant 0 : i32
    %dma_start3A_316 = tpu.memref_slice %arg3[%dma_start3A_314, %dma_start3A_315] : memref<10000x96xbf16, #tpu.memory_space<hbm>> -> memref<10000x96xbf16, #tpu.memory_space<hbm>>
    tpu.enqueue_indirect_dma source(%dma_start3A_316 : memref<10000x96xbf16, #tpu.memory_space<hbm>>) target(%arg17 : memref<16x96xbf16, #tpu.memory_space<vmem>>) offsets(%dma_start3A_313 : memref<16xi32, #tpu.memory_space<vmem>>) semaphore(%arg19 : memref<!tpu.dma_semaphore, #tpu.memory_space<semaphore_mem>>)
    %dma_wait3A_317 = arith.constant 9984 : i32
    %dma_wait3A_318 = tpu.memref_slice %arg7[%dma_wait3A_317] : memref<10000xi32, #tpu.memory_space<vmem>> -> memref<16xi32, #tpu.memory_space<vmem>>
    %dma_wait3A_319 = arith.constant 0 : i32
    %dma_wait3A_320 = arith.constant 0 : i32
    %dma_wait3A_321 = tpu.memref_slice %arg3[%dma_wait3A_319, %dma_wait3A_320] : memref<10000x96xbf16, #tpu.memory_space<hbm>> -> memref<10000x96xbf16, #tpu.memory_space<hbm>>
    tpu.wait_indirect_dma semaphore(%arg19 : memref<!tpu.dma_semaphore, #tpu.memory_space<semaphore_mem>>) src(%dma_wait3A_321 : memref<10000x96xbf16, #tpu.memory_space<hbm>>) dst(%arg17 : memref<16x96xbf16, #tpu.memory_space<vmem>>)
    "tpu.region"() ({
      %run_scoped3A = tpu.sem_alloc : memref<!tpu.dma_semaphore, #tpu.memory_space<semaphore_mem>>
      %dma_start3A_330 = arith.constant 9984 : i32
      %dma_start3A_331 = tpu.memref_slice %arg8[%dma_start3A_330] : memref<10000xi32, #tpu.memory_space<vmem>> -> memref<16xi32, #tpu.memory_space<vmem>>
      %dma_start3A_332 = arith.constant 0 : i32
      %dma_start3A_333 = arith.constant 0 : i32
      %dma_start3A_334 = tpu.memref_slice %arg18[%dma_start3A_332, %dma_start3A_333] : memref<10240x96xbf16, #tpu.memory_space<vmem_shared>> -> memref<10240x96xbf16, #tpu.memory_space<vmem_shared>>
      tpu.enqueue_indirect_dma source(%arg17 : memref<16x96xbf16, #tpu.memory_space<vmem>>) target(%dma_start3A_334 : memref<10240x96xbf16, #tpu.memory_space<vmem_shared>>) offsets(%dma_start3A_331 : memref<16xi32, #tpu.memory_space<vmem>>) semaphore(%run_scoped3A : memref<!tpu.dma_semaphore, #tpu.memory_space<semaphore_mem>>) {add = true}
      %dma_wait3A_335 = arith.constant 9984 : i32
      %dma_wait3A_336 = tpu.memref_slice %arg8[%dma_wait3A_335] : memref<10000xi32, #tpu.memory_space<vmem>> -> memref<16xi32, #tpu.memory_space<vmem>>
      %dma_wait3A_337 = arith.constant 0 : i32
      %dma_wait3A_338 = arith.constant 0 : i32
      %dma_wait3A_339 = tpu.memref_slice %arg18[%dma_wait3A_337, %dma_wait3A_338] : memref<10240x96xbf16, #tpu.memory_space<vmem_shared>> -> memref<10240x96xbf16, #tpu.memory_space<vmem_shared>>
      tpu.wait_indirect_dma semaphore(%run_scoped3A : memref<!tpu.dma_semaphore, #tpu.memory_space<semaphore_mem>>) src(%arg17 : memref<16x96xbf16, #tpu.memory_space<vmem>>) dst(%dma_wait3A_339 : memref<10240x96xbf16, #tpu.memory_space<vmem_shared>>)
      tpu.yield
    }) : () -> ()
    %barrier3A_322 = arith.constant 0 : index
    tpu.barrier barrier_id(%barrier3A_322)
    %eq3A = arith.constant 0 : i32
    %eq3A_323 = arith.cmpi eq, %arg0, %eq3A : i32
    %convert_element_type3A = arith.extui %eq3A_323 : i1 to i32
    %cond3A = arith.constant 0 : i32
    %cond3A_324 = arith.cmpi ne, %convert_element_type3A, %cond3A : i32
    scf.if %cond3A_324 {
      %mul3A_330 = arith.constant 640 : i32
      %mul3A_331 = arith.muli %arg1, %mul3A_330 : i32
      %mul3A_332 = arith.constant 640 : i32
      %mul3A_333 = arith.muli %arg1, %mul3A_332 : i32
      "tpu.region"() ({
        %run_scoped3A = tpu.sem_alloc : memref<!tpu.dma_semaphore, #tpu.memory_space<semaphore_mem>>
        %dma_start3A_334 = arith.constant 0 : i32
        %dma_start3A_335 = tpu.memref_slice %arg5[%mul3A_333, %dma_start3A_334] : memref<10240x96xbf16, #tpu.memory_space<hbm>> -> memref<640x96xbf16, #tpu.memory_space<hbm>>
        %dma_start3A_336 = arith.constant 0 : i32
        %dma_start3A_337 = tpu.memref_slice %arg18[%mul3A_331, %dma_start3A_336] : memref<10240x96xbf16, #tpu.memory_space<vmem_shared>> -> memref<640x96xbf16, #tpu.memory_space<vmem_shared>>
        tpu.enqueue_dma source(%dma_start3A_337 : memref<640x96xbf16, #tpu.memory_space<vmem_shared>>) target(%dma_start3A_335 : memref<640x96xbf16, #tpu.memory_space<hbm>>) target_semaphore(%run_scoped3A : memref<!tpu.dma_semaphore, #tpu.memory_space<semaphore_mem>>)
        %dma_wait3A_338 = arith.constant 0 : i32
        %dma_wait3A_339 = tpu.memref_slice %arg5[%mul3A_333, %dma_wait3A_338] : memref<10240x96xbf16, #tpu.memory_space<hbm>> -> memref<640x96xbf16, #tpu.memory_space<hbm>>
        %dma_wait3A_340 = arith.constant 0 : i32
        %dma_wait3A_341 = tpu.memref_slice %arg18[%mul3A_331, %dma_wait3A_340] : memref<10240x96xbf16, #tpu.memory_space<vmem_shared>> -> memref<640x96xbf16, #tpu.memory_space<vmem_shared>>
        tpu.wait_dma2 semaphore(%run_scoped3A : memref<!tpu.dma_semaphore, #tpu.memory_space<semaphore_mem>>) src(%dma_wait3A_341 : memref<640x96xbf16, #tpu.memory_space<vmem_shared>>) dst(%dma_wait3A_339 : memref<640x96xbf16, #tpu.memory_space<hbm>>)
        tpu.yield
      }) : () -> ()
    } else {
    }
    %eq3A_325 = arith.constant 1 : i32
    %eq3A_326 = arith.cmpi eq, %arg0, %eq3A_325 : i32
    %convert_element_type3A_327 = arith.extui %eq3A_326 : i1 to i32
    %cond3A_328 = arith.constant 0 : i32
    %cond3A_329 = arith.cmpi ne, %convert_element_type3A_327, %cond3A_328 : i32
    scf.if %cond3A_329 {
      %mul3A_330 = arith.constant 640 : i32
      %mul3A_331 = arith.muli %arg1, %mul3A_330 : i32
      %mul3A_332 = arith.constant 640 : i32
      %mul3A_333 = arith.muli %arg1, %mul3A_332 : i32
      "tpu.region"() ({
        %run_scoped3A = tpu.sem_alloc : memref<!tpu.dma_semaphore, #tpu.memory_space<semaphore_mem>>
        %dma_start3A_334 = arith.constant 0 : i32
        %dma_start3A_335 = tpu.memref_slice %arg6[%mul3A_333, %dma_start3A_334] : memref<10240x96xbf16, #tpu.memory_space<hbm>> -> memref<640x96xbf16, #tpu.memory_space<hbm>>
        %dma_start3A_336 = arith.constant 0 : i32
        %dma_start3A_337 = tpu.memref_slice %arg18[%mul3A_331, %dma_start3A_336] : memref<10240x96xbf16, #tpu.memory_space<vmem_shared>> -> memref<640x96xbf16, #tpu.memory_space<vmem_shared>>
        tpu.enqueue_dma source(%dma_start3A_337 : memref<640x96xbf16, #tpu.memory_space<vmem_shared>>) target(%dma_start3A_335 : memref<640x96xbf16, #tpu.memory_space<hbm>>) target_semaphore(%run_scoped3A : memref<!tpu.dma_semaphore, #tpu.memory_space<semaphore_mem>>)
        %dma_wait3A_338 = arith.constant 0 : i32
        %dma_wait3A_339 = tpu.memref_slice %arg6[%mul3A_333, %dma_wait3A_338] : memref<10240x96xbf16, #tpu.memory_space<hbm>> -> memref<640x96xbf16, #tpu.memory_space<hbm>>
        %dma_wait3A_340 = arith.constant 0 : i32
        %dma_wait3A_341 = tpu.memref_slice %arg18[%mul3A_331, %dma_wait3A_340] : memref<10240x96xbf16, #tpu.memory_space<vmem_shared>> -> memref<640x96xbf16, #tpu.memory_space<vmem_shared>>
        tpu.wait_dma2 semaphore(%run_scoped3A : memref<!tpu.dma_semaphore, #tpu.memory_space<semaphore_mem>>) src(%dma_wait3A_341 : memref<640x96xbf16, #tpu.memory_space<vmem_shared>>) dst(%dma_wait3A_339 : memref<640x96xbf16, #tpu.memory_space<hbm>>)
        tpu.yield
      }) : () -> ()
    } else {
    }
    return
  }
}

#map = affine_map<(d0, d1) -> (0, 0)>
module attributes {stable_mosaic.version = 14 : i64} {
  func.func @_sc_agg(%arg0: i32, %arg1: i32, %arg2: memref<2x320000xi32, #tpu.memory_space<hbm>>, %arg3: memref<10000x96xbf16, #tpu.memory_space<hbm>>, %arg4: memref<640x96xbf16, #tpu.memory_space<hbm>>, %arg5: memref<10240x96xbf16, #tpu.memory_space<hbm>>, %arg6: memref<10240x96xbf16, #tpu.memory_space<hbm>>, %arg7: memref<10000xi32, #tpu.memory_space<vmem>>, %arg8: memref<10000xi32, #tpu.memory_space<vmem>>, %arg9: memref<128x96xbf16, #tpu.memory_space<vmem>>, %arg10: memref<128x96xbf16, #tpu.memory_space<vmem>>, %arg11: memref<128x96xbf16, #tpu.memory_space<vmem>>, %arg12: memref<128x96xbf16, #tpu.memory_space<vmem>>, %arg13: memref<128x96xbf16, #tpu.memory_space<vmem>>, %arg14: memref<128x96xbf16, #tpu.memory_space<vmem>>, %arg15: memref<128x96xbf16, #tpu.memory_space<vmem>>, %arg16: memref<128x96xbf16, #tpu.memory_space<vmem>>, %arg17: memref<16x96xbf16, #tpu.memory_space<vmem>>, %arg18: memref<10240x96xbf16, #tpu.memory_space<vmem_shared>>, %arg19: memref<!tpu.dma_semaphore, #tpu.memory_space<semaphore_mem>>, %arg20: memref<!tpu.dma_semaphore, #tpu.memory_space<semaphore_mem>>, %arg21: memref<!tpu.dma_semaphore, #tpu.memory_space<semaphore_mem>>, %arg22: memref<!tpu.dma_semaphore, #tpu.memory_space<semaphore_mem>>, %arg23: memref<!tpu.dma_semaphore, #tpu.memory_space<semaphore_mem>>, %arg24: memref<!tpu.dma_semaphore, #tpu.memory_space<semaphore_mem>>, %arg25: memref<!tpu.dma_semaphore, #tpu.memory_space<semaphore_mem>>, %arg26: memref<!tpu.dma_semaphore, #tpu.memory_space<semaphore_mem>>, %arg27: memref<!tpu.dma_semaphore, #tpu.memory_space<semaphore_mem>>, %arg28: memref<!tpu.dma_semaphore, #tpu.memory_space<semaphore_mem>>, %arg29: memref<!tpu.dma_semaphore, #tpu.memory_space<semaphore_mem>>, %arg30: memref<!tpu.dma_semaphore, #tpu.memory_space<semaphore_mem>>, %arg31: memref<!tpu.dma_semaphore, #tpu.memory_space<semaphore_mem>>, %arg32: memref<!tpu.dma_semaphore, #tpu.memory_space<semaphore_mem>>, %arg33: memref<!tpu.dma_semaphore, #tpu.memory_space<semaphore_mem>>, %arg34: memref<!tpu.dma_semaphore, #tpu.memory_space<semaphore_mem>>, %arg35: memref<!tpu.dma_semaphore, #tpu.memory_space<semaphore_mem>>) attributes {dimension_semantics = [#tpu.dimension_semantics<core_parallel>, #tpu.dimension_semantics<subcore_parallel>], iteration_bounds = array<i64: 2, 16>, scalar_prefetch = 0 : i64, scratch_operands = 29 : i64, tpu.core_type = #tpu.core_type<sc_vector_subcore>, window_params = [{transform_indices = #map}, {transform_indices = #map}, {transform_indices = #map}, {transform_indices = #map}, {transform_indices = #map}]} {
    %mul3A = arith.constant 2 : i32
    %mul3A_0 = arith.muli %arg1, %mul3A : i32
    %add3A = arith.addi %mul3A_0, %arg0 : i32
    %mul3A_1 = arith.constant 10000 : i32
    %mul3A_2 = arith.muli %add3A, %mul3A_1 : i32
    %mul3A_3 = arith.constant 640 : i32
    %mul3A_4 = arith.muli %arg1, %mul3A_3 : i32
    %dma_start3A = arith.constant 0 : i32
    %dma_start3A_5 = tpu.memref_slice %arg18[%mul3A_4, %dma_start3A] : memref<10240x96xbf16, #tpu.memory_space<vmem_shared>> -> memref<640x96xbf16, #tpu.memory_space<vmem_shared>>
    tpu.enqueue_dma source(%arg4 : memref<640x96xbf16, #tpu.memory_space<hbm>>) target(%dma_start3A_5 : memref<640x96xbf16, #tpu.memory_space<vmem_shared>>) target_semaphore(%arg35 : memref<!tpu.dma_semaphore, #tpu.memory_space<semaphore_mem>>)
    %dma_start3A_6 = arith.constant 0 : i32
    %dma_start3A_7 = tpu.memref_slice %arg2[%dma_start3A_6, %mul3A_2] : memref<2x320000xi32, #tpu.memory_space<hbm>> -> memref<1x10000xi32, #tpu.memory_space<hbm>>
    %dma_start3A_8 = tpu.memref_squeeze %dma_start3A_7 : memref<1x10000xi32, #tpu.memory_space<hbm>> -> memref<10000xi32, #tpu.memory_space<hbm>>
    %dma_start3A_9 = tpu.memref_slice %arg2[%dma_start3A_6, %mul3A_2] : memref<2x320000xi32, #tpu.memory_space<hbm>> -> memref<1x10000xi32, #tpu.memory_space<hbm>>
    %dma_start3A_10 = tpu.memref_squeeze %dma_start3A_9 : memref<1x10000xi32, #tpu.memory_space<hbm>> -> memref<10000xi32, #tpu.memory_space<hbm>>
    tpu.enqueue_dma source(%dma_start3A_10 : memref<10000xi32, #tpu.memory_space<hbm>>) target(%arg7 : memref<10000xi32, #tpu.memory_space<vmem>>) target_semaphore(%arg19 : memref<!tpu.dma_semaphore, #tpu.memory_space<semaphore_mem>>)
    %dma_start3A_11 = arith.constant 1 : i32
    %dma_start3A_12 = tpu.memref_slice %arg2[%dma_start3A_11, %mul3A_2] : memref<2x320000xi32, #tpu.memory_space<hbm>> -> memref<1x10000xi32, #tpu.memory_space<hbm>>
    %dma_start3A_13 = tpu.memref_squeeze %dma_start3A_12 : memref<1x10000xi32, #tpu.memory_space<hbm>> -> memref<10000xi32, #tpu.memory_space<hbm>>
    %dma_start3A_14 = tpu.memref_slice %arg2[%dma_start3A_11, %mul3A_2] : memref<2x320000xi32, #tpu.memory_space<hbm>> -> memref<1x10000xi32, #tpu.memory_space<hbm>>
    %dma_start3A_15 = tpu.memref_squeeze %dma_start3A_14 : memref<1x10000xi32, #tpu.memory_space<hbm>> -> memref<10000xi32, #tpu.memory_space<hbm>>
    tpu.enqueue_dma source(%dma_start3A_15 : memref<10000xi32, #tpu.memory_space<hbm>>) target(%arg8 : memref<10000xi32, #tpu.memory_space<vmem>>) target_semaphore(%arg20 : memref<!tpu.dma_semaphore, #tpu.memory_space<semaphore_mem>>)
    %dma_wait3A = arith.constant 0 : i32
    %dma_wait3A_16 = tpu.memref_slice %arg2[%dma_wait3A, %mul3A_2] : memref<2x320000xi32, #tpu.memory_space<hbm>> -> memref<1x10000xi32, #tpu.memory_space<hbm>>
    %dma_wait3A_17 = tpu.memref_squeeze %dma_wait3A_16 : memref<1x10000xi32, #tpu.memory_space<hbm>> -> memref<10000xi32, #tpu.memory_space<hbm>>
    %dma_wait3A_18 = tpu.memref_slice %arg2[%dma_wait3A, %mul3A_2] : memref<2x320000xi32, #tpu.memory_space<hbm>> -> memref<1x10000xi32, #tpu.memory_space<hbm>>
    %dma_wait3A_19 = tpu.memref_squeeze %dma_wait3A_18 : memref<1x10000xi32, #tpu.memory_space<hbm>> -> memref<10000xi32, #tpu.memory_space<hbm>>
    tpu.wait_dma2 semaphore(%arg19 : memref<!tpu.dma_semaphore, #tpu.memory_space<semaphore_mem>>) src(%dma_wait3A_19 : memref<10000xi32, #tpu.memory_space<hbm>>) dst(%arg7 : memref<10000xi32, #tpu.memory_space<vmem>>)
    %dma_wait3A_20 = arith.constant 1 : i32
    %dma_wait3A_21 = tpu.memref_slice %arg2[%dma_wait3A_20, %mul3A_2] : memref<2x320000xi32, #tpu.memory_space<hbm>> -> memref<1x10000xi32, #tpu.memory_space<hbm>>
    %dma_wait3A_22 = tpu.memref_squeeze %dma_wait3A_21 : memref<1x10000xi32, #tpu.memory_space<hbm>> -> memref<10000xi32, #tpu.memory_space<hbm>>
    %dma_wait3A_23 = tpu.memref_slice %arg2[%dma_wait3A_20, %mul3A_2] : memref<2x320000xi32, #tpu.memory_space<hbm>> -> memref<1x10000xi32, #tpu.memory_space<hbm>>
    %dma_wait3A_24 = tpu.memref_squeeze %dma_wait3A_23 : memref<1x10000xi32, #tpu.memory_space<hbm>> -> memref<10000xi32, #tpu.memory_space<hbm>>
    tpu.wait_dma2 semaphore(%arg20 : memref<!tpu.dma_semaphore, #tpu.memory_space<semaphore_mem>>) src(%dma_wait3A_24 : memref<10000xi32, #tpu.memory_space<hbm>>) dst(%arg8 : memref<10000xi32, #tpu.memory_space<vmem>>)
    %dma_start3A_25 = arith.constant 0 : i32
    %dma_start3A_26 = tpu.memref_slice %arg7[%dma_start3A_25] : memref<10000xi32, #tpu.memory_space<vmem>> -> memref<128xi32, #tpu.memory_space<vmem>>
    %dma_start3A_27 = arith.constant 0 : i32
    %dma_start3A_28 = arith.constant 0 : i32
    %dma_start3A_29 = tpu.memref_slice %arg3[%dma_start3A_27, %dma_start3A_28] : memref<10000x96xbf16, #tpu.memory_space<hbm>> -> memref<10000x96xbf16, #tpu.memory_space<hbm>>
    tpu.enqueue_indirect_dma source(%dma_start3A_29 : memref<10000x96xbf16, #tpu.memory_space<hbm>>) target(%arg9 : memref<128x96xbf16, #tpu.memory_space<vmem>>) offsets(%dma_start3A_26 : memref<128xi32, #tpu.memory_space<vmem>>) semaphore(%arg19 : memref<!tpu.dma_semaphore, #tpu.memory_space<semaphore_mem>>)
    %dma_start3A_30 = arith.constant 128 : i32
    %dma_start3A_31 = tpu.memref_slice %arg7[%dma_start3A_30] : memref<10000xi32, #tpu.memory_space<vmem>> -> memref<128xi32, #tpu.memory_space<vmem>>
    %dma_start3A_32 = arith.constant 0 : i32
    %dma_start3A_33 = arith.constant 0 : i32
    %dma_start3A_34 = tpu.memref_slice %arg3[%dma_start3A_32, %dma_start3A_33] : memref<10000x96xbf16, #tpu.memory_space<hbm>> -> memref<10000x96xbf16, #tpu.memory_space<hbm>>
    tpu.enqueue_indirect_dma source(%dma_start3A_34 : memref<10000x96xbf16, #tpu.memory_space<hbm>>) target(%arg10 : memref<128x96xbf16, #tpu.memory_space<vmem>>) offsets(%dma_start3A_31 : memref<128xi32, #tpu.memory_space<vmem>>) semaphore(%arg20 : memref<!tpu.dma_semaphore, #tpu.memory_space<semaphore_mem>>)
    %dma_start3A_35 = arith.constant 256 : i32
    %dma_start3A_36 = tpu.memref_slice %arg7[%dma_start3A_35] : memref<10000xi32, #tpu.memory_space<vmem>> -> memref<128xi32, #tpu.memory_space<vmem>>
    %dma_start3A_37 = arith.constant 0 : i32
    %dma_start3A_38 = arith.constant 0 : i32
    %dma_start3A_39 = tpu.memref_slice %arg3[%dma_start3A_37, %dma_start3A_38] : memref<10000x96xbf16, #tpu.memory_space<hbm>> -> memref<10000x96xbf16, #tpu.memory_space<hbm>>
    tpu.enqueue_indirect_dma source(%dma_start3A_39 : memref<10000x96xbf16, #tpu.memory_space<hbm>>) target(%arg11 : memref<128x96xbf16, #tpu.memory_space<vmem>>) offsets(%dma_start3A_36 : memref<128xi32, #tpu.memory_space<vmem>>) semaphore(%arg21 : memref<!tpu.dma_semaphore, #tpu.memory_space<semaphore_mem>>)
    %dma_start3A_40 = arith.constant 384 : i32
    %dma_start3A_41 = tpu.memref_slice %arg7[%dma_start3A_40] : memref<10000xi32, #tpu.memory_space<vmem>> -> memref<128xi32, #tpu.memory_space<vmem>>
    %dma_start3A_42 = arith.constant 0 : i32
    %dma_start3A_43 = arith.constant 0 : i32
    %dma_start3A_44 = tpu.memref_slice %arg3[%dma_start3A_42, %dma_start3A_43] : memref<10000x96xbf16, #tpu.memory_space<hbm>> -> memref<10000x96xbf16, #tpu.memory_space<hbm>>
    tpu.enqueue_indirect_dma source(%dma_start3A_44 : memref<10000x96xbf16, #tpu.memory_space<hbm>>) target(%arg12 : memref<128x96xbf16, #tpu.memory_space<vmem>>) offsets(%dma_start3A_41 : memref<128xi32, #tpu.memory_space<vmem>>) semaphore(%arg22 : memref<!tpu.dma_semaphore, #tpu.memory_space<semaphore_mem>>)
    %dma_wait3A_45 = arith.constant 0 : i32
    %dma_wait3A_46 = tpu.memref_slice %arg18[%mul3A_4, %dma_wait3A_45] : memref<10240x96xbf16, #tpu.memory_space<vmem_shared>> -> memref<640x96xbf16, #tpu.memory_space<vmem_shared>>
    tpu.wait_dma2 semaphore(%arg35 : memref<!tpu.dma_semaphore, #tpu.memory_space<semaphore_mem>>) src(%arg4 : memref<640x96xbf16, #tpu.memory_space<hbm>>) dst(%dma_wait3A_46 : memref<640x96xbf16, #tpu.memory_space<vmem_shared>>)
    %barrier3A = arith.constant 0 : index
    tpu.barrier barrier_id(%barrier3A)
    %dma_wait3A_47 = arith.constant 0 : i32
    %dma_wait3A_48 = tpu.memref_slice %arg7[%dma_wait3A_47] : memref<10000xi32, #tpu.memory_space<vmem>> -> memref<128xi32, #tpu.memory_space<vmem>>
    %dma_wait3A_49 = arith.constant 0 : i32
    %dma_wait3A_50 = arith.constant 0 : i32
    %dma_wait3A_51 = tpu.memref_slice %arg3[%dma_wait3A_49, %dma_wait3A_50] : memref<10000x96xbf16, #tpu.memory_space<hbm>> -> memref<10000x96xbf16, #tpu.memory_space<hbm>>
    tpu.wait_indirect_dma semaphore(%arg19 : memref<!tpu.dma_semaphore, #tpu.memory_space<semaphore_mem>>) src(%dma_wait3A_51 : memref<10000x96xbf16, #tpu.memory_space<hbm>>) dst(%arg9 : memref<128x96xbf16, #tpu.memory_space<vmem>>)
    %dma_start3A_52 = arith.constant 0 : i32
    %dma_start3A_53 = tpu.memref_slice %arg8[%dma_start3A_52] : memref<10000xi32, #tpu.memory_space<vmem>> -> memref<128xi32, #tpu.memory_space<vmem>>
    %dma_start3A_54 = arith.constant 0 : i32
    %dma_start3A_55 = arith.constant 0 : i32
    %dma_start3A_56 = tpu.memref_slice %arg18[%dma_start3A_54, %dma_start3A_55] : memref<10240x96xbf16, #tpu.memory_space<vmem_shared>> -> memref<10240x96xbf16, #tpu.memory_space<vmem_shared>>
    tpu.enqueue_indirect_dma source(%arg9 : memref<128x96xbf16, #tpu.memory_space<vmem>>) target(%dma_start3A_56 : memref<10240x96xbf16, #tpu.memory_space<vmem_shared>>) offsets(%dma_start3A_53 : memref<128xi32, #tpu.memory_space<vmem>>) semaphore(%arg27 : memref<!tpu.dma_semaphore, #tpu.memory_space<semaphore_mem>>) {add = true}
    %dma_start3A_57 = arith.constant 512 : i32
    %dma_start3A_58 = tpu.memref_slice %arg7[%dma_start3A_57] : memref<10000xi32, #tpu.memory_space<vmem>> -> memref<128xi32, #tpu.memory_space<vmem>>
    %dma_start3A_59 = arith.constant 0 : i32
    %dma_start3A_60 = arith.constant 0 : i32
    %dma_start3A_61 = tpu.memref_slice %arg3[%dma_start3A_59, %dma_start3A_60] : memref<10000x96xbf16, #tpu.memory_space<hbm>> -> memref<10000x96xbf16, #tpu.memory_space<hbm>>
    tpu.enqueue_indirect_dma source(%dma_start3A_61 : memref<10000x96xbf16, #tpu.memory_space<hbm>>) target(%arg13 : memref<128x96xbf16, #tpu.memory_space<vmem>>) offsets(%dma_start3A_58 : memref<128xi32, #tpu.memory_space<vmem>>) semaphore(%arg23 : memref<!tpu.dma_semaphore, #tpu.memory_space<semaphore_mem>>)
    %dma_wait3A_62 = arith.constant 0 : i32
    %dma_wait3A_63 = tpu.memref_slice %arg7[%dma_wait3A_62] : memref<10000xi32, #tpu.memory_space<vmem>> -> memref<128xi32, #tpu.memory_space<vmem>>
    %dma_wait3A_64 = arith.constant 0 : i32
    %dma_wait3A_65 = arith.constant 0 : i32
    %dma_wait3A_66 = tpu.memref_slice %arg3[%dma_wait3A_64, %dma_wait3A_65] : memref<10000x96xbf16, #tpu.memory_space<hbm>> -> memref<10000x96xbf16, #tpu.memory_space<hbm>>
    tpu.wait_indirect_dma semaphore(%arg20 : memref<!tpu.dma_semaphore, #tpu.memory_space<semaphore_mem>>) src(%dma_wait3A_66 : memref<10000x96xbf16, #tpu.memory_space<hbm>>) dst(%arg10 : memref<128x96xbf16, #tpu.memory_space<vmem>>)
    %dma_start3A_67 = arith.constant 128 : i32
    %dma_start3A_68 = tpu.memref_slice %arg8[%dma_start3A_67] : memref<10000xi32, #tpu.memory_space<vmem>> -> memref<128xi32, #tpu.memory_space<vmem>>
    %dma_start3A_69 = arith.constant 0 : i32
    %dma_start3A_70 = arith.constant 0 : i32
    %dma_start3A_71 = tpu.memref_slice %arg18[%dma_start3A_69, %dma_start3A_70] : memref<10240x96xbf16, #tpu.memory_space<vmem_shared>> -> memref<10240x96xbf16, #tpu.memory_space<vmem_shared>>
    tpu.enqueue_indirect_dma source(%arg10 : memref<128x96xbf16, #tpu.memory_space<vmem>>) target(%dma_start3A_71 : memref<10240x96xbf16, #tpu.memory_space<vmem_shared>>) offsets(%dma_start3A_68 : memref<128xi32, #tpu.memory_space<vmem>>) semaphore(%arg28 : memref<!tpu.dma_semaphore, #tpu.memory_space<semaphore_mem>>) {add = true}
    %dma_start3A_72 = arith.constant 640 : i32
    %dma_start3A_73 = tpu.memref_slice %arg7[%dma_start3A_72] : memref<10000xi32, #tpu.memory_space<vmem>> -> memref<128xi32, #tpu.memory_space<vmem>>
    %dma_start3A_74 = arith.constant 0 : i32
    %dma_start3A_75 = arith.constant 0 : i32
    %dma_start3A_76 = tpu.memref_slice %arg3[%dma_start3A_74, %dma_start3A_75] : memref<10000x96xbf16, #tpu.memory_space<hbm>> -> memref<10000x96xbf16, #tpu.memory_space<hbm>>
    tpu.enqueue_indirect_dma source(%dma_start3A_76 : memref<10000x96xbf16, #tpu.memory_space<hbm>>) target(%arg14 : memref<128x96xbf16, #tpu.memory_space<vmem>>) offsets(%dma_start3A_73 : memref<128xi32, #tpu.memory_space<vmem>>) semaphore(%arg24 : memref<!tpu.dma_semaphore, #tpu.memory_space<semaphore_mem>>)
    %dma_wait3A_77 = arith.constant 0 : i32
    %dma_wait3A_78 = tpu.memref_slice %arg7[%dma_wait3A_77] : memref<10000xi32, #tpu.memory_space<vmem>> -> memref<128xi32, #tpu.memory_space<vmem>>
    %dma_wait3A_79 = arith.constant 0 : i32
    %dma_wait3A_80 = arith.constant 0 : i32
    %dma_wait3A_81 = tpu.memref_slice %arg3[%dma_wait3A_79, %dma_wait3A_80] : memref<10000x96xbf16, #tpu.memory_space<hbm>> -> memref<10000x96xbf16, #tpu.memory_space<hbm>>
    tpu.wait_indirect_dma semaphore(%arg21 : memref<!tpu.dma_semaphore, #tpu.memory_space<semaphore_mem>>) src(%dma_wait3A_81 : memref<10000x96xbf16, #tpu.memory_space<hbm>>) dst(%arg11 : memref<128x96xbf16, #tpu.memory_space<vmem>>)
    %dma_start3A_82 = arith.constant 256 : i32
    %dma_start3A_83 = tpu.memref_slice %arg8[%dma_start3A_82] : memref<10000xi32, #tpu.memory_space<vmem>> -> memref<128xi32, #tpu.memory_space<vmem>>
    %dma_start3A_84 = arith.constant 0 : i32
    %dma_start3A_85 = arith.constant 0 : i32
    %dma_start3A_86 = tpu.memref_slice %arg18[%dma_start3A_84, %dma_start3A_85] : memref<10240x96xbf16, #tpu.memory_space<vmem_shared>> -> memref<10240x96xbf16, #tpu.memory_space<vmem_shared>>
    tpu.enqueue_indirect_dma source(%arg11 : memref<128x96xbf16, #tpu.memory_space<vmem>>) target(%dma_start3A_86 : memref<10240x96xbf16, #tpu.memory_space<vmem_shared>>) offsets(%dma_start3A_83 : memref<128xi32, #tpu.memory_space<vmem>>) semaphore(%arg29 : memref<!tpu.dma_semaphore, #tpu.memory_space<semaphore_mem>>) {add = true}
    %dma_start3A_87 = arith.constant 768 : i32
    %dma_start3A_88 = tpu.memref_slice %arg7[%dma_start3A_87] : memref<10000xi32, #tpu.memory_space<vmem>> -> memref<128xi32, #tpu.memory_space<vmem>>
    %dma_start3A_89 = arith.constant 0 : i32
    %dma_start3A_90 = arith.constant 0 : i32
    %dma_start3A_91 = tpu.memref_slice %arg3[%dma_start3A_89, %dma_start3A_90] : memref<10000x96xbf16, #tpu.memory_space<hbm>> -> memref<10000x96xbf16, #tpu.memory_space<hbm>>
    tpu.enqueue_indirect_dma source(%dma_start3A_91 : memref<10000x96xbf16, #tpu.memory_space<hbm>>) target(%arg15 : memref<128x96xbf16, #tpu.memory_space<vmem>>) offsets(%dma_start3A_88 : memref<128xi32, #tpu.memory_space<vmem>>) semaphore(%arg25 : memref<!tpu.dma_semaphore, #tpu.memory_space<semaphore_mem>>)
    %dma_wait3A_92 = arith.constant 0 : i32
    %dma_wait3A_93 = tpu.memref_slice %arg7[%dma_wait3A_92] : memref<10000xi32, #tpu.memory_space<vmem>> -> memref<128xi32, #tpu.memory_space<vmem>>
    %dma_wait3A_94 = arith.constant 0 : i32
    %dma_wait3A_95 = arith.constant 0 : i32
    %dma_wait3A_96 = tpu.memref_slice %arg3[%dma_wait3A_94, %dma_wait3A_95] : memref<10000x96xbf16, #tpu.memory_space<hbm>> -> memref<10000x96xbf16, #tpu.memory_space<hbm>>
    tpu.wait_indirect_dma semaphore(%arg22 : memref<!tpu.dma_semaphore, #tpu.memory_space<semaphore_mem>>) src(%dma_wait3A_96 : memref<10000x96xbf16, #tpu.memory_space<hbm>>) dst(%arg12 : memref<128x96xbf16, #tpu.memory_space<vmem>>)
    %dma_start3A_97 = arith.constant 384 : i32
    %dma_start3A_98 = tpu.memref_slice %arg8[%dma_start3A_97] : memref<10000xi32, #tpu.memory_space<vmem>> -> memref<128xi32, #tpu.memory_space<vmem>>
    %dma_start3A_99 = arith.constant 0 : i32
    %dma_start3A_100 = arith.constant 0 : i32
    %dma_start3A_101 = tpu.memref_slice %arg18[%dma_start3A_99, %dma_start3A_100] : memref<10240x96xbf16, #tpu.memory_space<vmem_shared>> -> memref<10240x96xbf16, #tpu.memory_space<vmem_shared>>
    tpu.enqueue_indirect_dma source(%arg12 : memref<128x96xbf16, #tpu.memory_space<vmem>>) target(%dma_start3A_101 : memref<10240x96xbf16, #tpu.memory_space<vmem_shared>>) offsets(%dma_start3A_98 : memref<128xi32, #tpu.memory_space<vmem>>) semaphore(%arg30 : memref<!tpu.dma_semaphore, #tpu.memory_space<semaphore_mem>>) {add = true}
    %dma_start3A_102 = arith.constant 896 : i32
    %dma_start3A_103 = tpu.memref_slice %arg7[%dma_start3A_102] : memref<10000xi32, #tpu.memory_space<vmem>> -> memref<128xi32, #tpu.memory_space<vmem>>
    %dma_start3A_104 = arith.constant 0 : i32
    %dma_start3A_105 = arith.constant 0 : i32
    %dma_start3A_106 = tpu.memref_slice %arg3[%dma_start3A_104, %dma_start3A_105] : memref<10000x96xbf16, #tpu.memory_space<hbm>> -> memref<10000x96xbf16, #tpu.memory_space<hbm>>
    tpu.enqueue_indirect_dma source(%dma_start3A_106 : memref<10000x96xbf16, #tpu.memory_space<hbm>>) target(%arg16 : memref<128x96xbf16, #tpu.memory_space<vmem>>) offsets(%dma_start3A_103 : memref<128xi32, #tpu.memory_space<vmem>>) semaphore(%arg26 : memref<!tpu.dma_semaphore, #tpu.memory_space<semaphore_mem>>)
    %scan3A = arith.constant 0 : i32
    %scan3A_107 = arith.constant 0 : i32
    %scan3A_108 = arith.constant 8 : i32
    %scan3A_109 = arith.addi %scan3A_107, %scan3A_108 : i32
    %scan3A_110 = arith.constant 1 : i32
    scf.for %scan3A_330 = %scan3A_107 to %scan3A_109 step %scan3A_110  : i32 {
      %mul3A_331 = arith.constant 8 : i32
      %mul3A_332 = arith.muli %mul3A_331, %scan3A_330 : i32
      %add3A_333 = arith.constant 4 : i32
      %add3A_334 = arith.addi %add3A_333, %mul3A_332 : i32
      %add3A_335 = arith.constant 0 : i32
      %add3A_336 = arith.addi %add3A_334, %add3A_335 : i32
      %dma_wait3A_337 = arith.constant 0 : i32
      %dma_wait3A_338 = tpu.memref_slice %arg7[%dma_wait3A_337] : memref<10000xi32, #tpu.memory_space<vmem>> -> memref<128xi32, #tpu.memory_space<vmem>>
      %dma_wait3A_339 = arith.constant 0 : i32
      %dma_wait3A_340 = arith.constant 0 : i32
      %dma_wait3A_341 = tpu.memref_slice %arg3[%dma_wait3A_339, %dma_wait3A_340] : memref<10000x96xbf16, #tpu.memory_space<hbm>> -> memref<10000x96xbf16, #tpu.memory_space<hbm>>
      tpu.wait_indirect_dma semaphore(%arg23 : memref<!tpu.dma_semaphore, #tpu.memory_space<semaphore_mem>>) src(%dma_wait3A_341 : memref<10000x96xbf16, #tpu.memory_space<hbm>>) dst(%arg13 : memref<128x96xbf16, #tpu.memory_space<vmem>>)
      %mul3A_342 = arith.constant 128 : i32
      %mul3A_343 = arith.muli %add3A_336, %mul3A_342 : i32
      %dma_start3A_344 = tpu.memref_slice %arg8[%mul3A_343] : memref<10000xi32, #tpu.memory_space<vmem>> -> memref<128xi32, #tpu.memory_space<vmem>>
      %dma_start3A_345 = arith.constant 0 : i32
      %dma_start3A_346 = arith.constant 0 : i32
      %dma_start3A_347 = tpu.memref_slice %arg18[%dma_start3A_345, %dma_start3A_346] : memref<10240x96xbf16, #tpu.memory_space<vmem_shared>> -> memref<10240x96xbf16, #tpu.memory_space<vmem_shared>>
      tpu.enqueue_indirect_dma source(%arg13 : memref<128x96xbf16, #tpu.memory_space<vmem>>) target(%dma_start3A_347 : memref<10240x96xbf16, #tpu.memory_space<vmem_shared>>) offsets(%dma_start3A_344 : memref<128xi32, #tpu.memory_space<vmem>>) semaphore(%arg31 : memref<!tpu.dma_semaphore, #tpu.memory_space<semaphore_mem>>) {add = true}
      %dma_wait3A_348 = arith.constant 0 : i32
      %dma_wait3A_349 = tpu.memref_slice %arg8[%dma_wait3A_348] : memref<10000xi32, #tpu.memory_space<vmem>> -> memref<128xi32, #tpu.memory_space<vmem>>
      %dma_wait3A_350 = arith.constant 0 : i32
      %dma_wait3A_351 = arith.constant 0 : i32
      %dma_wait3A_352 = tpu.memref_slice %arg18[%dma_wait3A_350, %dma_wait3A_351] : memref<10240x96xbf16, #tpu.memory_space<vmem_shared>> -> memref<10240x96xbf16, #tpu.memory_space<vmem_shared>>
      tpu.wait_indirect_dma semaphore(%arg27 : memref<!tpu.dma_semaphore, #tpu.memory_space<semaphore_mem>>) src(%arg9 : memref<128x96xbf16, #tpu.memory_space<vmem>>) dst(%dma_wait3A_352 : memref<10240x96xbf16, #tpu.memory_space<vmem_shared>>)
      %add3A_353 = arith.constant 4 : i32
      %add3A_354 = arith.addi %add3A_336, %add3A_353 : i32
      %mul3A_355 = arith.constant 128 : i32
      %mul3A_356 = arith.muli %add3A_354, %mul3A_355 : i32
      %dma_start3A_357 = tpu.memref_slice %arg7[%mul3A_356] : memref<10000xi32, #tpu.memory_space<vmem>> -> memref<128xi32, #tpu.memory_space<vmem>>
      %dma_start3A_358 = arith.constant 0 : i32
      %dma_start3A_359 = arith.constant 0 : i32
      %dma_start3A_360 = tpu.memref_slice %arg3[%dma_start3A_358, %dma_start3A_359] : memref<10000x96xbf16, #tpu.memory_space<hbm>> -> memref<10000x96xbf16, #tpu.memory_space<hbm>>
      tpu.enqueue_indirect_dma source(%dma_start3A_360 : memref<10000x96xbf16, #tpu.memory_space<hbm>>) target(%arg9 : memref<128x96xbf16, #tpu.memory_space<vmem>>) offsets(%dma_start3A_357 : memref<128xi32, #tpu.memory_space<vmem>>) semaphore(%arg19 : memref<!tpu.dma_semaphore, #tpu.memory_space<semaphore_mem>>)
      %mul3A_361 = arith.constant 8 : i32
      %mul3A_362 = arith.muli %mul3A_361, %scan3A_330 : i32
      %add3A_363 = arith.constant 4 : i32
      %add3A_364 = arith.addi %add3A_363, %mul3A_362 : i32
      %add3A_365 = arith.constant 1 : i32
      %add3A_366 = arith.addi %add3A_364, %add3A_365 : i32
      %dma_wait3A_367 = arith.constant 0 : i32
      %dma_wait3A_368 = tpu.memref_slice %arg7[%dma_wait3A_367] : memref<10000xi32, #tpu.memory_space<vmem>> -> memref<128xi32, #tpu.memory_space<vmem>>
      %dma_wait3A_369 = arith.constant 0 : i32
      %dma_wait3A_370 = arith.constant 0 : i32
      %dma_wait3A_371 = tpu.memref_slice %arg3[%dma_wait3A_369, %dma_wait3A_370] : memref<10000x96xbf16, #tpu.memory_space<hbm>> -> memref<10000x96xbf16, #tpu.memory_space<hbm>>
      tpu.wait_indirect_dma semaphore(%arg24 : memref<!tpu.dma_semaphore, #tpu.memory_space<semaphore_mem>>) src(%dma_wait3A_371 : memref<10000x96xbf16, #tpu.memory_space<hbm>>) dst(%arg14 : memref<128x96xbf16, #tpu.memory_space<vmem>>)
      %mul3A_372 = arith.constant 128 : i32
      %mul3A_373 = arith.muli %add3A_366, %mul3A_372 : i32
      %dma_start3A_374 = tpu.memref_slice %arg8[%mul3A_373] : memref<10000xi32, #tpu.memory_space<vmem>> -> memref<128xi32, #tpu.memory_space<vmem>>
      %dma_start3A_375 = arith.constant 0 : i32
      %dma_start3A_376 = arith.constant 0 : i32
      %dma_start3A_377 = tpu.memref_slice %arg18[%dma_start3A_375, %dma_start3A_376] : memref<10240x96xbf16, #tpu.memory_space<vmem_shared>> -> memref<10240x96xbf16, #tpu.memory_space<vmem_shared>>
      tpu.enqueue_indirect_dma source(%arg14 : memref<128x96xbf16, #tpu.memory_space<vmem>>) target(%dma_start3A_377 : memref<10240x96xbf16, #tpu.memory_space<vmem_shared>>) offsets(%dma_start3A_374 : memref<128xi32, #tpu.memory_space<vmem>>) semaphore(%arg32 : memref<!tpu.dma_semaphore, #tpu.memory_space<semaphore_mem>>) {add = true}
      %dma_wait3A_378 = arith.constant 0 : i32
      %dma_wait3A_379 = tpu.memref_slice %arg8[%dma_wait3A_378] : memref<10000xi32, #tpu.memory_space<vmem>> -> memref<128xi32, #tpu.memory_space<vmem>>
      %dma_wait3A_380 = arith.constant 0 : i32
      %dma_wait3A_381 = arith.constant 0 : i32
      %dma_wait3A_382 = tpu.memref_slice %arg18[%dma_wait3A_380, %dma_wait3A_381] : memref<10240x96xbf16, #tpu.memory_space<vmem_shared>> -> memref<10240x96xbf16, #tpu.memory_space<vmem_shared>>
      tpu.wait_indirect_dma semaphore(%arg28 : memref<!tpu.dma_semaphore, #tpu.memory_space<semaphore_mem>>) src(%arg10 : memref<128x96xbf16, #tpu.memory_space<vmem>>) dst(%dma_wait3A_382 : memref<10240x96xbf16, #tpu.memory_space<vmem_shared>>)
      %add3A_383 = arith.constant 4 : i32
      %add3A_384 = arith.addi %add3A_366, %add3A_383 : i32
      %mul3A_385 = arith.constant 128 : i32
      %mul3A_386 = arith.muli %add3A_384, %mul3A_385 : i32
      %dma_start3A_387 = tpu.memref_slice %arg7[%mul3A_386] : memref<10000xi32, #tpu.memory_space<vmem>> -> memref<128xi32, #tpu.memory_space<vmem>>
      %dma_start3A_388 = arith.constant 0 : i32
      %dma_start3A_389 = arith.constant 0 : i32
      %dma_start3A_390 = tpu.memref_slice %arg3[%dma_start3A_388, %dma_start3A_389] : memref<10000x96xbf16, #tpu.memory_space<hbm>> -> memref<10000x96xbf16, #tpu.memory_space<hbm>>
      tpu.enqueue_indirect_dma source(%dma_start3A_390 : memref<10000x96xbf16, #tpu.memory_space<hbm>>) target(%arg10 : memref<128x96xbf16, #tpu.memory_space<vmem>>) offsets(%dma_start3A_387 : memref<128xi32, #tpu.memory_space<vmem>>) semaphore(%arg20 : memref<!tpu.dma_semaphore, #tpu.memory_space<semaphore_mem>>)
      %mul3A_391 = arith.constant 8 : i32
      %mul3A_392 = arith.muli %mul3A_391, %scan3A_330 : i32
      %add3A_393 = arith.constant 4 : i32
      %add3A_394 = arith.addi %add3A_393, %mul3A_392 : i32
      %add3A_395 = arith.constant 2 : i32
      %add3A_396 = arith.addi %add3A_394, %add3A_395 : i32
      %dma_wait3A_397 = arith.constant 0 : i32
      %dma_wait3A_398 = tpu.memref_slice %arg7[%dma_wait3A_397] : memref<10000xi32, #tpu.memory_space<vmem>> -> memref<128xi32, #tpu.memory_space<vmem>>
      %dma_wait3A_399 = arith.constant 0 : i32
      %dma_wait3A_400 = arith.constant 0 : i32
      %dma_wait3A_401 = tpu.memref_slice %arg3[%dma_wait3A_399, %dma_wait3A_400] : memref<10000x96xbf16, #tpu.memory_space<hbm>> -> memref<10000x96xbf16, #tpu.memory_space<hbm>>
      tpu.wait_indirect_dma semaphore(%arg25 : memref<!tpu.dma_semaphore, #tpu.memory_space<semaphore_mem>>) src(%dma_wait3A_401 : memref<10000x96xbf16, #tpu.memory_space<hbm>>) dst(%arg15 : memref<128x96xbf16, #tpu.memory_space<vmem>>)
      %mul3A_402 = arith.constant 128 : i32
      %mul3A_403 = arith.muli %add3A_396, %mul3A_402 : i32
      %dma_start3A_404 = tpu.memref_slice %arg8[%mul3A_403] : memref<10000xi32, #tpu.memory_space<vmem>> -> memref<128xi32, #tpu.memory_space<vmem>>
      %dma_start3A_405 = arith.constant 0 : i32
      %dma_start3A_406 = arith.constant 0 : i32
      %dma_start3A_407 = tpu.memref_slice %arg18[%dma_start3A_405, %dma_start3A_406] : memref<10240x96xbf16, #tpu.memory_space<vmem_shared>> -> memref<10240x96xbf16, #tpu.memory_space<vmem_shared>>
      tpu.enqueue_indirect_dma source(%arg15 : memref<128x96xbf16, #tpu.memory_space<vmem>>) target(%dma_start3A_407 : memref<10240x96xbf16, #tpu.memory_space<vmem_shared>>) offsets(%dma_start3A_404 : memref<128xi32, #tpu.memory_space<vmem>>) semaphore(%arg33 : memref<!tpu.dma_semaphore, #tpu.memory_space<semaphore_mem>>) {add = true}
      %dma_wait3A_408 = arith.constant 0 : i32
      %dma_wait3A_409 = tpu.memref_slice %arg8[%dma_wait3A_408] : memref<10000xi32, #tpu.memory_space<vmem>> -> memref<128xi32, #tpu.memory_space<vmem>>
      %dma_wait3A_410 = arith.constant 0 : i32
      %dma_wait3A_411 = arith.constant 0 : i32
      %dma_wait3A_412 = tpu.memref_slice %arg18[%dma_wait3A_410, %dma_wait3A_411] : memref<10240x96xbf16, #tpu.memory_space<vmem_shared>> -> memref<10240x96xbf16, #tpu.memory_space<vmem_shared>>
      tpu.wait_indirect_dma semaphore(%arg29 : memref<!tpu.dma_semaphore, #tpu.memory_space<semaphore_mem>>) src(%arg11 : memref<128x96xbf16, #tpu.memory_space<vmem>>) dst(%dma_wait3A_412 : memref<10240x96xbf16, #tpu.memory_space<vmem_shared>>)
      %add3A_413 = arith.constant 4 : i32
      %add3A_414 = arith.addi %add3A_396, %add3A_413 : i32
      %mul3A_415 = arith.constant 128 : i32
      %mul3A_416 = arith.muli %add3A_414, %mul3A_415 : i32
      %dma_start3A_417 = tpu.memref_slice %arg7[%mul3A_416] : memref<10000xi32, #tpu.memory_space<vmem>> -> memref<128xi32, #tpu.memory_space<vmem>>
      %dma_start3A_418 = arith.constant 0 : i32
      %dma_start3A_419 = arith.constant 0 : i32
      %dma_start3A_420 = tpu.memref_slice %arg3[%dma_start3A_418, %dma_start3A_419] : memref<10000x96xbf16, #tpu.memory_space<hbm>> -> memref<10000x96xbf16, #tpu.memory_space<hbm>>
      tpu.enqueue_indirect_dma source(%dma_start3A_420 : memref<10000x96xbf16, #tpu.memory_space<hbm>>) target(%arg11 : memref<128x96xbf16, #tpu.memory_space<vmem>>) offsets(%dma_start3A_417 : memref<128xi32, #tpu.memory_space<vmem>>) semaphore(%arg21 : memref<!tpu.dma_semaphore, #tpu.memory_space<semaphore_mem>>)
      %mul3A_421 = arith.constant 8 : i32
      %mul3A_422 = arith.muli %mul3A_421, %scan3A_330 : i32
      %add3A_423 = arith.constant 4 : i32
      %add3A_424 = arith.addi %add3A_423, %mul3A_422 : i32
      %add3A_425 = arith.constant 3 : i32
      %add3A_426 = arith.addi %add3A_424, %add3A_425 : i32
      %dma_wait3A_427 = arith.constant 0 : i32
      %dma_wait3A_428 = tpu.memref_slice %arg7[%dma_wait3A_427] : memref<10000xi32, #tpu.memory_space<vmem>> -> memref<128xi32, #tpu.memory_space<vmem>>
      %dma_wait3A_429 = arith.constant 0 : i32
      %dma_wait3A_430 = arith.constant 0 : i32
      %dma_wait3A_431 = tpu.memref_slice %arg3[%dma_wait3A_429, %dma_wait3A_430] : memref<10000x96xbf16, #tpu.memory_space<hbm>> -> memref<10000x96xbf16, #tpu.memory_space<hbm>>
      tpu.wait_indirect_dma semaphore(%arg26 : memref<!tpu.dma_semaphore, #tpu.memory_space<semaphore_mem>>) src(%dma_wait3A_431 : memref<10000x96xbf16, #tpu.memory_space<hbm>>) dst(%arg16 : memref<128x96xbf16, #tpu.memory_space<vmem>>)
      %mul3A_432 = arith.constant 128 : i32
      %mul3A_433 = arith.muli %add3A_426, %mul3A_432 : i32
      %dma_start3A_434 = tpu.memref_slice %arg8[%mul3A_433] : memref<10000xi32, #tpu.memory_space<vmem>> -> memref<128xi32, #tpu.memory_space<vmem>>
      %dma_start3A_435 = arith.constant 0 : i32
      %dma_start3A_436 = arith.constant 0 : i32
      %dma_start3A_437 = tpu.memref_slice %arg18[%dma_start3A_435, %dma_start3A_436] : memref<10240x96xbf16, #tpu.memory_space<vmem_shared>> -> memref<10240x96xbf16, #tpu.memory_space<vmem_shared>>
      tpu.enqueue_indirect_dma source(%arg16 : memref<128x96xbf16, #tpu.memory_space<vmem>>) target(%dma_start3A_437 : memref<10240x96xbf16, #tpu.memory_space<vmem_shared>>) offsets(%dma_start3A_434 : memref<128xi32, #tpu.memory_space<vmem>>) semaphore(%arg34 : memref<!tpu.dma_semaphore, #tpu.memory_space<semaphore_mem>>) {add = true}
      %dma_wait3A_438 = arith.constant 0 : i32
      %dma_wait3A_439 = tpu.memref_slice %arg8[%dma_wait3A_438] : memref<10000xi32, #tpu.memory_space<vmem>> -> memref<128xi32, #tpu.memory_space<vmem>>
      %dma_wait3A_440 = arith.constant 0 : i32
      %dma_wait3A_441 = arith.constant 0 : i32
      %dma_wait3A_442 = tpu.memref_slice %arg18[%dma_wait3A_440, %dma_wait3A_441] : memref<10240x96xbf16, #tpu.memory_space<vmem_shared>> -> memref<10240x96xbf16, #tpu.memory_space<vmem_shared>>
      tpu.wait_indirect_dma semaphore(%arg30 : memref<!tpu.dma_semaphore, #tpu.memory_space<semaphore_mem>>) src(%arg12 : memref<128x96xbf16, #tpu.memory_space<vmem>>) dst(%dma_wait3A_442 : memref<10240x96xbf16, #tpu.memory_space<vmem_shared>>)
      %add3A_443 = arith.constant 4 : i32
      %add3A_444 = arith.addi %add3A_426, %add3A_443 : i32
      %mul3A_445 = arith.constant 128 : i32
      %mul3A_446 = arith.muli %add3A_444, %mul3A_445 : i32
      %dma_start3A_447 = tpu.memref_slice %arg7[%mul3A_446] : memref<10000xi32, #tpu.memory_space<vmem>> -> memref<128xi32, #tpu.memory_space<vmem>>
      %dma_start3A_448 = arith.constant 0 : i32
      %dma_start3A_449 = arith.constant 0 : i32
      %dma_start3A_450 = tpu.memref_slice %arg3[%dma_start3A_448, %dma_start3A_449] : memref<10000x96xbf16, #tpu.memory_space<hbm>> -> memref<10000x96xbf16, #tpu.memory_space<hbm>>
      tpu.enqueue_indirect_dma source(%dma_start3A_450 : memref<10000x96xbf16, #tpu.memory_space<hbm>>) target(%arg12 : memref<128x96xbf16, #tpu.memory_space<vmem>>) offsets(%dma_start3A_447 : memref<128xi32, #tpu.memory_space<vmem>>) semaphore(%arg22 : memref<!tpu.dma_semaphore, #tpu.memory_space<semaphore_mem>>)
      %mul3A_451 = arith.constant 8 : i32
      %mul3A_452 = arith.muli %mul3A_451, %scan3A_330 : i32
      %add3A_453 = arith.constant 4 : i32
      %add3A_454 = arith.addi %add3A_453, %mul3A_452 : i32
      %add3A_455 = arith.constant 4 : i32
      %add3A_456 = arith.addi %add3A_454, %add3A_455 : i32
      %dma_wait3A_457 = arith.constant 0 : i32
      %dma_wait3A_458 = tpu.memref_slice %arg7[%dma_wait3A_457] : memref<10000xi32, #tpu.memory_space<vmem>> -> memref<128xi32, #tpu.memory_space<vmem>>
      %dma_wait3A_459 = arith.constant 0 : i32
      %dma_wait3A_460 = arith.constant 0 : i32
      %dma_wait3A_461 = tpu.memref_slice %arg3[%dma_wait3A_459, %dma_wait3A_460] : memref<10000x96xbf16, #tpu.memory_space<hbm>> -> memref<10000x96xbf16, #tpu.memory_space<hbm>>
      tpu.wait_indirect_dma semaphore(%arg19 : memref<!tpu.dma_semaphore, #tpu.memory_space<semaphore_mem>>) src(%dma_wait3A_461 : memref<10000x96xbf16, #tpu.memory_space<hbm>>) dst(%arg9 : memref<128x96xbf16, #tpu.memory_space<vmem>>)
      %mul3A_462 = arith.constant 128 : i32
      %mul3A_463 = arith.muli %add3A_456, %mul3A_462 : i32
      %dma_start3A_464 = tpu.memref_slice %arg8[%mul3A_463] : memref<10000xi32, #tpu.memory_space<vmem>> -> memref<128xi32, #tpu.memory_space<vmem>>
      %dma_start3A_465 = arith.constant 0 : i32
      %dma_start3A_466 = arith.constant 0 : i32
      %dma_start3A_467 = tpu.memref_slice %arg18[%dma_start3A_465, %dma_start3A_466] : memref<10240x96xbf16, #tpu.memory_space<vmem_shared>> -> memref<10240x96xbf16, #tpu.memory_space<vmem_shared>>
      tpu.enqueue_indirect_dma source(%arg9 : memref<128x96xbf16, #tpu.memory_space<vmem>>) target(%dma_start3A_467 : memref<10240x96xbf16, #tpu.memory_space<vmem_shared>>) offsets(%dma_start3A_464 : memref<128xi32, #tpu.memory_space<vmem>>) semaphore(%arg27 : memref<!tpu.dma_semaphore, #tpu.memory_space<semaphore_mem>>) {add = true}
      %dma_wait3A_468 = arith.constant 0 : i32
      %dma_wait3A_469 = tpu.memref_slice %arg8[%dma_wait3A_468] : memref<10000xi32, #tpu.memory_space<vmem>> -> memref<128xi32, #tpu.memory_space<vmem>>
      %dma_wait3A_470 = arith.constant 0 : i32
      %dma_wait3A_471 = arith.constant 0 : i32
      %dma_wait3A_472 = tpu.memref_slice %arg18[%dma_wait3A_470, %dma_wait3A_471] : memref<10240x96xbf16, #tpu.memory_space<vmem_shared>> -> memref<10240x96xbf16, #tpu.memory_space<vmem_shared>>
      tpu.wait_indirect_dma semaphore(%arg31 : memref<!tpu.dma_semaphore, #tpu.memory_space<semaphore_mem>>) src(%arg13 : memref<128x96xbf16, #tpu.memory_space<vmem>>) dst(%dma_wait3A_472 : memref<10240x96xbf16, #tpu.memory_space<vmem_shared>>)
      %add3A_473 = arith.constant 4 : i32
      %add3A_474 = arith.addi %add3A_456, %add3A_473 : i32
      %mul3A_475 = arith.constant 128 : i32
      %mul3A_476 = arith.muli %add3A_474, %mul3A_475 : i32
      %dma_start3A_477 = tpu.memref_slice %arg7[%mul3A_476] : memref<10000xi32, #tpu.memory_space<vmem>> -> memref<128xi32, #tpu.memory_space<vmem>>
      %dma_start3A_478 = arith.constant 0 : i32
      %dma_start3A_479 = arith.constant 0 : i32
      %dma_start3A_480 = tpu.memref_slice %arg3[%dma_start3A_478, %dma_start3A_479] : memref<10000x96xbf16, #tpu.memory_space<hbm>> -> memref<10000x96xbf16, #tpu.memory_space<hbm>>
      tpu.enqueue_indirect_dma source(%dma_start3A_480 : memref<10000x96xbf16, #tpu.memory_space<hbm>>) target(%arg13 : memref<128x96xbf16, #tpu.memory_space<vmem>>) offsets(%dma_start3A_477 : memref<128xi32, #tpu.memory_space<vmem>>) semaphore(%arg23 : memref<!tpu.dma_semaphore, #tpu.memory_space<semaphore_mem>>)
      %mul3A_481 = arith.constant 8 : i32
      %mul3A_482 = arith.muli %mul3A_481, %scan3A_330 : i32
      %add3A_483 = arith.constant 4 : i32
      %add3A_484 = arith.addi %add3A_483, %mul3A_482 : i32
      %add3A_485 = arith.constant 5 : i32
      %add3A_486 = arith.addi %add3A_484, %add3A_485 : i32
      %dma_wait3A_487 = arith.constant 0 : i32
      %dma_wait3A_488 = tpu.memref_slice %arg7[%dma_wait3A_487] : memref<10000xi32, #tpu.memory_space<vmem>> -> memref<128xi32, #tpu.memory_space<vmem>>
      %dma_wait3A_489 = arith.constant 0 : i32
      %dma_wait3A_490 = arith.constant 0 : i32
      %dma_wait3A_491 = tpu.memref_slice %arg3[%dma_wait3A_489, %dma_wait3A_490] : memref<10000x96xbf16, #tpu.memory_space<hbm>> -> memref<10000x96xbf16, #tpu.memory_space<hbm>>
      tpu.wait_indirect_dma semaphore(%arg20 : memref<!tpu.dma_semaphore, #tpu.memory_space<semaphore_mem>>) src(%dma_wait3A_491 : memref<10000x96xbf16, #tpu.memory_space<hbm>>) dst(%arg10 : memref<128x96xbf16, #tpu.memory_space<vmem>>)
      %mul3A_492 = arith.constant 128 : i32
      %mul3A_493 = arith.muli %add3A_486, %mul3A_492 : i32
      %dma_start3A_494 = tpu.memref_slice %arg8[%mul3A_493] : memref<10000xi32, #tpu.memory_space<vmem>> -> memref<128xi32, #tpu.memory_space<vmem>>
      %dma_start3A_495 = arith.constant 0 : i32
      %dma_start3A_496 = arith.constant 0 : i32
      %dma_start3A_497 = tpu.memref_slice %arg18[%dma_start3A_495, %dma_start3A_496] : memref<10240x96xbf16, #tpu.memory_space<vmem_shared>> -> memref<10240x96xbf16, #tpu.memory_space<vmem_shared>>
      tpu.enqueue_indirect_dma source(%arg10 : memref<128x96xbf16, #tpu.memory_space<vmem>>) target(%dma_start3A_497 : memref<10240x96xbf16, #tpu.memory_space<vmem_shared>>) offsets(%dma_start3A_494 : memref<128xi32, #tpu.memory_space<vmem>>) semaphore(%arg28 : memref<!tpu.dma_semaphore, #tpu.memory_space<semaphore_mem>>) {add = true}
      %dma_wait3A_498 = arith.constant 0 : i32
      %dma_wait3A_499 = tpu.memref_slice %arg8[%dma_wait3A_498] : memref<10000xi32, #tpu.memory_space<vmem>> -> memref<128xi32, #tpu.memory_space<vmem>>
      %dma_wait3A_500 = arith.constant 0 : i32
      %dma_wait3A_501 = arith.constant 0 : i32
      %dma_wait3A_502 = tpu.memref_slice %arg18[%dma_wait3A_500, %dma_wait3A_501] : memref<10240x96xbf16, #tpu.memory_space<vmem_shared>> -> memref<10240x96xbf16, #tpu.memory_space<vmem_shared>>
      tpu.wait_indirect_dma semaphore(%arg32 : memref<!tpu.dma_semaphore, #tpu.memory_space<semaphore_mem>>) src(%arg14 : memref<128x96xbf16, #tpu.memory_space<vmem>>) dst(%dma_wait3A_502 : memref<10240x96xbf16, #tpu.memory_space<vmem_shared>>)
      %add3A_503 = arith.constant 4 : i32
      %add3A_504 = arith.addi %add3A_486, %add3A_503 : i32
      %mul3A_505 = arith.constant 128 : i32
      %mul3A_506 = arith.muli %add3A_504, %mul3A_505 : i32
      %dma_start3A_507 = tpu.memref_slice %arg7[%mul3A_506] : memref<10000xi32, #tpu.memory_space<vmem>> -> memref<128xi32, #tpu.memory_space<vmem>>
      %dma_start3A_508 = arith.constant 0 : i32
      %dma_start3A_509 = arith.constant 0 : i32
      %dma_start3A_510 = tpu.memref_slice %arg3[%dma_start3A_508, %dma_start3A_509] : memref<10000x96xbf16, #tpu.memory_space<hbm>> -> memref<10000x96xbf16, #tpu.memory_space<hbm>>
      tpu.enqueue_indirect_dma source(%dma_start3A_510 : memref<10000x96xbf16, #tpu.memory_space<hbm>>) target(%arg14 : memref<128x96xbf16, #tpu.memory_space<vmem>>) offsets(%dma_start3A_507 : memref<128xi32, #tpu.memory_space<vmem>>) semaphore(%arg24 : memref<!tpu.dma_semaphore, #tpu.memory_space<semaphore_mem>>)
      %mul3A_511 = arith.constant 8 : i32
      %mul3A_512 = arith.muli %mul3A_511, %scan3A_330 : i32
      %add3A_513 = arith.constant 4 : i32
      %add3A_514 = arith.addi %add3A_513, %mul3A_512 : i32
      %add3A_515 = arith.constant 6 : i32
      %add3A_516 = arith.addi %add3A_514, %add3A_515 : i32
      %dma_wait3A_517 = arith.constant 0 : i32
      %dma_wait3A_518 = tpu.memref_slice %arg7[%dma_wait3A_517] : memref<10000xi32, #tpu.memory_space<vmem>> -> memref<128xi32, #tpu.memory_space<vmem>>
      %dma_wait3A_519 = arith.constant 0 : i32
      %dma_wait3A_520 = arith.constant 0 : i32
      %dma_wait3A_521 = tpu.memref_slice %arg3[%dma_wait3A_519, %dma_wait3A_520] : memref<10000x96xbf16, #tpu.memory_space<hbm>> -> memref<10000x96xbf16, #tpu.memory_space<hbm>>
      tpu.wait_indirect_dma semaphore(%arg21 : memref<!tpu.dma_semaphore, #tpu.memory_space<semaphore_mem>>) src(%dma_wait3A_521 : memref<10000x96xbf16, #tpu.memory_space<hbm>>) dst(%arg11 : memref<128x96xbf16, #tpu.memory_space<vmem>>)
      %mul3A_522 = arith.constant 128 : i32
      %mul3A_523 = arith.muli %add3A_516, %mul3A_522 : i32
      %dma_start3A_524 = tpu.memref_slice %arg8[%mul3A_523] : memref<10000xi32, #tpu.memory_space<vmem>> -> memref<128xi32, #tpu.memory_space<vmem>>
      %dma_start3A_525 = arith.constant 0 : i32
      %dma_start3A_526 = arith.constant 0 : i32
      %dma_start3A_527 = tpu.memref_slice %arg18[%dma_start3A_525, %dma_start3A_526] : memref<10240x96xbf16, #tpu.memory_space<vmem_shared>> -> memref<10240x96xbf16, #tpu.memory_space<vmem_shared>>
      tpu.enqueue_indirect_dma source(%arg11 : memref<128x96xbf16, #tpu.memory_space<vmem>>) target(%dma_start3A_527 : memref<10240x96xbf16, #tpu.memory_space<vmem_shared>>) offsets(%dma_start3A_524 : memref<128xi32, #tpu.memory_space<vmem>>) semaphore(%arg29 : memref<!tpu.dma_semaphore, #tpu.memory_space<semaphore_mem>>) {add = true}
      %dma_wait3A_528 = arith.constant 0 : i32
      %dma_wait3A_529 = tpu.memref_slice %arg8[%dma_wait3A_528] : memref<10000xi32, #tpu.memory_space<vmem>> -> memref<128xi32, #tpu.memory_space<vmem>>
      %dma_wait3A_530 = arith.constant 0 : i32
      %dma_wait3A_531 = arith.constant 0 : i32
      %dma_wait3A_532 = tpu.memref_slice %arg18[%dma_wait3A_530, %dma_wait3A_531] : memref<10240x96xbf16, #tpu.memory_space<vmem_shared>> -> memref<10240x96xbf16, #tpu.memory_space<vmem_shared>>
      tpu.wait_indirect_dma semaphore(%arg33 : memref<!tpu.dma_semaphore, #tpu.memory_space<semaphore_mem>>) src(%arg15 : memref<128x96xbf16, #tpu.memory_space<vmem>>) dst(%dma_wait3A_532 : memref<10240x96xbf16, #tpu.memory_space<vmem_shared>>)
      %add3A_533 = arith.constant 4 : i32
      %add3A_534 = arith.addi %add3A_516, %add3A_533 : i32
      %mul3A_535 = arith.constant 128 : i32
      %mul3A_536 = arith.muli %add3A_534, %mul3A_535 : i32
      %dma_start3A_537 = tpu.memref_slice %arg7[%mul3A_536] : memref<10000xi32, #tpu.memory_space<vmem>> -> memref<128xi32, #tpu.memory_space<vmem>>
      %dma_start3A_538 = arith.constant 0 : i32
      %dma_start3A_539 = arith.constant 0 : i32
      %dma_start3A_540 = tpu.memref_slice %arg3[%dma_start3A_538, %dma_start3A_539] : memref<10000x96xbf16, #tpu.memory_space<hbm>> -> memref<10000x96xbf16, #tpu.memory_space<hbm>>
      tpu.enqueue_indirect_dma source(%dma_start3A_540 : memref<10000x96xbf16, #tpu.memory_space<hbm>>) target(%arg15 : memref<128x96xbf16, #tpu.memory_space<vmem>>) offsets(%dma_start3A_537 : memref<128xi32, #tpu.memory_space<vmem>>) semaphore(%arg25 : memref<!tpu.dma_semaphore, #tpu.memory_space<semaphore_mem>>)
      %mul3A_541 = arith.constant 8 : i32
      %mul3A_542 = arith.muli %mul3A_541, %scan3A_330 : i32
      %add3A_543 = arith.constant 4 : i32
      %add3A_544 = arith.addi %add3A_543, %mul3A_542 : i32
      %add3A_545 = arith.constant 7 : i32
      %add3A_546 = arith.addi %add3A_544, %add3A_545 : i32
      %dma_wait3A_547 = arith.constant 0 : i32
      %dma_wait3A_548 = tpu.memref_slice %arg7[%dma_wait3A_547] : memref<10000xi32, #tpu.memory_space<vmem>> -> memref<128xi32, #tpu.memory_space<vmem>>
      %dma_wait3A_549 = arith.constant 0 : i32
      %dma_wait3A_550 = arith.constant 0 : i32
      %dma_wait3A_551 = tpu.memref_slice %arg3[%dma_wait3A_549, %dma_wait3A_550] : memref<10000x96xbf16, #tpu.memory_space<hbm>> -> memref<10000x96xbf16, #tpu.memory_space<hbm>>
      tpu.wait_indirect_dma semaphore(%arg22 : memref<!tpu.dma_semaphore, #tpu.memory_space<semaphore_mem>>) src(%dma_wait3A_551 : memref<10000x96xbf16, #tpu.memory_space<hbm>>) dst(%arg12 : memref<128x96xbf16, #tpu.memory_space<vmem>>)
      %mul3A_552 = arith.constant 128 : i32
      %mul3A_553 = arith.muli %add3A_546, %mul3A_552 : i32
      %dma_start3A_554 = tpu.memref_slice %arg8[%mul3A_553] : memref<10000xi32, #tpu.memory_space<vmem>> -> memref<128xi32, #tpu.memory_space<vmem>>
      %dma_start3A_555 = arith.constant 0 : i32
      %dma_start3A_556 = arith.constant 0 : i32
      %dma_start3A_557 = tpu.memref_slice %arg18[%dma_start3A_555, %dma_start3A_556] : memref<10240x96xbf16, #tpu.memory_space<vmem_shared>> -> memref<10240x96xbf16, #tpu.memory_space<vmem_shared>>
      tpu.enqueue_indirect_dma source(%arg12 : memref<128x96xbf16, #tpu.memory_space<vmem>>) target(%dma_start3A_557 : memref<10240x96xbf16, #tpu.memory_space<vmem_shared>>) offsets(%dma_start3A_554 : memref<128xi32, #tpu.memory_space<vmem>>) semaphore(%arg30 : memref<!tpu.dma_semaphore, #tpu.memory_space<semaphore_mem>>) {add = true}
      %dma_wait3A_558 = arith.constant 0 : i32
      %dma_wait3A_559 = tpu.memref_slice %arg8[%dma_wait3A_558] : memref<10000xi32, #tpu.memory_space<vmem>> -> memref<128xi32, #tpu.memory_space<vmem>>
      %dma_wait3A_560 = arith.constant 0 : i32
      %dma_wait3A_561 = arith.constant 0 : i32
      %dma_wait3A_562 = tpu.memref_slice %arg18[%dma_wait3A_560, %dma_wait3A_561] : memref<10240x96xbf16, #tpu.memory_space<vmem_shared>> -> memref<10240x96xbf16, #tpu.memory_space<vmem_shared>>
      tpu.wait_indirect_dma semaphore(%arg34 : memref<!tpu.dma_semaphore, #tpu.memory_space<semaphore_mem>>) src(%arg16 : memref<128x96xbf16, #tpu.memory_space<vmem>>) dst(%dma_wait3A_562 : memref<10240x96xbf16, #tpu.memory_space<vmem_shared>>)
      %add3A_563 = arith.constant 4 : i32
      %add3A_564 = arith.addi %add3A_546, %add3A_563 : i32
      %mul3A_565 = arith.constant 128 : i32
      %mul3A_566 = arith.muli %add3A_564, %mul3A_565 : i32
      %dma_start3A_567 = tpu.memref_slice %arg7[%mul3A_566] : memref<10000xi32, #tpu.memory_space<vmem>> -> memref<128xi32, #tpu.memory_space<vmem>>
      %dma_start3A_568 = arith.constant 0 : i32
      %dma_start3A_569 = arith.constant 0 : i32
      %dma_start3A_570 = tpu.memref_slice %arg3[%dma_start3A_568, %dma_start3A_569] : memref<10000x96xbf16, #tpu.memory_space<hbm>> -> memref<10000x96xbf16, #tpu.memory_space<hbm>>
      tpu.enqueue_indirect_dma source(%dma_start3A_570 : memref<10000x96xbf16, #tpu.memory_space<hbm>>) target(%arg16 : memref<128x96xbf16, #tpu.memory_space<vmem>>) offsets(%dma_start3A_567 : memref<128xi32, #tpu.memory_space<vmem>>) semaphore(%arg26 : memref<!tpu.dma_semaphore, #tpu.memory_space<semaphore_mem>>)
    }
    %scan3A_111 = arith.constant 8 : i32
    %dma_wait3A_112 = arith.constant 0 : i32
    %dma_wait3A_113 = tpu.memref_slice %arg7[%dma_wait3A_112] : memref<10000xi32, #tpu.memory_space<vmem>> -> memref<128xi32, #tpu.memory_space<vmem>>
    %dma_wait3A_114 = arith.constant 0 : i32
    %dma_wait3A_115 = arith.constant 0 : i32
    %dma_wait3A_116 = tpu.memref_slice %arg3[%dma_wait3A_114, %dma_wait3A_115] : memref<10000x96xbf16, #tpu.memory_space<hbm>> -> memref<10000x96xbf16, #tpu.memory_space<hbm>>
    tpu.wait_indirect_dma semaphore(%arg23 : memref<!tpu.dma_semaphore, #tpu.memory_space<semaphore_mem>>) src(%dma_wait3A_116 : memref<10000x96xbf16, #tpu.memory_space<hbm>>) dst(%arg13 : memref<128x96xbf16, #tpu.memory_space<vmem>>)
    %dma_start3A_117 = arith.constant 8704 : i32
    %dma_start3A_118 = tpu.memref_slice %arg8[%dma_start3A_117] : memref<10000xi32, #tpu.memory_space<vmem>> -> memref<128xi32, #tpu.memory_space<vmem>>
    %dma_start3A_119 = arith.constant 0 : i32
    %dma_start3A_120 = arith.constant 0 : i32
    %dma_start3A_121 = tpu.memref_slice %arg18[%dma_start3A_119, %dma_start3A_120] : memref<10240x96xbf16, #tpu.memory_space<vmem_shared>> -> memref<10240x96xbf16, #tpu.memory_space<vmem_shared>>
    tpu.enqueue_indirect_dma source(%arg13 : memref<128x96xbf16, #tpu.memory_space<vmem>>) target(%dma_start3A_121 : memref<10240x96xbf16, #tpu.memory_space<vmem_shared>>) offsets(%dma_start3A_118 : memref<128xi32, #tpu.memory_space<vmem>>) semaphore(%arg31 : memref<!tpu.dma_semaphore, #tpu.memory_space<semaphore_mem>>) {add = true}
    %dma_wait3A_122 = arith.constant 0 : i32
    %dma_wait3A_123 = tpu.memref_slice %arg8[%dma_wait3A_122] : memref<10000xi32, #tpu.memory_space<vmem>> -> memref<128xi32, #tpu.memory_space<vmem>>
    %dma_wait3A_124 = arith.constant 0 : i32
    %dma_wait3A_125 = arith.constant 0 : i32
    %dma_wait3A_126 = tpu.memref_slice %arg18[%dma_wait3A_124, %dma_wait3A_125] : memref<10240x96xbf16, #tpu.memory_space<vmem_shared>> -> memref<10240x96xbf16, #tpu.memory_space<vmem_shared>>
    tpu.wait_indirect_dma semaphore(%arg27 : memref<!tpu.dma_semaphore, #tpu.memory_space<semaphore_mem>>) src(%arg9 : memref<128x96xbf16, #tpu.memory_space<vmem>>) dst(%dma_wait3A_126 : memref<10240x96xbf16, #tpu.memory_space<vmem_shared>>)
    %dma_start3A_127 = arith.constant 9216 : i32
    %dma_start3A_128 = tpu.memref_slice %arg7[%dma_start3A_127] : memref<10000xi32, #tpu.memory_space<vmem>> -> memref<128xi32, #tpu.memory_space<vmem>>
    %dma_start3A_129 = arith.constant 0 : i32
    %dma_start3A_130 = arith.constant 0 : i32
    %dma_start3A_131 = tpu.memref_slice %arg3[%dma_start3A_129, %dma_start3A_130] : memref<10000x96xbf16, #tpu.memory_space<hbm>> -> memref<10000x96xbf16, #tpu.memory_space<hbm>>
    tpu.enqueue_indirect_dma source(%dma_start3A_131 : memref<10000x96xbf16, #tpu.memory_space<hbm>>) target(%arg9 : memref<128x96xbf16, #tpu.memory_space<vmem>>) offsets(%dma_start3A_128 : memref<128xi32, #tpu.memory_space<vmem>>) semaphore(%arg19 : memref<!tpu.dma_semaphore, #tpu.memory_space<semaphore_mem>>)
    %dma_wait3A_132 = arith.constant 0 : i32
    %dma_wait3A_133 = tpu.memref_slice %arg7[%dma_wait3A_132] : memref<10000xi32, #tpu.memory_space<vmem>> -> memref<128xi32, #tpu.memory_space<vmem>>
    %dma_wait3A_134 = arith.constant 0 : i32
    %dma_wait3A_135 = arith.constant 0 : i32
    %dma_wait3A_136 = tpu.memref_slice %arg3[%dma_wait3A_134, %dma_wait3A_135] : memref<10000x96xbf16, #tpu.memory_space<hbm>> -> memref<10000x96xbf16, #tpu.memory_space<hbm>>
    tpu.wait_indirect_dma semaphore(%arg24 : memref<!tpu.dma_semaphore, #tpu.memory_space<semaphore_mem>>) src(%dma_wait3A_136 : memref<10000x96xbf16, #tpu.memory_space<hbm>>) dst(%arg14 : memref<128x96xbf16, #tpu.memory_space<vmem>>)
    %dma_start3A_137 = arith.constant 8832 : i32
    %dma_start3A_138 = tpu.memref_slice %arg8[%dma_start3A_137] : memref<10000xi32, #tpu.memory_space<vmem>> -> memref<128xi32, #tpu.memory_space<vmem>>
    %dma_start3A_139 = arith.constant 0 : i32
    %dma_start3A_140 = arith.constant 0 : i32
    %dma_start3A_141 = tpu.memref_slice %arg18[%dma_start3A_139, %dma_start3A_140] : memref<10240x96xbf16, #tpu.memory_space<vmem_shared>> -> memref<10240x96xbf16, #tpu.memory_space<vmem_shared>>
    tpu.enqueue_indirect_dma source(%arg14 : memref<128x96xbf16, #tpu.memory_space<vmem>>) target(%dma_start3A_141 : memref<10240x96xbf16, #tpu.memory_space<vmem_shared>>) offsets(%dma_start3A_138 : memref<128xi32, #tpu.memory_space<vmem>>) semaphore(%arg32 : memref<!tpu.dma_semaphore, #tpu.memory_space<semaphore_mem>>) {add = true}
    %dma_wait3A_142 = arith.constant 0 : i32
    %dma_wait3A_143 = tpu.memref_slice %arg8[%dma_wait3A_142] : memref<10000xi32, #tpu.memory_space<vmem>> -> memref<128xi32, #tpu.memory_space<vmem>>
    %dma_wait3A_144 = arith.constant 0 : i32
    %dma_wait3A_145 = arith.constant 0 : i32
    %dma_wait3A_146 = tpu.memref_slice %arg18[%dma_wait3A_144, %dma_wait3A_145] : memref<10240x96xbf16, #tpu.memory_space<vmem_shared>> -> memref<10240x96xbf16, #tpu.memory_space<vmem_shared>>
    tpu.wait_indirect_dma semaphore(%arg28 : memref<!tpu.dma_semaphore, #tpu.memory_space<semaphore_mem>>) src(%arg10 : memref<128x96xbf16, #tpu.memory_space<vmem>>) dst(%dma_wait3A_146 : memref<10240x96xbf16, #tpu.memory_space<vmem_shared>>)
    %dma_start3A_147 = arith.constant 9344 : i32
    %dma_start3A_148 = tpu.memref_slice %arg7[%dma_start3A_147] : memref<10000xi32, #tpu.memory_space<vmem>> -> memref<128xi32, #tpu.memory_space<vmem>>
    %dma_start3A_149 = arith.constant 0 : i32
    %dma_start3A_150 = arith.constant 0 : i32
    %dma_start3A_151 = tpu.memref_slice %arg3[%dma_start3A_149, %dma_start3A_150] : memref<10000x96xbf16, #tpu.memory_space<hbm>> -> memref<10000x96xbf16, #tpu.memory_space<hbm>>
    tpu.enqueue_indirect_dma source(%dma_start3A_151 : memref<10000x96xbf16, #tpu.memory_space<hbm>>) target(%arg10 : memref<128x96xbf16, #tpu.memory_space<vmem>>) offsets(%dma_start3A_148 : memref<128xi32, #tpu.memory_space<vmem>>) semaphore(%arg20 : memref<!tpu.dma_semaphore, #tpu.memory_space<semaphore_mem>>)
    %dma_wait3A_152 = arith.constant 0 : i32
    %dma_wait3A_153 = tpu.memref_slice %arg7[%dma_wait3A_152] : memref<10000xi32, #tpu.memory_space<vmem>> -> memref<128xi32, #tpu.memory_space<vmem>>
    %dma_wait3A_154 = arith.constant 0 : i32
    %dma_wait3A_155 = arith.constant 0 : i32
    %dma_wait3A_156 = tpu.memref_slice %arg3[%dma_wait3A_154, %dma_wait3A_155] : memref<10000x96xbf16, #tpu.memory_space<hbm>> -> memref<10000x96xbf16, #tpu.memory_space<hbm>>
    tpu.wait_indirect_dma semaphore(%arg25 : memref<!tpu.dma_semaphore, #tpu.memory_space<semaphore_mem>>) src(%dma_wait3A_156 : memref<10000x96xbf16, #tpu.memory_space<hbm>>) dst(%arg15 : memref<128x96xbf16, #tpu.memory_space<vmem>>)
    %dma_start3A_157 = arith.constant 8960 : i32
    %dma_start3A_158 = tpu.memref_slice %arg8[%dma_start3A_157] : memref<10000xi32, #tpu.memory_space<vmem>> -> memref<128xi32, #tpu.memory_space<vmem>>
    %dma_start3A_159 = arith.constant 0 : i32
    %dma_start3A_160 = arith.constant 0 : i32
    %dma_start3A_161 = tpu.memref_slice %arg18[%dma_start3A_159, %dma_start3A_160] : memref<10240x96xbf16, #tpu.memory_space<vmem_shared>> -> memref<10240x96xbf16, #tpu.memory_space<vmem_shared>>
    tpu.enqueue_indirect_dma source(%arg15 : memref<128x96xbf16, #tpu.memory_space<vmem>>) target(%dma_start3A_161 : memref<10240x96xbf16, #tpu.memory_space<vmem_shared>>) offsets(%dma_start3A_158 : memref<128xi32, #tpu.memory_space<vmem>>) semaphore(%arg33 : memref<!tpu.dma_semaphore, #tpu.memory_space<semaphore_mem>>) {add = true}
    %dma_wait3A_162 = arith.constant 0 : i32
    %dma_wait3A_163 = tpu.memref_slice %arg8[%dma_wait3A_162] : memref<10000xi32, #tpu.memory_space<vmem>> -> memref<128xi32, #tpu.memory_space<vmem>>
    %dma_wait3A_164 = arith.constant 0 : i32
    %dma_wait3A_165 = arith.constant 0 : i32
    %dma_wait3A_166 = tpu.memref_slice %arg18[%dma_wait3A_164, %dma_wait3A_165] : memref<10240x96xbf16, #tpu.memory_space<vmem_shared>> -> memref<10240x96xbf16, #tpu.memory_space<vmem_shared>>
    tpu.wait_indirect_dma semaphore(%arg29 : memref<!tpu.dma_semaphore, #tpu.memory_space<semaphore_mem>>) src(%arg11 : memref<128x96xbf16, #tpu.memory_space<vmem>>) dst(%dma_wait3A_166 : memref<10240x96xbf16, #tpu.memory_space<vmem_shared>>)
    %dma_start3A_167 = arith.constant 9472 : i32
    %dma_start3A_168 = tpu.memref_slice %arg7[%dma_start3A_167] : memref<10000xi32, #tpu.memory_space<vmem>> -> memref<128xi32, #tpu.memory_space<vmem>>
    %dma_start3A_169 = arith.constant 0 : i32
    %dma_start3A_170 = arith.constant 0 : i32
    %dma_start3A_171 = tpu.memref_slice %arg3[%dma_start3A_169, %dma_start3A_170] : memref<10000x96xbf16, #tpu.memory_space<hbm>> -> memref<10000x96xbf16, #tpu.memory_space<hbm>>
    tpu.enqueue_indirect_dma source(%dma_start3A_171 : memref<10000x96xbf16, #tpu.memory_space<hbm>>) target(%arg11 : memref<128x96xbf16, #tpu.memory_space<vmem>>) offsets(%dma_start3A_168 : memref<128xi32, #tpu.memory_space<vmem>>) semaphore(%arg21 : memref<!tpu.dma_semaphore, #tpu.memory_space<semaphore_mem>>)
    %dma_wait3A_172 = arith.constant 0 : i32
    %dma_wait3A_173 = tpu.memref_slice %arg7[%dma_wait3A_172] : memref<10000xi32, #tpu.memory_space<vmem>> -> memref<128xi32, #tpu.memory_space<vmem>>
    %dma_wait3A_174 = arith.constant 0 : i32
    %dma_wait3A_175 = arith.constant 0 : i32
    %dma_wait3A_176 = tpu.memref_slice %arg3[%dma_wait3A_174, %dma_wait3A_175] : memref<10000x96xbf16, #tpu.memory_space<hbm>> -> memref<10000x96xbf16, #tpu.memory_space<hbm>>
    tpu.wait_indirect_dma semaphore(%arg26 : memref<!tpu.dma_semaphore, #tpu.memory_space<semaphore_mem>>) src(%dma_wait3A_176 : memref<10000x96xbf16, #tpu.memory_space<hbm>>) dst(%arg16 : memref<128x96xbf16, #tpu.memory_space<vmem>>)
    %dma_start3A_177 = arith.constant 9088 : i32
    %dma_start3A_178 = tpu.memref_slice %arg8[%dma_start3A_177] : memref<10000xi32, #tpu.memory_space<vmem>> -> memref<128xi32, #tpu.memory_space<vmem>>
    %dma_start3A_179 = arith.constant 0 : i32
    %dma_start3A_180 = arith.constant 0 : i32
    %dma_start3A_181 = tpu.memref_slice %arg18[%dma_start3A_179, %dma_start3A_180] : memref<10240x96xbf16, #tpu.memory_space<vmem_shared>> -> memref<10240x96xbf16, #tpu.memory_space<vmem_shared>>
    tpu.enqueue_indirect_dma source(%arg16 : memref<128x96xbf16, #tpu.memory_space<vmem>>) target(%dma_start3A_181 : memref<10240x96xbf16, #tpu.memory_space<vmem_shared>>) offsets(%dma_start3A_178 : memref<128xi32, #tpu.memory_space<vmem>>) semaphore(%arg34 : memref<!tpu.dma_semaphore, #tpu.memory_space<semaphore_mem>>) {add = true}
    %dma_wait3A_182 = arith.constant 0 : i32
    %dma_wait3A_183 = tpu.memref_slice %arg8[%dma_wait3A_182] : memref<10000xi32, #tpu.memory_space<vmem>> -> memref<128xi32, #tpu.memory_space<vmem>>
    %dma_wait3A_184 = arith.constant 0 : i32
    %dma_wait3A_185 = arith.constant 0 : i32
    %dma_wait3A_186 = tpu.memref_slice %arg18[%dma_wait3A_184, %dma_wait3A_185] : memref<10240x96xbf16, #tpu.memory_space<vmem_shared>> -> memref<10240x96xbf16, #tpu.memory_space<vmem_shared>>
    tpu.wait_indirect_dma semaphore(%arg30 : memref<!tpu.dma_semaphore, #tpu.memory_space<semaphore_mem>>) src(%arg12 : memref<128x96xbf16, #tpu.memory_space<vmem>>) dst(%dma_wait3A_186 : memref<10240x96xbf16, #tpu.memory_space<vmem_shared>>)
    %dma_start3A_187 = arith.constant 9600 : i32
    %dma_start3A_188 = tpu.memref_slice %arg7[%dma_start3A_187] : memref<10000xi32, #tpu.memory_space<vmem>> -> memref<128xi32, #tpu.memory_space<vmem>>
    %dma_start3A_189 = arith.constant 0 : i32
    %dma_start3A_190 = arith.constant 0 : i32
    %dma_start3A_191 = tpu.memref_slice %arg3[%dma_start3A_189, %dma_start3A_190] : memref<10000x96xbf16, #tpu.memory_space<hbm>> -> memref<10000x96xbf16, #tpu.memory_space<hbm>>
    tpu.enqueue_indirect_dma source(%dma_start3A_191 : memref<10000x96xbf16, #tpu.memory_space<hbm>>) target(%arg12 : memref<128x96xbf16, #tpu.memory_space<vmem>>) offsets(%dma_start3A_188 : memref<128xi32, #tpu.memory_space<vmem>>) semaphore(%arg22 : memref<!tpu.dma_semaphore, #tpu.memory_space<semaphore_mem>>)
    %dma_wait3A_192 = arith.constant 0 : i32
    %dma_wait3A_193 = tpu.memref_slice %arg7[%dma_wait3A_192] : memref<10000xi32, #tpu.memory_space<vmem>> -> memref<128xi32, #tpu.memory_space<vmem>>
    %dma_wait3A_194 = arith.constant 0 : i32
    %dma_wait3A_195 = arith.constant 0 : i32
    %dma_wait3A_196 = tpu.memref_slice %arg3[%dma_wait3A_194, %dma_wait3A_195] : memref<10000x96xbf16, #tpu.memory_space<hbm>> -> memref<10000x96xbf16, #tpu.memory_space<hbm>>
    tpu.wait_indirect_dma semaphore(%arg19 : memref<!tpu.dma_semaphore, #tpu.memory_space<semaphore_mem>>) src(%dma_wait3A_196 : memref<10000x96xbf16, #tpu.memory_space<hbm>>) dst(%arg9 : memref<128x96xbf16, #tpu.memory_space<vmem>>)
    %dma_start3A_197 = arith.constant 9216 : i32
    %dma_start3A_198 = tpu.memref_slice %arg8[%dma_start3A_197] : memref<10000xi32, #tpu.memory_space<vmem>> -> memref<128xi32, #tpu.memory_space<vmem>>
    %dma_start3A_199 = arith.constant 0 : i32
    %dma_start3A_200 = arith.constant 0 : i32
    %dma_start3A_201 = tpu.memref_slice %arg18[%dma_start3A_199, %dma_start3A_200] : memref<10240x96xbf16, #tpu.memory_space<vmem_shared>> -> memref<10240x96xbf16, #tpu.memory_space<vmem_shared>>
    tpu.enqueue_indirect_dma source(%arg9 : memref<128x96xbf16, #tpu.memory_space<vmem>>) target(%dma_start3A_201 : memref<10240x96xbf16, #tpu.memory_space<vmem_shared>>) offsets(%dma_start3A_198 : memref<128xi32, #tpu.memory_space<vmem>>) semaphore(%arg27 : memref<!tpu.dma_semaphore, #tpu.memory_space<semaphore_mem>>) {add = true}
    %dma_wait3A_202 = arith.constant 0 : i32
    %dma_wait3A_203 = tpu.memref_slice %arg8[%dma_wait3A_202] : memref<10000xi32, #tpu.memory_space<vmem>> -> memref<128xi32, #tpu.memory_space<vmem>>
    %dma_wait3A_204 = arith.constant 0 : i32
    %dma_wait3A_205 = arith.constant 0 : i32
    %dma_wait3A_206 = tpu.memref_slice %arg18[%dma_wait3A_204, %dma_wait3A_205] : memref<10240x96xbf16, #tpu.memory_space<vmem_shared>> -> memref<10240x96xbf16, #tpu.memory_space<vmem_shared>>
    tpu.wait_indirect_dma semaphore(%arg31 : memref<!tpu.dma_semaphore, #tpu.memory_space<semaphore_mem>>) src(%arg13 : memref<128x96xbf16, #tpu.memory_space<vmem>>) dst(%dma_wait3A_206 : memref<10240x96xbf16, #tpu.memory_space<vmem_shared>>)
    %dma_start3A_207 = arith.constant 9728 : i32
    %dma_start3A_208 = tpu.memref_slice %arg7[%dma_start3A_207] : memref<10000xi32, #tpu.memory_space<vmem>> -> memref<128xi32, #tpu.memory_space<vmem>>
    %dma_start3A_209 = arith.constant 0 : i32
    %dma_start3A_210 = arith.constant 0 : i32
    %dma_start3A_211 = tpu.memref_slice %arg3[%dma_start3A_209, %dma_start3A_210] : memref<10000x96xbf16, #tpu.memory_space<hbm>> -> memref<10000x96xbf16, #tpu.memory_space<hbm>>
    tpu.enqueue_indirect_dma source(%dma_start3A_211 : memref<10000x96xbf16, #tpu.memory_space<hbm>>) target(%arg13 : memref<128x96xbf16, #tpu.memory_space<vmem>>) offsets(%dma_start3A_208 : memref<128xi32, #tpu.memory_space<vmem>>) semaphore(%arg23 : memref<!tpu.dma_semaphore, #tpu.memory_space<semaphore_mem>>)
    %dma_wait3A_212 = arith.constant 0 : i32
    %dma_wait3A_213 = tpu.memref_slice %arg7[%dma_wait3A_212] : memref<10000xi32, #tpu.memory_space<vmem>> -> memref<128xi32, #tpu.memory_space<vmem>>
    %dma_wait3A_214 = arith.constant 0 : i32
    %dma_wait3A_215 = arith.constant 0 : i32
    %dma_wait3A_216 = tpu.memref_slice %arg3[%dma_wait3A_214, %dma_wait3A_215] : memref<10000x96xbf16, #tpu.memory_space<hbm>> -> memref<10000x96xbf16, #tpu.memory_space<hbm>>
    tpu.wait_indirect_dma semaphore(%arg20 : memref<!tpu.dma_semaphore, #tpu.memory_space<semaphore_mem>>) src(%dma_wait3A_216 : memref<10000x96xbf16, #tpu.memory_space<hbm>>) dst(%arg10 : memref<128x96xbf16, #tpu.memory_space<vmem>>)
    %dma_start3A_217 = arith.constant 9344 : i32
    %dma_start3A_218 = tpu.memref_slice %arg8[%dma_start3A_217] : memref<10000xi32, #tpu.memory_space<vmem>> -> memref<128xi32, #tpu.memory_space<vmem>>
    %dma_start3A_219 = arith.constant 0 : i32
    %dma_start3A_220 = arith.constant 0 : i32
    %dma_start3A_221 = tpu.memref_slice %arg18[%dma_start3A_219, %dma_start3A_220] : memref<10240x96xbf16, #tpu.memory_space<vmem_shared>> -> memref<10240x96xbf16, #tpu.memory_space<vmem_shared>>
    tpu.enqueue_indirect_dma source(%arg10 : memref<128x96xbf16, #tpu.memory_space<vmem>>) target(%dma_start3A_221 : memref<10240x96xbf16, #tpu.memory_space<vmem_shared>>) offsets(%dma_start3A_218 : memref<128xi32, #tpu.memory_space<vmem>>) semaphore(%arg28 : memref<!tpu.dma_semaphore, #tpu.memory_space<semaphore_mem>>) {add = true}
    %dma_wait3A_222 = arith.constant 0 : i32
    %dma_wait3A_223 = tpu.memref_slice %arg8[%dma_wait3A_222] : memref<10000xi32, #tpu.memory_space<vmem>> -> memref<128xi32, #tpu.memory_space<vmem>>
    %dma_wait3A_224 = arith.constant 0 : i32
    %dma_wait3A_225 = arith.constant 0 : i32
    %dma_wait3A_226 = tpu.memref_slice %arg18[%dma_wait3A_224, %dma_wait3A_225] : memref<10240x96xbf16, #tpu.memory_space<vmem_shared>> -> memref<10240x96xbf16, #tpu.memory_space<vmem_shared>>
    tpu.wait_indirect_dma semaphore(%arg32 : memref<!tpu.dma_semaphore, #tpu.memory_space<semaphore_mem>>) src(%arg14 : memref<128x96xbf16, #tpu.memory_space<vmem>>) dst(%dma_wait3A_226 : memref<10240x96xbf16, #tpu.memory_space<vmem_shared>>)
    %dma_start3A_227 = arith.constant 9856 : i32
    %dma_start3A_228 = tpu.memref_slice %arg7[%dma_start3A_227] : memref<10000xi32, #tpu.memory_space<vmem>> -> memref<128xi32, #tpu.memory_space<vmem>>
    %dma_start3A_229 = arith.constant 0 : i32
    %dma_start3A_230 = arith.constant 0 : i32
    %dma_start3A_231 = tpu.memref_slice %arg3[%dma_start3A_229, %dma_start3A_230] : memref<10000x96xbf16, #tpu.memory_space<hbm>> -> memref<10000x96xbf16, #tpu.memory_space<hbm>>
    tpu.enqueue_indirect_dma source(%dma_start3A_231 : memref<10000x96xbf16, #tpu.memory_space<hbm>>) target(%arg14 : memref<128x96xbf16, #tpu.memory_space<vmem>>) offsets(%dma_start3A_228 : memref<128xi32, #tpu.memory_space<vmem>>) semaphore(%arg24 : memref<!tpu.dma_semaphore, #tpu.memory_space<semaphore_mem>>)
    %dma_wait3A_232 = arith.constant 0 : i32
    %dma_wait3A_233 = tpu.memref_slice %arg7[%dma_wait3A_232] : memref<10000xi32, #tpu.memory_space<vmem>> -> memref<128xi32, #tpu.memory_space<vmem>>
    %dma_wait3A_234 = arith.constant 0 : i32
    %dma_wait3A_235 = arith.constant 0 : i32
    %dma_wait3A_236 = tpu.memref_slice %arg3[%dma_wait3A_234, %dma_wait3A_235] : memref<10000x96xbf16, #tpu.memory_space<hbm>> -> memref<10000x96xbf16, #tpu.memory_space<hbm>>
    tpu.wait_indirect_dma semaphore(%arg21 : memref<!tpu.dma_semaphore, #tpu.memory_space<semaphore_mem>>) src(%dma_wait3A_236 : memref<10000x96xbf16, #tpu.memory_space<hbm>>) dst(%arg11 : memref<128x96xbf16, #tpu.memory_space<vmem>>)
    %dma_start3A_237 = arith.constant 9472 : i32
    %dma_start3A_238 = tpu.memref_slice %arg8[%dma_start3A_237] : memref<10000xi32, #tpu.memory_space<vmem>> -> memref<128xi32, #tpu.memory_space<vmem>>
    %dma_start3A_239 = arith.constant 0 : i32
    %dma_start3A_240 = arith.constant 0 : i32
    %dma_start3A_241 = tpu.memref_slice %arg18[%dma_start3A_239, %dma_start3A_240] : memref<10240x96xbf16, #tpu.memory_space<vmem_shared>> -> memref<10240x96xbf16, #tpu.memory_space<vmem_shared>>
    tpu.enqueue_indirect_dma source(%arg11 : memref<128x96xbf16, #tpu.memory_space<vmem>>) target(%dma_start3A_241 : memref<10240x96xbf16, #tpu.memory_space<vmem_shared>>) offsets(%dma_start3A_238 : memref<128xi32, #tpu.memory_space<vmem>>) semaphore(%arg29 : memref<!tpu.dma_semaphore, #tpu.memory_space<semaphore_mem>>) {add = true}
    %dma_wait3A_242 = arith.constant 0 : i32
    %dma_wait3A_243 = tpu.memref_slice %arg8[%dma_wait3A_242] : memref<10000xi32, #tpu.memory_space<vmem>> -> memref<128xi32, #tpu.memory_space<vmem>>
    %dma_wait3A_244 = arith.constant 0 : i32
    %dma_wait3A_245 = arith.constant 0 : i32
    %dma_wait3A_246 = tpu.memref_slice %arg18[%dma_wait3A_244, %dma_wait3A_245] : memref<10240x96xbf16, #tpu.memory_space<vmem_shared>> -> memref<10240x96xbf16, #tpu.memory_space<vmem_shared>>
    tpu.wait_indirect_dma semaphore(%arg33 : memref<!tpu.dma_semaphore, #tpu.memory_space<semaphore_mem>>) src(%arg15 : memref<128x96xbf16, #tpu.memory_space<vmem>>) dst(%dma_wait3A_246 : memref<10240x96xbf16, #tpu.memory_space<vmem_shared>>)
    %dma_wait3A_247 = arith.constant 0 : i32
    %dma_wait3A_248 = tpu.memref_slice %arg7[%dma_wait3A_247] : memref<10000xi32, #tpu.memory_space<vmem>> -> memref<128xi32, #tpu.memory_space<vmem>>
    %dma_wait3A_249 = arith.constant 0 : i32
    %dma_wait3A_250 = arith.constant 0 : i32
    %dma_wait3A_251 = tpu.memref_slice %arg3[%dma_wait3A_249, %dma_wait3A_250] : memref<10000x96xbf16, #tpu.memory_space<hbm>> -> memref<10000x96xbf16, #tpu.memory_space<hbm>>
    tpu.wait_indirect_dma semaphore(%arg22 : memref<!tpu.dma_semaphore, #tpu.memory_space<semaphore_mem>>) src(%dma_wait3A_251 : memref<10000x96xbf16, #tpu.memory_space<hbm>>) dst(%arg12 : memref<128x96xbf16, #tpu.memory_space<vmem>>)
    %dma_start3A_252 = arith.constant 9600 : i32
    %dma_start3A_253 = tpu.memref_slice %arg8[%dma_start3A_252] : memref<10000xi32, #tpu.memory_space<vmem>> -> memref<128xi32, #tpu.memory_space<vmem>>
    %dma_start3A_254 = arith.constant 0 : i32
    %dma_start3A_255 = arith.constant 0 : i32
    %dma_start3A_256 = tpu.memref_slice %arg18[%dma_start3A_254, %dma_start3A_255] : memref<10240x96xbf16, #tpu.memory_space<vmem_shared>> -> memref<10240x96xbf16, #tpu.memory_space<vmem_shared>>
    tpu.enqueue_indirect_dma source(%arg12 : memref<128x96xbf16, #tpu.memory_space<vmem>>) target(%dma_start3A_256 : memref<10240x96xbf16, #tpu.memory_space<vmem_shared>>) offsets(%dma_start3A_253 : memref<128xi32, #tpu.memory_space<vmem>>) semaphore(%arg30 : memref<!tpu.dma_semaphore, #tpu.memory_space<semaphore_mem>>) {add = true}
    %dma_wait3A_257 = arith.constant 0 : i32
    %dma_wait3A_258 = tpu.memref_slice %arg8[%dma_wait3A_257] : memref<10000xi32, #tpu.memory_space<vmem>> -> memref<128xi32, #tpu.memory_space<vmem>>
    %dma_wait3A_259 = arith.constant 0 : i32
    %dma_wait3A_260 = arith.constant 0 : i32
    %dma_wait3A_261 = tpu.memref_slice %arg18[%dma_wait3A_259, %dma_wait3A_260] : memref<10240x96xbf16, #tpu.memory_space<vmem_shared>> -> memref<10240x96xbf16, #tpu.memory_space<vmem_shared>>
    tpu.wait_indirect_dma semaphore(%arg34 : memref<!tpu.dma_semaphore, #tpu.memory_space<semaphore_mem>>) src(%arg16 : memref<128x96xbf16, #tpu.memory_space<vmem>>) dst(%dma_wait3A_261 : memref<10240x96xbf16, #tpu.memory_space<vmem_shared>>)
    %dma_wait3A_262 = arith.constant 0 : i32
    %dma_wait3A_263 = tpu.memref_slice %arg7[%dma_wait3A_262] : memref<10000xi32, #tpu.memory_space<vmem>> -> memref<128xi32, #tpu.memory_space<vmem>>
    %dma_wait3A_264 = arith.constant 0 : i32
    %dma_wait3A_265 = arith.constant 0 : i32
    %dma_wait3A_266 = tpu.memref_slice %arg3[%dma_wait3A_264, %dma_wait3A_265] : memref<10000x96xbf16, #tpu.memory_space<hbm>> -> memref<10000x96xbf16, #tpu.memory_space<hbm>>
    tpu.wait_indirect_dma semaphore(%arg23 : memref<!tpu.dma_semaphore, #tpu.memory_space<semaphore_mem>>) src(%dma_wait3A_266 : memref<10000x96xbf16, #tpu.memory_space<hbm>>) dst(%arg13 : memref<128x96xbf16, #tpu.memory_space<vmem>>)
    %dma_start3A_267 = arith.constant 9728 : i32
    %dma_start3A_268 = tpu.memref_slice %arg8[%dma_start3A_267] : memref<10000xi32, #tpu.memory_space<vmem>> -> memref<128xi32, #tpu.memory_space<vmem>>
    %dma_start3A_269 = arith.constant 0 : i32
    %dma_start3A_270 = arith.constant 0 : i32
    %dma_start3A_271 = tpu.memref_slice %arg18[%dma_start3A_269, %dma_start3A_270] : memref<10240x96xbf16, #tpu.memory_space<vmem_shared>> -> memref<10240x96xbf16, #tpu.memory_space<vmem_shared>>
    tpu.enqueue_indirect_dma source(%arg13 : memref<128x96xbf16, #tpu.memory_space<vmem>>) target(%dma_start3A_271 : memref<10240x96xbf16, #tpu.memory_space<vmem_shared>>) offsets(%dma_start3A_268 : memref<128xi32, #tpu.memory_space<vmem>>) semaphore(%arg31 : memref<!tpu.dma_semaphore, #tpu.memory_space<semaphore_mem>>) {add = true}
    %dma_wait3A_272 = arith.constant 0 : i32
    %dma_wait3A_273 = tpu.memref_slice %arg8[%dma_wait3A_272] : memref<10000xi32, #tpu.memory_space<vmem>> -> memref<128xi32, #tpu.memory_space<vmem>>
    %dma_wait3A_274 = arith.constant 0 : i32
    %dma_wait3A_275 = arith.constant 0 : i32
    %dma_wait3A_276 = tpu.memref_slice %arg18[%dma_wait3A_274, %dma_wait3A_275] : memref<10240x96xbf16, #tpu.memory_space<vmem_shared>> -> memref<10240x96xbf16, #tpu.memory_space<vmem_shared>>
    tpu.wait_indirect_dma semaphore(%arg27 : memref<!tpu.dma_semaphore, #tpu.memory_space<semaphore_mem>>) src(%arg9 : memref<128x96xbf16, #tpu.memory_space<vmem>>) dst(%dma_wait3A_276 : memref<10240x96xbf16, #tpu.memory_space<vmem_shared>>)
    %dma_wait3A_277 = arith.constant 0 : i32
    %dma_wait3A_278 = tpu.memref_slice %arg7[%dma_wait3A_277] : memref<10000xi32, #tpu.memory_space<vmem>> -> memref<128xi32, #tpu.memory_space<vmem>>
    %dma_wait3A_279 = arith.constant 0 : i32
    %dma_wait3A_280 = arith.constant 0 : i32
    %dma_wait3A_281 = tpu.memref_slice %arg3[%dma_wait3A_279, %dma_wait3A_280] : memref<10000x96xbf16, #tpu.memory_space<hbm>> -> memref<10000x96xbf16, #tpu.memory_space<hbm>>
    tpu.wait_indirect_dma semaphore(%arg24 : memref<!tpu.dma_semaphore, #tpu.memory_space<semaphore_mem>>) src(%dma_wait3A_281 : memref<10000x96xbf16, #tpu.memory_space<hbm>>) dst(%arg14 : memref<128x96xbf16, #tpu.memory_space<vmem>>)
    %dma_start3A_282 = arith.constant 9856 : i32
    %dma_start3A_283 = tpu.memref_slice %arg8[%dma_start3A_282] : memref<10000xi32, #tpu.memory_space<vmem>> -> memref<128xi32, #tpu.memory_space<vmem>>
    %dma_start3A_284 = arith.constant 0 : i32
    %dma_start3A_285 = arith.constant 0 : i32
    %dma_start3A_286 = tpu.memref_slice %arg18[%dma_start3A_284, %dma_start3A_285] : memref<10240x96xbf16, #tpu.memory_space<vmem_shared>> -> memref<10240x96xbf16, #tpu.memory_space<vmem_shared>>
    tpu.enqueue_indirect_dma source(%arg14 : memref<128x96xbf16, #tpu.memory_space<vmem>>) target(%dma_start3A_286 : memref<10240x96xbf16, #tpu.memory_space<vmem_shared>>) offsets(%dma_start3A_283 : memref<128xi32, #tpu.memory_space<vmem>>) semaphore(%arg32 : memref<!tpu.dma_semaphore, #tpu.memory_space<semaphore_mem>>) {add = true}
    %dma_wait3A_287 = arith.constant 0 : i32
    %dma_wait3A_288 = tpu.memref_slice %arg8[%dma_wait3A_287] : memref<10000xi32, #tpu.memory_space<vmem>> -> memref<128xi32, #tpu.memory_space<vmem>>
    %dma_wait3A_289 = arith.constant 0 : i32
    %dma_wait3A_290 = arith.constant 0 : i32
    %dma_wait3A_291 = tpu.memref_slice %arg18[%dma_wait3A_289, %dma_wait3A_290] : memref<10240x96xbf16, #tpu.memory_space<vmem_shared>> -> memref<10240x96xbf16, #tpu.memory_space<vmem_shared>>
    tpu.wait_indirect_dma semaphore(%arg28 : memref<!tpu.dma_semaphore, #tpu.memory_space<semaphore_mem>>) src(%arg10 : memref<128x96xbf16, #tpu.memory_space<vmem>>) dst(%dma_wait3A_291 : memref<10240x96xbf16, #tpu.memory_space<vmem_shared>>)
    %dma_wait3A_292 = arith.constant 0 : i32
    %dma_wait3A_293 = tpu.memref_slice %arg8[%dma_wait3A_292] : memref<10000xi32, #tpu.memory_space<vmem>> -> memref<128xi32, #tpu.memory_space<vmem>>
    %dma_wait3A_294 = arith.constant 0 : i32
    %dma_wait3A_295 = arith.constant 0 : i32
    %dma_wait3A_296 = tpu.memref_slice %arg18[%dma_wait3A_294, %dma_wait3A_295] : memref<10240x96xbf16, #tpu.memory_space<vmem_shared>> -> memref<10240x96xbf16, #tpu.memory_space<vmem_shared>>
    tpu.wait_indirect_dma semaphore(%arg29 : memref<!tpu.dma_semaphore, #tpu.memory_space<semaphore_mem>>) src(%arg11 : memref<128x96xbf16, #tpu.memory_space<vmem>>) dst(%dma_wait3A_296 : memref<10240x96xbf16, #tpu.memory_space<vmem_shared>>)
    %dma_wait3A_297 = arith.constant 0 : i32
    %dma_wait3A_298 = tpu.memref_slice %arg8[%dma_wait3A_297] : memref<10000xi32, #tpu.memory_space<vmem>> -> memref<128xi32, #tpu.memory_space<vmem>>
    %dma_wait3A_299 = arith.constant 0 : i32
    %dma_wait3A_300 = arith.constant 0 : i32
    %dma_wait3A_301 = tpu.memref_slice %arg18[%dma_wait3A_299, %dma_wait3A_300] : memref<10240x96xbf16, #tpu.memory_space<vmem_shared>> -> memref<10240x96xbf16, #tpu.memory_space<vmem_shared>>
    tpu.wait_indirect_dma semaphore(%arg30 : memref<!tpu.dma_semaphore, #tpu.memory_space<semaphore_mem>>) src(%arg12 : memref<128x96xbf16, #tpu.memory_space<vmem>>) dst(%dma_wait3A_301 : memref<10240x96xbf16, #tpu.memory_space<vmem_shared>>)
    %dma_wait3A_302 = arith.constant 0 : i32
    %dma_wait3A_303 = tpu.memref_slice %arg8[%dma_wait3A_302] : memref<10000xi32, #tpu.memory_space<vmem>> -> memref<128xi32, #tpu.memory_space<vmem>>
    %dma_wait3A_304 = arith.constant 0 : i32
    %dma_wait3A_305 = arith.constant 0 : i32
    %dma_wait3A_306 = tpu.memref_slice %arg18[%dma_wait3A_304, %dma_wait3A_305] : memref<10240x96xbf16, #tpu.memory_space<vmem_shared>> -> memref<10240x96xbf16, #tpu.memory_space<vmem_shared>>
    tpu.wait_indirect_dma semaphore(%arg31 : memref<!tpu.dma_semaphore, #tpu.memory_space<semaphore_mem>>) src(%arg13 : memref<128x96xbf16, #tpu.memory_space<vmem>>) dst(%dma_wait3A_306 : memref<10240x96xbf16, #tpu.memory_space<vmem_shared>>)
    %dma_wait3A_307 = arith.constant 0 : i32
    %dma_wait3A_308 = tpu.memref_slice %arg8[%dma_wait3A_307] : memref<10000xi32, #tpu.memory_space<vmem>> -> memref<128xi32, #tpu.memory_space<vmem>>
    %dma_wait3A_309 = arith.constant 0 : i32
    %dma_wait3A_310 = arith.constant 0 : i32
    %dma_wait3A_311 = tpu.memref_slice %arg18[%dma_wait3A_309, %dma_wait3A_310] : memref<10240x96xbf16, #tpu.memory_space<vmem_shared>> -> memref<10240x96xbf16, #tpu.memory_space<vmem_shared>>
    tpu.wait_indirect_dma semaphore(%arg32 : memref<!tpu.dma_semaphore, #tpu.memory_space<semaphore_mem>>) src(%arg14 : memref<128x96xbf16, #tpu.memory_space<vmem>>) dst(%dma_wait3A_311 : memref<10240x96xbf16, #tpu.memory_space<vmem_shared>>)
    %dma_start3A_312 = arith.constant 9984 : i32
    %dma_start3A_313 = tpu.memref_slice %arg7[%dma_start3A_312] : memref<10000xi32, #tpu.memory_space<vmem>> -> memref<16xi32, #tpu.memory_space<vmem>>
    %dma_start3A_314 = arith.constant 0 : i32
    %dma_start3A_315 = arith.constant 0 : i32
    %dma_start3A_316 = tpu.memref_slice %arg3[%dma_start3A_314, %dma_start3A_315] : memref<10000x96xbf16, #tpu.memory_space<hbm>> -> memref<10000x96xbf16, #tpu.memory_space<hbm>>
    tpu.enqueue_indirect_dma source(%dma_start3A_316 : memref<10000x96xbf16, #tpu.memory_space<hbm>>) target(%arg17 : memref<16x96xbf16, #tpu.memory_space<vmem>>) offsets(%dma_start3A_313 : memref<16xi32, #tpu.memory_space<vmem>>) semaphore(%arg19 : memref<!tpu.dma_semaphore, #tpu.memory_space<semaphore_mem>>)
    %dma_wait3A_317 = arith.constant 9984 : i32
    %dma_wait3A_318 = tpu.memref_slice %arg7[%dma_wait3A_317] : memref<10000xi32, #tpu.memory_space<vmem>> -> memref<16xi32, #tpu.memory_space<vmem>>
    %dma_wait3A_319 = arith.constant 0 : i32
    %dma_wait3A_320 = arith.constant 0 : i32
    %dma_wait3A_321 = tpu.memref_slice %arg3[%dma_wait3A_319, %dma_wait3A_320] : memref<10000x96xbf16, #tpu.memory_space<hbm>> -> memref<10000x96xbf16, #tpu.memory_space<hbm>>
    tpu.wait_indirect_dma semaphore(%arg19 : memref<!tpu.dma_semaphore, #tpu.memory_space<semaphore_mem>>) src(%dma_wait3A_321 : memref<10000x96xbf16, #tpu.memory_space<hbm>>) dst(%arg17 : memref<16x96xbf16, #tpu.memory_space<vmem>>)
    "tpu.region"() ({
      %run_scoped3A = tpu.sem_alloc : memref<!tpu.dma_semaphore, #tpu.memory_space<semaphore_mem>>
      %dma_start3A_330 = arith.constant 9984 : i32
      %dma_start3A_331 = tpu.memref_slice %arg8[%dma_start3A_330] : memref<10000xi32, #tpu.memory_space<vmem>> -> memref<16xi32, #tpu.memory_space<vmem>>
      %dma_start3A_332 = arith.constant 0 : i32
      %dma_start3A_333 = arith.constant 0 : i32
      %dma_start3A_334 = tpu.memref_slice %arg18[%dma_start3A_332, %dma_start3A_333] : memref<10240x96xbf16, #tpu.memory_space<vmem_shared>> -> memref<10240x96xbf16, #tpu.memory_space<vmem_shared>>
      tpu.enqueue_indirect_dma source(%arg17 : memref<16x96xbf16, #tpu.memory_space<vmem>>) target(%dma_start3A_334 : memref<10240x96xbf16, #tpu.memory_space<vmem_shared>>) offsets(%dma_start3A_331 : memref<16xi32, #tpu.memory_space<vmem>>) semaphore(%run_scoped3A : memref<!tpu.dma_semaphore, #tpu.memory_space<semaphore_mem>>) {add = true}
      %dma_wait3A_335 = arith.constant 9984 : i32
      %dma_wait3A_336 = tpu.memref_slice %arg8[%dma_wait3A_335] : memref<10000xi32, #tpu.memory_space<vmem>> -> memref<16xi32, #tpu.memory_space<vmem>>
      %dma_wait3A_337 = arith.constant 0 : i32
      %dma_wait3A_338 = arith.constant 0 : i32
      %dma_wait3A_339 = tpu.memref_slice %arg18[%dma_wait3A_337, %dma_wait3A_338] : memref<10240x96xbf16, #tpu.memory_space<vmem_shared>> -> memref<10240x96xbf16, #tpu.memory_space<vmem_shared>>
      tpu.wait_indirect_dma semaphore(%run_scoped3A : memref<!tpu.dma_semaphore, #tpu.memory_space<semaphore_mem>>) src(%arg17 : memref<16x96xbf16, #tpu.memory_space<vmem>>) dst(%dma_wait3A_339 : memref<10240x96xbf16, #tpu.memory_space<vmem_shared>>)
      tpu.yield
    }) : () -> ()
    %barrier3A_322 = arith.constant 0 : index
    tpu.barrier barrier_id(%barrier3A_322)
    %eq3A = arith.constant 0 : i32
    %eq3A_323 = arith.cmpi eq, %arg0, %eq3A : i32
    %convert_element_type3A = arith.extui %eq3A_323 : i1 to i32
    %cond3A = arith.constant 0 : i32
    %cond3A_324 = arith.cmpi ne, %convert_element_type3A, %cond3A : i32
    scf.if %cond3A_324 {
      %mul3A_330 = arith.constant 640 : i32
      %mul3A_331 = arith.muli %arg1, %mul3A_330 : i32
      %mul3A_332 = arith.constant 640 : i32
      %mul3A_333 = arith.muli %arg1, %mul3A_332 : i32
      "tpu.region"() ({
        %run_scoped3A = tpu.sem_alloc : memref<!tpu.dma_semaphore, #tpu.memory_space<semaphore_mem>>
        %dma_start3A_334 = arith.constant 0 : i32
        %dma_start3A_335 = tpu.memref_slice %arg5[%mul3A_333, %dma_start3A_334] : memref<10240x96xbf16, #tpu.memory_space<hbm>> -> memref<640x96xbf16, #tpu.memory_space<hbm>>
        %dma_start3A_336 = arith.constant 0 : i32
        %dma_start3A_337 = tpu.memref_slice %arg18[%mul3A_331, %dma_start3A_336] : memref<10240x96xbf16, #tpu.memory_space<vmem_shared>> -> memref<640x96xbf16, #tpu.memory_space<vmem_shared>>
        tpu.enqueue_dma source(%dma_start3A_337 : memref<640x96xbf16, #tpu.memory_space<vmem_shared>>) target(%dma_start3A_335 : memref<640x96xbf16, #tpu.memory_space<hbm>>) target_semaphore(%run_scoped3A : memref<!tpu.dma_semaphore, #tpu.memory_space<semaphore_mem>>)
        %dma_wait3A_338 = arith.constant 0 : i32
        %dma_wait3A_339 = tpu.memref_slice %arg5[%mul3A_333, %dma_wait3A_338] : memref<10240x96xbf16, #tpu.memory_space<hbm>> -> memref<640x96xbf16, #tpu.memory_space<hbm>>
        %dma_wait3A_340 = arith.constant 0 : i32
        %dma_wait3A_341 = tpu.memref_slice %arg18[%mul3A_331, %dma_wait3A_340] : memref<10240x96xbf16, #tpu.memory_space<vmem_shared>> -> memref<640x96xbf16, #tpu.memory_space<vmem_shared>>
        tpu.wait_dma2 semaphore(%run_scoped3A : memref<!tpu.dma_semaphore, #tpu.memory_space<semaphore_mem>>) src(%dma_wait3A_341 : memref<640x96xbf16, #tpu.memory_space<vmem_shared>>) dst(%dma_wait3A_339 : memref<640x96xbf16, #tpu.memory_space<hbm>>)
        tpu.yield
      }) : () -> ()
    } else {
    }
    %eq3A_325 = arith.constant 1 : i32
    %eq3A_326 = arith.cmpi eq, %arg0, %eq3A_325 : i32
    %convert_element_type3A_327 = arith.extui %eq3A_326 : i1 to i32
    %cond3A_328 = arith.constant 0 : i32
    %cond3A_329 = arith.cmpi ne, %convert_element_type3A_327, %cond3A_328 : i32
    scf.if %cond3A_329 {
      %mul3A_330 = arith.constant 640 : i32
      %mul3A_331 = arith.muli %arg1, %mul3A_330 : i32
      %mul3A_332 = arith.constant 640 : i32
      %mul3A_333 = arith.muli %arg1, %mul3A_332 : i32
      "tpu.region"() ({
        %run_scoped3A = tpu.sem_alloc : memref<!tpu.dma_semaphore, #tpu.memory_space<semaphore_mem>>
        %dma_start3A_334 = arith.constant 0 : i32
        %dma_start3A_335 = tpu.memref_slice %arg6[%mul3A_333, %dma_start3A_334] : memref<10240x96xbf16, #tpu.memory_space<hbm>> -> memref<640x96xbf16, #tpu.memory_space<hbm>>
        %dma_start3A_336 = arith.constant 0 : i32
        %dma_start3A_337 = tpu.memref_slice %arg18[%mul3A_331, %dma_start3A_336] : memref<10240x96xbf16, #tpu.memory_space<vmem_shared>> -> memref<640x96xbf16, #tpu.memory_space<vmem_shared>>
        tpu.enqueue_dma source(%dma_start3A_337 : memref<640x96xbf16, #tpu.memory_space<vmem_shared>>) target(%dma_start3A_335 : memref<640x96xbf16, #tpu.memory_space<hbm>>) target_semaphore(%run_scoped3A : memref<!tpu.dma_semaphore, #tpu.memory_space<semaphore_mem>>)
        %dma_wait3A_338 = arith.constant 0 : i32
        %dma_wait3A_339 = tpu.memref_slice %arg6[%mul3A_333, %dma_wait3A_338] : memref<10240x96xbf16, #tpu.memory_space<hbm>> -> memref<640x96xbf16, #tpu.memory_space<hbm>>
        %dma_wait3A_340 = arith.constant 0 : i32
        %dma_wait3A_341 = tpu.memref_slice %arg18[%mul3A_331, %dma_wait3A_340] : memref<10240x96xbf16, #tpu.memory_space<vmem_shared>> -> memref<640x96xbf16, #tpu.memory_space<vmem_shared>>
        tpu.wait_dma2 semaphore(%run_scoped3A : memref<!tpu.dma_semaphore, #tpu.memory_space<semaphore_mem>>) src(%dma_wait3A_341 : memref<640x96xbf16, #tpu.memory_space<vmem_shared>>) dst(%dma_wait3A_339 : memref<640x96xbf16, #tpu.memory_space<hbm>>)
        tpu.yield
      }) : () -> ()
    } else {
    }
    return
  }
}

module attributes {stable_mosaic.version = 14 : i64} {
  func.func @_embed_body(%arg0: i32, %arg1: memref<2000x128xf32, #tpu.memory_space<vmem>>, %arg2: memref<128x96xf32, #tpu.memory_space<vmem>>, %arg3: memref<1x96xf32, #tpu.memory_space<vmem>>, %arg4: memref<2000x96xf32, #tpu.memory_space<vmem>>) attributes {dimension_semantics = [#tpu.dimension_semantics<arbitrary>], iteration_bounds = array<i64: 5>, scalar_prefetch = 0 : i64, scratch_operands = 0 : i64, tpu.core_type = #tpu.core_type<tc>, window_params = [{transform_indices = @transform_0, window_bounds = array<i64: 2000, 128>}, {pipeline_mode = #tpu.pipeline_mode<synchronous>, transform_indices = @transform_1, window_bounds = array<i64: 128, 96>}, {pipeline_mode = #tpu.pipeline_mode<synchronous>, transform_indices = @transform_2, window_bounds = array<i64: 1, 96>}, {transform_indices = @transform_3, window_bounds = array<i64: 2000, 96>}]} {
    %get3A = arith.constant 0 : index
    %get3A_0 = arith.constant 0 : index
    %get3A_1 = vector.load %arg1[%get3A, %get3A_0] : memref<2000x128xf32, #tpu.memory_space<vmem>>, vector<2000x128xf32>
    %get3A_2 = arith.constant 0 : index
    %get3A_3 = arith.constant 0 : index
    %get3A_4 = vector.load %arg2[%get3A_2, %get3A_3] : memref<128x96xf32, #tpu.memory_space<vmem>>, vector<128x96xf32>
    %dot_general3A = arith.constant dense<0.000000e+00> : vector<2000x96xf32>
    %dot_general3A_5 = tpu.matmul %get3A_1, %get3A_4, %dot_general3A {dimension_numbers = #tpu.dot_dimension_numbers<[1], [0], [0], [1], [0, 0, 1, 1], [], []>, transpose_lhs_hint = false} : vector<2000x128xf32>, vector<128x96xf32>, vector<2000x96xf32> -> vector<2000x96xf32>
    %get3A_6 = arith.constant 0 : index
    %get3A_7 = arith.constant 0 : index
    %get3A_8 = vector.load %arg3[%get3A_6, %get3A_7] : memref<1x96xf32, #tpu.memory_space<vmem>>, vector<1x96xf32>
    %add3A = vector.broadcast %get3A_8 : vector<1x96xf32> to vector<2000x96xf32>
    %add3A_9 = arith.addf %dot_general3A_5, %add3A : vector<2000x96xf32>
    %swap3A = arith.constant 0 : index
    %swap3A_10 = arith.constant 0 : index
    %swap3A_11 = vector.load %arg4[%swap3A, %swap3A_10] : memref<2000x96xf32, #tpu.memory_space<vmem>>, vector<2000x96xf32>
    tpu.vector_store %arg4[%swap3A, %swap3A_10], %add3A_9 {strides = array<i32>} : memref<2000x96xf32, #tpu.memory_space<vmem>>, vector<2000x96xf32>,
    return
  }
  func.func @transform_0(%arg0: i32) -> (i32, i32) {
    %c0_i32 = arith.constant 0 : i32
    %c0_i32_0 = arith.constant 0 : i32
    return %arg0, %c0_i32 : i32, i32
  }
  func.func @transform_1(%arg0: i32) -> (i32, i32) {
    %c0_i32 = arith.constant 0 : i32
    %c0_i32_0 = arith.constant 0 : i32
    %c0_i32_1 = arith.constant 0 : i32
    return %c0_i32, %c0_i32_0 : i32, i32
  }
  func.func @transform_2(%arg0: i32) -> (i32, i32) {
    %c0_i32 = arith.constant 0 : i32
    %c0_i32_0 = arith.constant 0 : i32
    %c0_i32_1 = arith.constant 0 : i32
    return %c0_i32, %c0_i32_0 : i32, i32
  }
  func.func @transform_3(%arg0: i32) -> (i32, i32) {
    %c0_i32 = arith.constant 0 : i32
    %c0_i32_0 = arith.constant 0 : i32
    return %arg0, %c0_i32 : i32, i32
  }
}

module attributes {stable_mosaic.version = 14 : i64} {
  func.func @_layer_body(%arg0: i32, %arg1: memref<2000x96xf32, #tpu.memory_space<vmem>>, %arg2: memref<2000x96xbf16, #tpu.memory_space<vmem>>, %arg3: memref<2000x96xbf16, #tpu.memory_space<vmem>>, %arg4: memref<96x96xf32, #tpu.memory_space<vmem>>, %arg5: memref<1x96xf32, #tpu.memory_space<vmem>>, %arg6: memref<1x96xf32, #tpu.memory_space<vmem>>, %arg7: memref<1x96xf32, #tpu.memory_space<vmem>>, %arg8: memref<2000x96xf32, #tpu.memory_space<vmem>>) attributes {dimension_semantics = [#tpu.dimension_semantics<arbitrary>], iteration_bounds = array<i64: 5>, scalar_prefetch = 0 : i64, scratch_operands = 0 : i64, tpu.core_type = #tpu.core_type<tc>, window_params = [{transform_indices = @transform_0, window_bounds = array<i64: 2000, 96>}, {transform_indices = @transform_1, window_bounds = array<i64: 2000, 96>}, {transform_indices = @transform_2, window_bounds = array<i64: 2000, 96>}, {pipeline_mode = #tpu.pipeline_mode<synchronous>, transform_indices = @transform_3, window_bounds = array<i64: 96, 96>}, {pipeline_mode = #tpu.pipeline_mode<synchronous>, transform_indices = @transform_4, window_bounds = array<i64: 1, 96>}, {pipeline_mode = #tpu.pipeline_mode<synchronous>, transform_indices = @transform_5, window_bounds = array<i64: 1, 96>}, {pipeline_mode = #tpu.pipeline_mode<synchronous>, transform_indices = @transform_6, window_bounds = array<i64: 1, 96>}, {transform_indices = @transform_7, window_bounds = array<i64: 2000, 96>}]} {
    %get3A = arith.constant 0 : index
    %get3A_0 = arith.constant 0 : index
    %get3A_1 = vector.load %arg1[%get3A, %get3A_0] : memref<2000x96xf32, #tpu.memory_space<vmem>>, vector<2000x96xf32>
    %get3A_2 = arith.constant 0 : index
    %get3A_3 = arith.constant 0 : index
    %get3A_4 = vector.load %arg2[%get3A_2, %get3A_3] : memref<2000x96xbf16, #tpu.memory_space<vmem>>, vector<2000x96xbf16>
    %convert_element_type3A = arith.extf %get3A_4 : vector<2000x96xbf16> to vector<2000x96xf32>
    %add3A = arith.addf %get3A_1, %convert_element_type3A : vector<2000x96xf32>
    %get3A_5 = arith.constant 0 : index
    %get3A_6 = arith.constant 0 : index
    %get3A_7 = vector.load %arg3[%get3A_5, %get3A_6] : memref<2000x96xbf16, #tpu.memory_space<vmem>>, vector<2000x96xbf16>
    %convert_element_type3A_8 = arith.extf %get3A_7 : vector<2000x96xbf16> to vector<2000x96xf32>
    %add3A_9 = arith.addf %add3A, %convert_element_type3A_8 : vector<2000x96xf32>
    %get3A_10 = arith.constant 0 : index
    %get3A_11 = arith.constant 0 : index
    %get3A_12 = vector.load %arg4[%get3A_10, %get3A_11] : memref<96x96xf32, #tpu.memory_space<vmem>>, vector<96x96xf32>
    %dot_general3A = arith.constant dense<0.000000e+00> : vector<2000x96xf32>
    %dot_general3A_13 = tpu.matmul %add3A_9, %get3A_12, %dot_general3A {dimension_numbers = #tpu.dot_dimension_numbers<[1], [0], [0], [1], [0, 0, 1, 1], [], []>, transpose_lhs_hint = false} : vector<2000x96xf32>, vector<96x96xf32>, vector<2000x96xf32> -> vector<2000x96xf32>
    %get3A_14 = arith.constant 0 : index
    %get3A_15 = arith.constant 0 : index
    %get3A_16 = vector.load %arg5[%get3A_14, %get3A_15] : memref<1x96xf32, #tpu.memory_space<vmem>>, vector<1x96xf32>
    %add3A_17 = vector.broadcast %get3A_16 : vector<1x96xf32> to vector<2000x96xf32>
    %add3A_18 = arith.addf %dot_general3A_13, %add3A_17 : vector<2000x96xf32>
    %get3A_19 = arith.constant 0 : index
    %get3A_20 = arith.constant 0 : index
    %get3A_21 = vector.load %arg6[%get3A_19, %get3A_20] : memref<1x96xf32, #tpu.memory_space<vmem>>, vector<1x96xf32>
    %rsqrt3A = arith.constant 1.000010e+00 : f32
    %rsqrt3A_22 = math.rsqrt %rsqrt3A : f32
    %mul3A = vector.broadcast %rsqrt3A_22 : f32 to vector<1x96xf32>
    %mul3A_23 = arith.mulf %get3A_21, %mul3A : vector<1x96xf32>
    %mul3A_24 = vector.broadcast %mul3A_23 : vector<1x96xf32> to vector<2000x96xf32>
    %mul3A_25 = arith.mulf %add3A_18, %mul3A_24 : vector<2000x96xf32>
    %get3A_26 = arith.constant 0 : index
    %get3A_27 = arith.constant 0 : index
    %get3A_28 = vector.load %arg7[%get3A_26, %get3A_27] : memref<1x96xf32, #tpu.memory_space<vmem>>, vector<1x96xf32>
    %add3A_29 = vector.broadcast %get3A_28 : vector<1x96xf32> to vector<2000x96xf32>
    %add3A_30 = arith.addf %mul3A_25, %add3A_29 : vector<2000x96xf32>
    %max3A = arith.constant 0.000000e+00 : f32
    %max3A_31 = vector.broadcast %max3A : f32 to vector<2000x96xf32>
    %max3A_32 = arith.maximumf %add3A_30, %max3A_31 : vector<2000x96xf32>
    %swap3A = arith.constant 0 : index
    %swap3A_33 = arith.constant 0 : index
    %swap3A_34 = vector.load %arg8[%swap3A, %swap3A_33] : memref<2000x96xf32, #tpu.memory_space<vmem>>, vector<2000x96xf32>
    tpu.vector_store %arg8[%swap3A, %swap3A_33], %max3A_32 {strides = array<i32>} : memref<2000x96xf32, #tpu.memory_space<vmem>>, vector<2000x96xf32>,
    return
  }
  func.func @transform_0(%arg0: i32) -> (i32, i32) {
    %c0_i32 = arith.constant 0 : i32
    %c0_i32_0 = arith.constant 0 : i32
    return %arg0, %c0_i32 : i32, i32
  }
  func.func @transform_1(%arg0: i32) -> (i32, i32) {
    %c0_i32 = arith.constant 0 : i32
    %c0_i32_0 = arith.constant 0 : i32
    return %arg0, %c0_i32 : i32, i32
  }
  func.func @transform_2(%arg0: i32) -> (i32, i32) {
    %c0_i32 = arith.constant 0 : i32
    %c0_i32_0 = arith.constant 0 : i32
    return %arg0, %c0_i32 : i32, i32
  }
  func.func @transform_3(%arg0: i32) -> (i32, i32) {
    %c0_i32 = arith.constant 0 : i32
    %c0_i32_0 = arith.constant 0 : i32
    %c0_i32_1 = arith.constant 0 : i32
    return %c0_i32, %c0_i32_0 : i32, i32
  }
  func.func @transform_4(%arg0: i32) -> (i32, i32) {
    %c0_i32 = arith.constant 0 : i32
    %c0_i32_0 = arith.constant 0 : i32
    %c0_i32_1 = arith.constant 0 : i32
    return %c0_i32, %c0_i32_0 : i32, i32
  }
  func.func @transform_5(%arg0: i32) -> (i32, i32) {
    %c0_i32 = arith.constant 0 : i32
    %c0_i32_0 = arith.constant 0 : i32
    %c0_i32_1 = arith.constant 0 : i32
    return %c0_i32, %c0_i32_0 : i32, i32
  }
  func.func @transform_6(%arg0: i32) -> (i32, i32) {
    %c0_i32 = arith.constant 0 : i32
    %c0_i32_0 = arith.constant 0 : i32
    %c0_i32_1 = arith.constant 0 : i32
    return %c0_i32, %c0_i32_0 : i32, i32
  }
  func.func @transform_7(%arg0: i32) -> (i32, i32) {
    %c0_i32 = arith.constant 0 : i32
    %c0_i32_0 = arith.constant 0 : i32
    return %arg0, %c0_i32 : i32, i32
  }
}

module attributes {stable_mosaic.version = 14 : i64} {
  func.func @_final_body(%arg0: i32, %arg1: memref<2000x96xf32, #tpu.memory_space<vmem>>, %arg2: memref<2000x96xbf16, #tpu.memory_space<vmem>>, %arg3: memref<2000x96xbf16, #tpu.memory_space<vmem>>, %arg4: memref<96x96xf32, #tpu.memory_space<vmem>>, %arg5: memref<1x96xf32, #tpu.memory_space<vmem>>, %arg6: memref<1x96xf32, #tpu.memory_space<vmem>>, %arg7: memref<1x96xf32, #tpu.memory_space<vmem>>, %arg8: memref<96x64xf32, #tpu.memory_space<vmem>>, %arg9: memref<1x64xf32, #tpu.memory_space<vmem>>, %arg10: memref<2000x64xf32, #tpu.memory_space<vmem>>) attributes {dimension_semantics = [#tpu.dimension_semantics<arbitrary>], iteration_bounds = array<i64: 5>, scalar_prefetch = 0 : i64, scratch_operands = 0 : i64, tpu.core_type = #tpu.core_type<tc>, window_params = [{transform_indices = @transform_0, window_bounds = array<i64: 2000, 96>}, {transform_indices = @transform_1, window_bounds = array<i64: 2000, 96>}, {transform_indices = @transform_2, window_bounds = array<i64: 2000, 96>}, {pipeline_mode = #tpu.pipeline_mode<synchronous>, transform_indices = @transform_3, window_bounds = array<i64: 96, 96>}, {pipeline_mode = #tpu.pipeline_mode<synchronous>, transform_indices = @transform_4, window_bounds = array<i64: 1, 96>}, {pipeline_mode = #tpu.pipeline_mode<synchronous>, transform_indices = @transform_5, window_bounds = array<i64: 1, 96>}, {pipeline_mode = #tpu.pipeline_mode<synchronous>, transform_indices = @transform_6, window_bounds = array<i64: 1, 96>}, {pipeline_mode = #tpu.pipeline_mode<synchronous>, transform_indices = @transform_7, window_bounds = array<i64: 96, 64>}, {pipeline_mode = #tpu.pipeline_mode<synchronous>, transform_indices = @transform_8, window_bounds = array<i64: 1, 64>}, {transform_indices = @transform_9, window_bounds = array<i64: 2000, 64>}]} {
    %get3A = arith.constant 0 : index
    %get3A_0 = arith.constant 0 : index
    %get3A_1 = vector.load %arg1[%get3A, %get3A_0] : memref<2000x96xf32, #tpu.memory_space<vmem>>, vector<2000x96xf32>
    %get3A_2 = arith.constant 0 : index
    %get3A_3 = arith.constant 0 : index
    %get3A_4 = vector.load %arg2[%get3A_2, %get3A_3] : memref<2000x96xbf16, #tpu.memory_space<vmem>>, vector<2000x96xbf16>
    %convert_element_type3A = arith.extf %get3A_4 : vector<2000x96xbf16> to vector<2000x96xf32>
    %add3A = arith.addf %get3A_1, %convert_element_type3A : vector<2000x96xf32>
    %get3A_5 = arith.constant 0 : index
    %get3A_6 = arith.constant 0 : index
    %get3A_7 = vector.load %arg3[%get3A_5, %get3A_6] : memref<2000x96xbf16, #tpu.memory_space<vmem>>, vector<2000x96xbf16>
    %convert_element_type3A_8 = arith.extf %get3A_7 : vector<2000x96xbf16> to vector<2000x96xf32>
    %add3A_9 = arith.addf %add3A, %convert_element_type3A_8 : vector<2000x96xf32>
    %get3A_10 = arith.constant 0 : index
    %get3A_11 = arith.constant 0 : index
    %get3A_12 = vector.load %arg4[%get3A_10, %get3A_11] : memref<96x96xf32, #tpu.memory_space<vmem>>, vector<96x96xf32>
    %dot_general3A = arith.constant dense<0.000000e+00> : vector<2000x96xf32>
    %dot_general3A_13 = tpu.matmul %add3A_9, %get3A_12, %dot_general3A {dimension_numbers = #tpu.dot_dimension_numbers<[1], [0], [0], [1], [0, 0, 1, 1], [], []>, transpose_lhs_hint = false} : vector<2000x96xf32>, vector<96x96xf32>, vector<2000x96xf32> -> vector<2000x96xf32>
    %get3A_14 = arith.constant 0 : index
    %get3A_15 = arith.constant 0 : index
    %get3A_16 = vector.load %arg5[%get3A_14, %get3A_15] : memref<1x96xf32, #tpu.memory_space<vmem>>, vector<1x96xf32>
    %add3A_17 = vector.broadcast %get3A_16 : vector<1x96xf32> to vector<2000x96xf32>
    %add3A_18 = arith.addf %dot_general3A_13, %add3A_17 : vector<2000x96xf32>
    %get3A_19 = arith.constant 0 : index
    %get3A_20 = arith.constant 0 : index
    %get3A_21 = vector.load %arg6[%get3A_19, %get3A_20] : memref<1x96xf32, #tpu.memory_space<vmem>>, vector<1x96xf32>
    %rsqrt3A = arith.constant 1.000010e+00 : f32
    %rsqrt3A_22 = math.rsqrt %rsqrt3A : f32
    %mul3A = vector.broadcast %rsqrt3A_22 : f32 to vector<1x96xf32>
    %mul3A_23 = arith.mulf %get3A_21, %mul3A : vector<1x96xf32>
    %mul3A_24 = vector.broadcast %mul3A_23 : vector<1x96xf32> to vector<2000x96xf32>
    %mul3A_25 = arith.mulf %add3A_18, %mul3A_24 : vector<2000x96xf32>
    %get3A_26 = arith.constant 0 : index
    %get3A_27 = arith.constant 0 : index
    %get3A_28 = vector.load %arg7[%get3A_26, %get3A_27] : memref<1x96xf32, #tpu.memory_space<vmem>>, vector<1x96xf32>
    %add3A_29 = vector.broadcast %get3A_28 : vector<1x96xf32> to vector<2000x96xf32>
    %add3A_30 = arith.addf %mul3A_25, %add3A_29 : vector<2000x96xf32>
    %max3A = arith.constant 0.000000e+00 : f32
    %max3A_31 = vector.broadcast %max3A : f32 to vector<2000x96xf32>
    %max3A_32 = arith.maximumf %add3A_30, %max3A_31 : vector<2000x96xf32>
    %get3A_33 = arith.constant 0 : index
    %get3A_34 = arith.constant 0 : index
    %get3A_35 = vector.load %arg8[%get3A_33, %get3A_34] : memref<96x64xf32, #tpu.memory_space<vmem>>, vector<96x64xf32>
    %dot_general3A_36 = arith.constant dense<0.000000e+00> : vector<2000x64xf32>
    %dot_general3A_37 = tpu.matmul %max3A_32, %get3A_35, %dot_general3A_36 {dimension_numbers = #tpu.dot_dimension_numbers<[1], [0], [0], [1], [0, 0, 1, 1], [], []>, transpose_lhs_hint = false} : vector<2000x96xf32>, vector<96x64xf32>, vector<2000x64xf32> -> vector<2000x64xf32>
    %get3A_38 = arith.constant 0 : index
    %get3A_39 = arith.constant 0 : index
    %get3A_40 = vector.load %arg9[%get3A_38, %get3A_39] : memref<1x64xf32, #tpu.memory_space<vmem>>, vector<1x64xf32>
    %add3A_41 = vector.broadcast %get3A_40 : vector<1x64xf32> to vector<2000x64xf32>
    %add3A_42 = arith.addf %dot_general3A_37, %add3A_41 : vector<2000x64xf32>
    %reduce_max3A = arith.constant dense<0xFF800000> : vector<2000xf32>
    %reduce_max3A_43 = vector.multi_reduction <maximumf>, %add3A_42, %reduce_max3A [1] : vector<2000x64xf32> to vector<2000xf32>
    %broadcast_in_dim3A = vector.shape_cast %reduce_max3A_43 : vector<2000xf32> to vector<2000x1xf32>
    %sub3A = vector.broadcast %broadcast_in_dim3A : vector<2000x1xf32> to vector<2000x64xf32>
    %sub3A_44 = arith.subf %add3A_42, %sub3A : vector<2000x64xf32>
    %exp3A = math.exp %sub3A_44 : vector<2000x64xf32>
    %reduce_sum3A = arith.constant dense<0.000000e+00> : vector<2000xf32>
    %reduce_sum3A_45 = vector.multi_reduction <add>, %exp3A, %reduce_sum3A [1] : vector<2000x64xf32> to vector<2000xf32>
    %broadcast_in_dim3A_46 = vector.shape_cast %reduce_sum3A_45 : vector<2000xf32> to vector<2000x1xf32>
    %log3A = math.log %broadcast_in_dim3A_46 : vector<2000x1xf32>
    %sub3A_47 = vector.broadcast %log3A : vector<2000x1xf32> to vector<2000x64xf32>
    %sub3A_48 = arith.subf %sub3A_44, %sub3A_47 : vector<2000x64xf32>
    %swap3A = arith.constant 0 : index
    %swap3A_49 = arith.constant 0 : index
    %swap3A_50 = vector.load %arg10[%swap3A, %swap3A_49] : memref<2000x64xf32, #tpu.memory_space<vmem>>, vector<2000x64xf32>
    tpu.vector_store %arg10[%swap3A, %swap3A_49], %sub3A_48 {strides = array<i32>} : memref<2000x64xf32, #tpu.memory_space<vmem>>, vector<2000x64xf32>,
    return
  }
  func.func @transform_0(%arg0: i32) -> (i32, i32) {
    %c0_i32 = arith.constant 0 : i32
    %c0_i32_0 = arith.constant 0 : i32
    return %arg0, %c0_i32 : i32, i32
  }
  func.func @transform_1(%arg0: i32) -> (i32, i32) {
    %c0_i32 = arith.constant 0 : i32
    %c0_i32_0 = arith.constant 0 : i32
    return %arg0, %c0_i32 : i32, i32
  }
  func.func @transform_2(%arg0: i32) -> (i32, i32) {
    %c0_i32 = arith.constant 0 : i32
    %c0_i32_0 = arith.constant 0 : i32
    return %arg0, %c0_i32 : i32, i32
  }
  func.func @transform_3(%arg0: i32) -> (i32, i32) {
    %c0_i32 = arith.constant 0 : i32
    %c0_i32_0 = arith.constant 0 : i32
    %c0_i32_1 = arith.constant 0 : i32
    return %c0_i32, %c0_i32_0 : i32, i32
  }
  func.func @transform_4(%arg0: i32) -> (i32, i32) {
    %c0_i32 = arith.constant 0 : i32
    %c0_i32_0 = arith.constant 0 : i32
    %c0_i32_1 = arith.constant 0 : i32
    return %c0_i32, %c0_i32_0 : i32, i32
  }
  func.func @transform_5(%arg0: i32) -> (i32, i32) {
    %c0_i32 = arith.constant 0 : i32
    %c0_i32_0 = arith.constant 0 : i32
    %c0_i32_1 = arith.constant 0 : i32
    return %c0_i32, %c0_i32_0 : i32, i32
  }
  func.func @transform_6(%arg0: i32) -> (i32, i32) {
    %c0_i32 = arith.constant 0 : i32
    %c0_i32_0 = arith.constant 0 : i32
    %c0_i32_1 = arith.constant 0 : i32
    return %c0_i32, %c0_i32_0 : i32, i32
  }
  func.func @transform_7(%arg0: i32) -> (i32, i32) {
    %c0_i32 = arith.constant 0 : i32
    %c0_i32_0 = arith.constant 0 : i32
    %c0_i32_1 = arith.constant 0 : i32
    return %c0_i32, %c0_i32_0 : i32, i32
  }
  func.func @transform_8(%arg0: i32) -> (i32, i32) {
    %c0_i32 = arith.constant 0 : i32
    %c0_i32_0 = arith.constant 0 : i32
    %c0_i32_1 = arith.constant 0 : i32
    return %c0_i32, %c0_i32_0 : i32, i32
  }
  func.func @transform_9(%arg0: i32) -> (i32, i32) {
    %c0_i32 = arith.constant 0 : i32
    %c0_i32_0 = arith.constant 0 : i32
    return %arg0, %c0_i32 : i32, i32
  }
}

</mosaic_0001>

<sc_bundles>
// kernel: kernel.10.cloned.1.call-start
scs
__scs_entry_jumppad:
0x0: {  	(pc) =	sbr.rel $0x88, $3  }
0x1: {  	(tag) =	ssettag $0x0;
	lr =	simm.s32 $0x1  }
0x2: {  	[smem:$0x3F93] =	sst lr;
	_ =	strace $0xD0000000  }
0x3: {  	_ = 	snop  }
0x4: {  	_ = 	snop  }
0x5: {  	_ = 	snop  }
0x6: {  	_ = 	snop  }
0x7: {  	_ = 	snop  }
__scs_overlays_trampoline_lowered:
0x8: {  	[smem:$0x3FA2] =	sst s0  }
0x9: {  	[smem:$0x3FA3] =	sst s1  }
0xa: {  	[smem:$0x3FA4] =	sst s2  }
0xb: {  	[smem:$0x3FA5] =	sst s3  }
0xc: {  	[smem:$0x3FA6] =	sst s4  }
0xd: {  	[smem:$0x3FA7] =	sst s5  }
0xe: {  	[smem:$0x3FA8] =	sst s6  }
0xf: {  	[smem:$0x3FA9] =	sst s7  }
0x10: {  	[smem:$0x3FAA] =	sst s8  }
0x11: {  	[smem:$0x3FAB] =	sst s9;
	s0 =	simm.s32 @!p0 $0x0  }
0x12: {  	s1 =	sld [smem:$0x3F91];
	s0 =	simm.s32 @p0 $0x1  }
0x13: {  	[smem:$0x3FAC] =	sst s0;
	s0 =	simm.s32 @!p1 $0x0  }
0x14: {  	s2 =	sld [smem:$0x3F90];
	s0 =	simm.s32 @p1 $0x1  }
0x15: {  	[smem:$0x3FAD] =	sst s0;
	s0 =	simm.s32 @!p2 $0x0  }
0x16: {  	s3 =	sld [smem:$0x3FDB];
	s0 =	simm.s32 @p2 $0x1  }
0x17: {  	s4 =	simm.s32 $0x1BF5;
	[smem:$0x3FAF] =	sst s0  }
0x18: {  	s0 =	sld [smem:$0x3F92];
	_ =	swait.ge [sflag:s4], $0x0  }
0x19: {  	s7 =	sld [smem:$0x3F93]  }
0x1a: {  	s8 =	sadd.s32 $0xFFFFE003, lr  }
0x1b: {  	s9 =	sadd.s32 $0xFFFFFEF7, lr;
	s5 =	simm.s32 $0xFFFFFFFF;
	p2 =	slt.u32 s8, $0xFFFFF086  }
0x1c: {  	p1 =	slt.u32 s9, $0xF7A;
	s5 =	simm.s32 @!p2 $0x0  }
0x1d: {  	s5 =	simm.s32 @p1 $0x1;
	p0 =	seq.s32 s7, s2  }
0x1e: {  	s7 =	smul.u32 @!p0 $0xF7A, s2;
	p2 =	seq.s32 @!p0 s5, $0x0  }
0x1f: {  	s9 =	smul.u32 $0xF7A, s1;
	s8 =	simm.s32 @!p0 $0x1BF5;
	p2 =	por !p2, p0  }
0x20: {  	[sflag:s8] =	ssyncset.s32 @!p0 $0xFFFFF086;
	s6 =	sadd.s32 @!p0 s3, s7;
	s7 =	simm.s32 @!p0 $0x108  }
0x21: {  	s3 =	sadd.s32 s3, s9;
	s6 =	sadd.s32 @!p0 $0x88, s6;
	s7 =	simm.s32 @p2 $0x1082  }
0x22: {  	[simem:s7], [sflag:s8] =	dma.local @!p0 [hbm:s6], $0xF7A  }
0x23: {  	s9 =	sor.u32 $0xD0000000, s2;
	s6 =	simm.s32 $0x108;
	_ =	swait.ge @!p0 [sflag:s8], $0x0  }
0x24: {  	s3 =	sadd.s32 $0x88, s3;
	s6 =	simm.s32 @!p1 $0x1082;
	[sflag:s4] =	ssyncset.s32 $0xFFFFF086  }
0x25: {  	[simem:s6], [sflag:s4] =	dma.local [hbm:s3], $0xF7A  }
0x26: {  	[smem:$0x3F93] =	sst s1;
	(tag) =	ssettag s2;
	_ =	strace s9  }
0x27: {  	s1 =	sld [smem:$0x3FA3]  }
0x28: {  	s2 =	sld [smem:$0x3FA4]  }
0x29: {  	s4 =	sld [smem:$0x3FA6]  }
0x2a: {  	p0 =	seq.s32 s5, $0x0;
	s5 =	sld [smem:$0x3FA7]  }
0x2b: {  	s6 =	sld [smem:$0x3FA8]  }
0x2c: {  	s7 =	sld [smem:$0x3FA9]  }
0x2d: {  	s3 =	simm.s32 $0x108;
	s8 =	sld [smem:$0x3FAA]  }
0x2e: {  	s3 =	simm.s32 @!p0 $0x1082;
	s9 =	sld [smem:$0x3FAB]  }
0x2f: {  	lr =	sadd.s32 s0, s3;
	s0 =	sld [smem:$0x3FA2]  }
0x30: {  	s3 =	sld [smem:$0x3FA5]  }
0x31: {  	[smem:$0x3FAE] =	sst s10  }
0x32: {  	s10 =	sld [smem:$0x3FAC];
	_ =	sdelay $0x3  }
0x33: {  	p0 =	seq.s32 s10, $0x1;
	s10 =	sld [smem:$0x3FAE];
	_ =	sdelay $0x3  }
0x34: {  	[smem:$0x3FAE] =	sst s10  }
0x35: {  	s10 =	sld [smem:$0x3FAD];
	_ =	sdelay $0x3  }
0x36: {  	p1 =	seq.s32 s10, $0x1;
	s10 =	sld [smem:$0x3FAE];
	_ =	sdelay $0x3  }
0x37: {  	[smem:$0x3FAE] =	sst s10  }
0x38: {  	s10 =	sld [smem:$0x3FAF]  }
0x39: {  	_ = 	snop;
	(pc) =	sbr.ind lr, $3  }
0x3a: {  	_ = 	snop  }
0x3b: {  	_ = 	snop  }
0x3c: {  	p2 =	seq.s32 s10, $0x1;
	s10 =	sld [smem:$0x3FAE]  }
0x3d: {  	_ =	shalt  }
0x3e: {  	_ =	shalt  }
0x3f: {  	_ =	shalt  }
0x40: {  	_ =	shalt  }
0x41: {  	_ =	shalt  }
0x42: {  	_ =	shalt  }
0x43: {  	_ =	shalt  }
0x44: {  	_ =	shalt  }
0x45: {  	_ =	shalt  }
0x46: {  	_ =	shalt  }
0x47: {  	_ =	shalt  }
0x48: {  	_ =	shalt  }
0x49: {  	_ =	shalt  }
0x4a: {  	_ =	shalt  }
0x4b: {  	_ =	shalt  }
0x4c: {  	_ =	shalt  }
0x4d: {  	_ =	shalt  }
0x4e: {  	_ =	shalt  }
0x4f: {  	_ =	shalt  }
0x50: {  	_ =	shalt  }
0x51: {  	_ =	shalt  }
0x52: {  	_ =	shalt  }
0x53: {  	_ =	shalt  }
0x54: {  	_ =	shalt  }
0x55: {  	_ =	shalt  }
0x56: {  	_ =	shalt  }
0x57: {  	_ =	shalt  }
0x58: {  	_ =	shalt  }
0x59: {  	_ =	shalt  }
0x5a: {  	_ =	shalt  }
0x5b: {  	_ =	shalt  }
0x5c: {  	_ =	shalt  }
0x5d: {  	_ =	shalt  }
0x5e: {  	_ =	shalt  }
0x5f: {  	_ =	shalt  }
0x60: {  	_ =	shalt  }
0x61: {  	_ =	shalt  }
0x62: {  	_ =	shalt  }
0x63: {  	_ =	shalt  }
0x64: {  	_ =	shalt  }
0x65: {  	_ =	shalt  }
0x66: {  	_ =	shalt  }
0x67: {  	_ =	shalt  }
0x68: {  	_ =	shalt  }
0x69: {  	_ =	shalt  }
0x6a: {  	_ =	shalt  }
0x6b: {  	_ =	shalt  }
0x6c: {  	_ =	shalt  }
0x6d: {  	_ =	shalt  }
0x6e: {  	_ =	shalt  }
0x6f: {  	_ =	shalt  }
0x70: {  	_ =	shalt  }
0x71: {  	_ =	shalt  }
0x72: {  	_ =	shalt  }
0x73: {  	_ =	shalt  }
0x74: {  	_ =	shalt  }
0x75: {  	_ =	shalt  }
0x76: {  	_ =	shalt  }
0x77: {  	_ =	shalt  }
0x78: {  	_ =	shalt  }
0x79: {  	_ =	shalt  }
0x7a: {  	_ =	shalt  }
0x7b: {  	_ =	shalt  }
0x7c: {  	_ =	shalt  }
0x7d: {  	_ =	shalt  }
0x7e: {  	_ =	shalt  }
0x7f: {  	_ =	shalt  }
0x80: {  	_ =	shalt  }
0x81: {  	_ =	shalt  }
0x82: {  	_ =	shalt  }
0x83: {  	_ =	shalt  }
0x84: {  	_ =	shalt  }
0x85: {  	_ =	shalt  }
0x86: {  	_ =	shalt  }
0x87: {  	_ =	shalt  }
.Lfunc_end0:
.L_simem_size_0:
called_computation.1_lowered:
.L_overlay_start_0:
0x88: {  	s2 =	sld [smem:$0x3FD9]  }
0x89: {  	s3 =	sld [smem:$0x3FFE];
	_ =	sdelay $0x1  }
0x8a: {  	s1 =	srdreg.scid  }
0x8b: {  	s0 =	sand.u32 $0x1, s1  }
0x8c: {  	s17 =	sshll.u32 s0, $0xA;
	s2 =	sadd.s32 s3, s2  }
0x8d: {  	s2 =	sadd.s32 s2, s17  }
0x8e: {  	[smem:$0x3FBA] =	sst s2  }
0x8f: {  	_ = 	snop  }
0x90: {  	s2 =	sld [smem:$0x3FD0];
	(tm) =	ssettm $0x1  }
0x91: {  	s18 =	sld [smem:$0x3FFB];
	_ =	sdelay $0x3  }
0x92: {  	_ =	strace s18  }
0x93: {  	s3 =	sld [smem:$0x3FFC];
	_ =	sdelay $0x3  }
0x94: {  	_ =	strace s3  }
0x95: {  	s3 =	sld [smem:$0x3FFD];
	_ =	sdelay $0x3  }
0x96: {  	_ =	strace s3  }
0x97: {  	_ =	strace $0x8FFFFFFF  }
0x98: {  	s19 =	sld [smem:$0x3FDB];
	_ =	sdelay $0x1  }
0x99: {  	s4 =	simm.s32 $_scs_section_size  }
0x9a: {  	s5 =	simm.s32 $_size__tile_overlayer_lowered;
	s6 =	simm.s32 $_tile_overlayer_lowered  }
0x9b: {  	s22 =	simm.s32 $0x1BFF;
	s21 =	sshll.u32 s6, $0x1;
	s3 =	sadd.s32 s4, s19  }
0x9c: {  	s7 =	simm.s32 $0x0;
	s20 =	sshll.u32 s5, $0x1;
	s5 =	sadd.s32 s21, s3  }
0x9d: {  	[timem:s7], [sflag:s22] =	dma.local [hbm:s5], s20  }
0x9e: {  	_ =	swait.ge [sflag:s22], s20  }
0x9f: {  	s4 =	ssub.s32 $0x0, s20;
	[sflag:s22] =	ssyncset.done $0x0  }
0xa0: {  	[sflag:s22] =	ssyncadd.s32 s4;
	_ =	sdelay $0x1  }
0xa1: {  	s23 =	simm.s32 $0x1B8B  }
0xa2: {  	_ =	swait.ge [sflag:s23], $0x1  }
0xa3: {  	[sflag:s23] =	ssyncset.done $0x0  }
0xa4: {  	s25 =	simm.s32 $0x1B8E;
	s24 =	sld [smem:$0x3FFE];
	[sflag:s23] =	ssyncadd.s32 $0xFFFFFFFF  }
0xa5: {  	s26 =	simm.s32 $execute0_lowered;
	[smem:$0x3FD2] =	sst s25  }
0xa6: {  	s5 =	sshll.u32 s26, $0x1;
	_ =	strace $0x80000049;
	[dreg:$0x1] =	wrdreg $0xFFFFFFFF  }
0xa7: {  	s28 =	simm.s32 $_size_execute0_lowered;
	s3 =	sadd.s32 s3, s5;
	[dreg:$0x0] =	wrdreg $0x0  }
0xa8: {  	s5 =	sshll.u32 s28, $0x1;
	[dreg:$0x2] =	wrdreg s3  }
0xa9: {  	[dreg:$0x3] =	wrdreg s5  }
0xaa: {  	[dreg:$0x4] =	wrdreg $0xC0  }
0xab: {  	_ =	task [dreg:s7], $0x5FFFF  }
0xac: {  	[dreg:$0x1] =	wrdreg $0xFFFFFFFF  }
0xad: {  	[dreg:$0x0] =	wrdreg $0x60  }
0xae: {  	[dreg:$0x2] =	wrdreg s2  }
0xaf: {  	[dreg:$0x3] =	wrdreg s24  }
0xb0: {  	[dreg:$0x4] =	wrdreg $0x111200  }
0xb1: {  	[dreg:$0x5] =	wrdreg $0x9  }
0xb2: {  	_ =	task.clear_ibuf [dreg:s7], $0x6FFFF;
	_ =	strace $0x90000049  }
0xb3: {  	s29 =	simm.s32 $0x9;
	_ =	strace $0x8000004B  }
0xb4: {  	_ =	swait.ge [sflag:s29], $0x1  }
0xb5: {  	[sflag:s29] =	ssyncadd.s32 $0xFFFFFFFF  }
0xb6: {  	_ =	strace $0x9000004B  }
0xb7: {  	_ =	sfence  }
0xb8: {  	s30 =	sld [smem:$0x0];
	_ =	sdelay $0x2  }
0xb9: {  	s31 =	sshll.u32 s1, $0xD;
	s1 =	sshrl.u32 s1, $0x2  }
0xba: {  	s3 =	sand.u32 $0x4000, s31;
	s1 =	sadd.s32 s1, s30  }
0xbb: {  	s0 =	sor.u32 s3, s0;
	s1 =	sshll.u32 s1, $0x11  }
0xbc: {  	s0 =	sor.u32 s1, s0  }
0xbd: {  	s0 =	sadd.s32 $0x8F2B, s0  }
0xbe: {  	[sflag:s0] =	ssyncadd.remote.s32 $0x1  }
0xbf: {  	_ =	sfence.sel $0xFFFF  }
0xc0: {  	[dreg:$0x0] =	wrdreg $0xFFFFFFFF;
	(pc) =	sbr.abs _section_cstart, $3  }
0xc1: {  	[dreg:$0x1] =	wrdreg $0xFFFFFFFF  }
0xc2: {  	_ =	task.clear_ibuf [dreg:s7], $0x2FFFF;
	_ =	strace $0x9FFFFFFF  }
0xc3: {  	(tm) =	ssettm $0x7FFFFFFF  }
tec
execute0_lowered:
.L_overlay_start_1:
0x0: {  	(tag) =	ssettag $0x1  }
0x1: {  	s0 =	rddreg [dreg:$0x0]  }
0x2: {  	s2 =	rddreg [dreg:$0x1]  }
0x3: {  	s1 =	rddreg [dreg:$0x2];
	s3 =	simm.s32 $0x0;
	s21 =	srdreg.scid  }
0x4: {  	s10 =	stileid.u32;
	s14 =	simm.s32 $0x1;
	s15 =	simm.s32 $0x2  }
0x5: {  	s16 =	simm.s32 $0x80;
	s17 =	simm.s32 $0x4E20;
	s18 =	simm.s32 $0x6620  }
0x6: {  	s20 =	simm.s32 $0x7E20;
	s29 =	simm.s32 $0xC620;
	s30 =	simm.s32 $0x3  }
0x7: {  	s19 =	simm.s32 $0x4;
	s28 =	simm.s32 $0x5;
	s31 =	simm.s32 $0x9  }
0x8: {  	s13 =	simm.s32 $0xC;
	s11 =	simm.s32 $0xF;
	s12 =	simm.s32 $0x0  }
0x9: {  	[smem:$0x7FF] =	sst s3;
	s4 =	sadd.s32 $0x2E00, s2;
	s3 =	sand.u32 $0x1, s21  }
0xa: {  	s5 =	smul.u32 $0xF000, s10;
	s6 =	sshll.u32 s10, $0x1;
	s7 =	sadd.s32 $0x11A00, s2  }
0xb: {  	s24 =	sshll.u32 s10, $0x6;
	s21 =	simm.s32 $0xA;
	s10 =	simm.s32 $0xE  }
0xc: {  	_ =	strace $0x8000004A;
	[dreg:$0x4] =	wrdreg s7;
	s22 =	ssub.s32 $0x2, s3  }
0xd: {  	s6 =	sor.u32 s3, s6;
	p0 =	seq.s32 s3, $0x1;
	s3 =	simm.s32 $0x12A00  }
0xe: {  	[dreg:$0x5] =	wrdreg s24;
	s8 =	sshrl.u32 s22, $0x1;
	s9 =	sshrl.u32 s5, $0x1  }
0xf: {  	s6 =	smul.u32 $0x2710, s6;
	s3 =	simm.s32 @!p0 $0x21A00;
	s25 =	sshrl.u32 s5, $0x4  }
0x10: {  	s5 =	simm.s32 $0xB;
	s7 =	ssub.s32 s22, s8;
	s23 =	sadd.s32 s9, s1  }
0x11: {  	s9 =	sor.u32 $0x1C11, s24;
	s2 =	sadd.s32 s3, s2;
	s22 =	simm.s32 $0x9620  }
0x12: {  	s3 =	simm.s32 $0xDE20;
	s24 =	simm.s32 $0x7;
	s6 =	sshrl.u32 s6, $0x3  }
0x13: {  	[dreg:$0x6] =	wrdreg s9;
	s26 =	smax.u32 s7, $0x1;
	s23 =	sshrl.u32 s23, $0x3  }
0x14: {  	s7 =	simm.s32 $0x8;
	s9 =	simm.s32 $0xD;
	[dreg:$0x9] =	wrdreg s26  }
0x15: {  	s0 =	sadd.s32 s0, s6;
	s26 =	simm.s32 $0xF620;
	[dreg:$0xb] =	wrdreg s23  }
0x16: {  	s6 =	simm.s32 $0x10;
	[dreg:$0x7] =	wrdreg s0;
	s0 =	sadd.s32 $0x9C40, s0  }
0x17: {  	[dreg:$0x8] =	wrdreg s0;
	s0 =	sadd.s32 s2, s25;
	s25 =	simm.s32 $0xAE20  }
0x18: {  	s2 =	simm.s32 $0x12;
	[dreg:$0xa] =	wrdreg s0;
	s0 =	simm.s32 $0x6  }
.LBB2_1:
0x19: {  	[dreg:$0xc] =	wrdreg s12  }
0x1a: {  	s8 =	rddreg [dreg:$0x4]  }
0x1b: {  	s12 =	rddreg [dreg:$0x6]  }
0x1c: {  	[spmem:s23], [sflag:s12] =	dma.local [hbm:s8], $0xF00  }
0x1d: {  	s8 =	simm.s32 $0x0;
	s12 =	rddreg [dreg:$0x7]  }
0x1e: {  	[tilespmem:s8], [sflag:$0x1] =	stream.linear.gather [hbm4b:s12+s8], $0x2710, $0x38;
	[tilespmem:$0x18920] =	vst v63  }
0x1f: {  	s23 =	simm.s32 $0x2710;
	s12 =	rddreg [dreg:$0x8]  }
0x20: {  	[tilespmem:s23], [sflag:$0x2] =	stream.linear.gather [hbm4b:s12+s8], $0x2710, $0x38;
	[tilespmem:$0x18920] =	vst v63  }
0x21: {  	_ =	swait.ge [sflag:s14], $0x2710  }
0x22: {  	[sflag:s14] =	ssyncset.done $0x0  }
0x23: {  	[sflag:s14] =	ssyncadd.s32 $0xFFFFD8F0  }
0x24: {  	_ =	swait.ge [sflag:s15], $0x2710  }
0x25: {  	[sflag:s15] =	ssyncset.done $0x0  }
0x26: {  	[sflag:s15] =	ssyncadd.s32 $0xFFFFD8F0  }
0x27: {  	[tilespmem:s17], [sflag:$0x1] =	stream.indirect.gather [hbm4b:s4+s16], $0x30, s8, s16, $0xb8;
	[tilespmem:$0x18920] =	vst v63  }
0x28: {  	_ = 	snop  }
0x29: {  	[tilespmem:s18], [sflag:$0x2] =	stream.indirect.gather [hbm4b:s4+s16], $0x30, s16, s16, $0xb8;
	[tilespmem:$0x18920] =	vst v63  }
0x2a: {  	s12 =	simm.s32 $0x100  }
0x2b: {  	[tilespmem:s20], [sflag:$0x3] =	stream.indirect.gather [hbm4b:s4+s16], $0x30, s12, s16, $0xb8;
	[tilespmem:$0x18920] =	vst v63  }
0x2c: {  	s12 =	simm.s32 $0x180  }
0x2d: {  	[tilespmem:s22], [sflag:$0x4] =	stream.indirect.gather [hbm4b:s4+s16], $0x30, s12, s16, $0xb8;
	[tilespmem:$0x18920] =	vst v63  }
0x2e: {  	s12 =	simm.s32 $0x11  }
0x2f: {  	_ =	swait.ge [sflag:s12], $0xF00  }
0x30: {  	[sflag:s12] =	ssyncset.done $0x0  }
0x31: {  	[sflag:s12] =	ssyncadd.s32 $0xFFFFF100  }
0x32: {  	[bflag:$0x0] =	sbarrier.arrive $0xFFFF  }
0x33: {  	_ =	swait.ge [sflag:s14], $0x1800  }
0x34: {  	[sflag:s14] =	ssyncset.done $0x0  }
0x35: {  	[sflag:s14] =	ssyncadd.s32 $0xFFFFE800  }
0x36: {  	[spmem:s1] =	stream.indirect.scatter.add.bf16 [tilespmem:s17], [sflag:$0x9], $0x30, s23, s16, $0xb8;
	[tilespmem:$0x18920] =	vst v63  }
0x37: {  	s12 =	simm.s32 $0x200  }
0x38: {  	[tilespmem:s25], [sflag:$0x5] =	stream.indirect.gather [hbm4b:s4+s16], $0x30, s12, s16, $0xb8;
	[tilespmem:$0x18920] =	vst v63  }
0x39: {  	_ =	swait.ge [sflag:s15], $0x1800  }
0x3a: {  	[sflag:s15] =	ssyncset.done $0x0  }
0x3b: {  	s23 =	simm.s32 $0x2790;
	[sflag:s15] =	ssyncadd.s32 $0xFFFFE800  }
0x3c: {  	[spmem:s1] =	stream.indirect.scatter.add.bf16 [tilespmem:s18], [sflag:$0xA], $0x30, s23, s16, $0xb8;
	[tilespmem:$0x18920] =	vst v63  }
0x3d: {  	s12 =	simm.s32 $0x280  }
0x3e: {  	[tilespmem:s29], [sflag:$0x6] =	stream.indirect.gather [hbm4b:s4+s16], $0x30, s12, s16, $0xb8;
	[tilespmem:$0x18920] =	vst v63  }
0x3f: {  	_ =	swait.ge [sflag:s30], $0x1800  }
0x40: {  	[sflag:s30] =	ssyncset.done $0x0  }
0x41: {  	s23 =	simm.s32 $0x2810;
	[sflag:s30] =	ssyncadd.s32 $0xFFFFE800  }
0x42: {  	[spmem:s1] =	stream.indirect.scatter.add.bf16 [tilespmem:s20], [sflag:$0xB], $0x30, s23, s16, $0xb8;
	[tilespmem:$0x18920] =	vst v63  }
0x43: {  	s12 =	simm.s32 $0x300  }
0x44: {  	[tilespmem:s3], [sflag:$0x7] =	stream.indirect.gather [hbm4b:s4+s16], $0x30, s12, s16, $0xb8;
	[tilespmem:$0x18920] =	vst v63  }
0x45: {  	_ =	swait.ge [sflag:s19], $0x1800  }
0x46: {  	[sflag:s19] =	ssyncset.done $0x0  }
0x47: {  	s23 =	simm.s32 $0x2890;
	[sflag:s19] =	ssyncadd.s32 $0xFFFFE800  }
0x48: {  	[spmem:s1] =	stream.indirect.scatter.add.bf16 [tilespmem:s22], [sflag:$0xC], $0x30, s23, s16, $0xb8;
	[tilespmem:$0x18920] =	vst v63  }
0x49: {  	s12 =	simm.s32 $0x380  }
0x4a: {  	[tilespmem:s26], [sflag:$0x8] =	stream.indirect.gather [hbm4b:s4+s16], $0x30, s12, s16, $0xb8;
	[tilespmem:$0x18920] =	vst v63  }
0x4b: {  	_ =	swait.ge [sflag:s28], $0x1800  }
0x4c: {  	[sflag:s28] =	ssyncset.done $0x0  }
0x4d: {  	s23 =	simm.s32 $0x2910;
	[sflag:s28] =	ssyncadd.s32 $0xFFFFE800  }
0x4e: {  	[spmem:s1] =	stream.indirect.scatter.add.bf16 [tilespmem:s25], [sflag:$0xD], $0x30, s23, s16, $0xb8;
	[tilespmem:$0x18920] =	vst v63  }
0x4f: {  	_ =	swait.ge [sflag:s31], $0x1800  }
0x50: {  	[sflag:s31] =	ssyncset.done $0x0  }
0x51: {  	s8 =	simm.s32 $0x400;
	[sflag:s31] =	ssyncadd.s32 $0xFFFFE800  }
0x52: {  	[tilespmem:s17], [sflag:$0x1] =	stream.indirect.gather [hbm4b:s4+s16], $0x30, s8, s16, $0xb8;
	[tilespmem:$0x18920] =	vst v63  }
0x53: {  	_ =	swait.ge [sflag:s0], $0x1800  }
0x54: {  	[sflag:s0] =	ssyncset.done $0x0  }
0x55: {  	s23 =	simm.s32 $0x2990;
	[sflag:s0] =	ssyncadd.s32 $0xFFFFE800  }
0x56: {  	[spmem:s1] =	stream.indirect.scatter.add.bf16 [tilespmem:s29], [sflag:$0xE], $0x30, s23, s16, $0xb8;
	[tilespmem:$0x18920] =	vst v63  }
0x57: {  	_ =	swait.ge [sflag:s21], $0x1800  }
0x58: {  	[sflag:s21] =	ssyncset.done $0x0  }
0x59: {  	s8 =	simm.s32 $0x480;
	[sflag:s21] =	ssyncadd.s32 $0xFFFFE800  }
0x5a: {  	[tilespmem:s18], [sflag:$0x2] =	stream.indirect.gather [hbm4b:s4+s16], $0x30, s8, s16, $0xb8;
	[tilespmem:$0x18920] =	vst v63  }
0x5b: {  	_ =	swait.ge [sflag:s24], $0x1800  }
0x5c: {  	[sflag:s24] =	ssyncset.done $0x0  }
0x5d: {  	s23 =	simm.s32 $0x2A10;
	[sflag:s24] =	ssyncadd.s32 $0xFFFFE800  }
0x5e: {  	[spmem:s1] =	stream.indirect.scatter.add.bf16 [tilespmem:s3], [sflag:$0xF], $0x30, s23, s16, $0xb8;
	[tilespmem:$0x18920] =	vst v63  }
0x5f: {  	_ =	swait.ge [sflag:s5], $0x1800  }
0x60: {  	[sflag:s5] =	ssyncset.done $0x0  }
0x61: {  	s8 =	simm.s32 $0x500;
	[sflag:s5] =	ssyncadd.s32 $0xFFFFE800  }
0x62: {  	[tilespmem:s20], [sflag:$0x3] =	stream.indirect.gather [hbm4b:s4+s16], $0x30, s8, s16, $0xb8;
	[tilespmem:$0x18920] =	vst v63  }
0x63: {  	_ =	swait.ge [sflag:s7], $0x1800  }
0x64: {  	[sflag:s7] =	ssyncset.done $0x0  }
0x65: {  	s23 =	simm.s32 $0x2A90;
	[sflag:s7] =	ssyncadd.s32 $0xFFFFE800  }
0x66: {  	[spmem:s1] =	stream.indirect.scatter.add.bf16 [tilespmem:s26], [sflag:$0x10], $0x30, s23, s16, $0xb8;
	[tilespmem:$0x18920] =	vst v63  }
0x67: {  	_ =	swait.ge [sflag:s13], $0x1800  }
0x68: {  	[sflag:s13] =	ssyncset.done $0x0  }
0x69: {  	s8 =	simm.s32 $0x580;
	[sflag:s13] =	ssyncadd.s32 $0xFFFFE800  }
0x6a: {  	[tilespmem:s22], [sflag:$0x4] =	stream.indirect.gather [hbm4b:s4+s16], $0x30, s8, s16, $0xb8;
	[tilespmem:$0x18920] =	vst v63  }
0x6b: {  	_ =	swait.ge [sflag:s14], $0x1800  }
0x6c: {  	[sflag:s14] =	ssyncset.done $0x0  }
0x6d: {  	s23 =	simm.s32 $0x2B10;
	[sflag:s14] =	ssyncadd.s32 $0xFFFFE800  }
0x6e: {  	[spmem:s1] =	stream.indirect.scatter.add.bf16 [tilespmem:s17], [sflag:$0x9], $0x30, s23, s16, $0xb8;
	[tilespmem:$0x18920] =	vst v63  }
0x6f: {  	_ =	swait.ge [sflag:s9], $0x1800  }
0x70: {  	[sflag:s9] =	ssyncset.done $0x0  }
0x71: {  	s8 =	simm.s32 $0x600;
	[sflag:s9] =	ssyncadd.s32 $0xFFFFE800  }
0x72: {  	[tilespmem:s25], [sflag:$0x5] =	stream.indirect.gather [hbm4b:s4+s16], $0x30, s8, s16, $0xb8;
	[tilespmem:$0x18920] =	vst v63  }
0x73: {  	_ =	swait.ge [sflag:s15], $0x1800  }
0x74: {  	[sflag:s15] =	ssyncset.done $0x0  }
0x75: {  	s23 =	simm.s32 $0x2B90;
	[sflag:s15] =	ssyncadd.s32 $0xFFFFE800  }
0x76: {  	[spmem:s1] =	stream.indirect.scatter.add.bf16 [tilespmem:s18], [sflag:$0xA], $0x30, s23, s16, $0xb8;
	[tilespmem:$0x18920] =	vst v63  }
0x77: {  	_ =	swait.ge [sflag:s10], $0x1800  }
0x78: {  	[sflag:s10] =	ssyncset.done $0x0  }
0x79: {  	s8 =	simm.s32 $0x680;
	[sflag:s10] =	ssyncadd.s32 $0xFFFFE800  }
0x7a: {  	[tilespmem:s29], [sflag:$0x6] =	stream.indirect.gather [hbm4b:s4+s16], $0x30, s8, s16, $0xb8;
	[tilespmem:$0x18920] =	vst v63  }
0x7b: {  	_ =	swait.ge [sflag:s30], $0x1800  }
0x7c: {  	[sflag:s30] =	ssyncset.done $0x0  }
0x7d: {  	s23 =	simm.s32 $0x2C10;
	[sflag:s30] =	ssyncadd.s32 $0xFFFFE800  }
0x7e: {  	[spmem:s1] =	stream.indirect.scatter.add.bf16 [tilespmem:s20], [sflag:$0xB], $0x30, s23, s16, $0xb8;
	[tilespmem:$0x18920] =	vst v63  }
0x7f: {  	_ =	swait.ge [sflag:s11], $0x1800  }
0x80: {  	[sflag:s11] =	ssyncset.done $0x0  }
0x81: {  	s8 =	simm.s32 $0x700;
	[sflag:s11] =	ssyncadd.s32 $0xFFFFE800  }
0x82: {  	[tilespmem:s3], [sflag:$0x7] =	stream.indirect.gather [hbm4b:s4+s16], $0x30, s8, s16, $0xb8;
	[tilespmem:$0x18920] =	vst v63  }
0x83: {  	_ =	swait.ge [sflag:s19], $0x1800  }
0x84: {  	[sflag:s19] =	ssyncset.done $0x0  }
0x85: {  	s23 =	simm.s32 $0x2C90;
	[sflag:s19] =	ssyncadd.s32 $0xFFFFE800  }
0x86: {  	[spmem:s1] =	stream.indirect.scatter.add.bf16 [tilespmem:s22], [sflag:$0xC], $0x30, s23, s16, $0xb8;
	[tilespmem:$0x18920] =	vst v63  }
0x87: {  	_ =	swait.ge [sflag:s6], $0x1800  }
0x88: {  	[sflag:s6] =	ssyncset.done $0x0  }
0x89: {  	s12 =	simm.s32 $0x780;
	s23 =	simm.s32 $0x1000;
	[sflag:s6] =	ssyncadd.s32 $0xFFFFE800  }
.LBB2_2:
0x8a: {  	[tilespmem:s26], [sflag:$0x8] =	stream.indirect.gather [hbm4b:s4+s16], $0x30, s12, s16, $0xb8;
	[tilespmem:$0x18920] =	vst v63  }
0x8b: {  	s12 =	smov.u32 s23  }
0x8c: {  	p0 =	sne.s32 s23, $0x7000;
	s23 =	sadd.s32 $0x1000, s23;
	_ =	swait.ge [sflag:s28], $0x1800  }
0x8d: {  	s12 =	sshra.s32 s12, $0x2;
	[sflag:s28] =	ssyncset.done $0x0  }
0x8e: {  	s8 =	sadd.s32 $0x2910, s12;
	[sflag:s28] =	ssyncadd.s32 $0xFFFFE800  }
0x8f: {  	[spmem:s1] =	stream.indirect.scatter.add.bf16 [tilespmem:s25], [sflag:$0xD], $0x30, s8, s16, $0xb8;
	[tilespmem:$0x18920] =	vst v63  }
0x90: {  	_ =	swait.ge [sflag:s31], $0x1800  }
0x91: {  	[sflag:s31] =	ssyncset.done $0x0  }
0x92: {  	s8 =	sadd.s32 $0x400, s12;
	[sflag:s31] =	ssyncadd.s32 $0xFFFFE800  }
0x93: {  	[tilespmem:s17], [sflag:$0x1] =	stream.indirect.gather [hbm4b:s4+s16], $0x30, s8, s16, $0xb8;
	[tilespmem:$0x18920] =	vst v63  }
0x94: {  	_ =	swait.ge [sflag:s0], $0x1800  }
0x95: {  	[sflag:s0] =	ssyncset.done $0x0  }
0x96: {  	s8 =	sadd.s32 $0x2990, s12;
	[sflag:s0] =	ssyncadd.s32 $0xFFFFE800  }
0x97: {  	[spmem:s1] =	stream.indirect.scatter.add.bf16 [tilespmem:s29], [sflag:$0xE], $0x30, s8, s16, $0xb8;
	[tilespmem:$0x18920] =	vst v63  }
0x98: {  	_ =	swait.ge [sflag:s21], $0x1800  }
0x99: {  	[sflag:s21] =	ssyncset.done $0x0  }
0x9a: {  	s8 =	sadd.s32 $0x480, s12;
	[sflag:s21] =	ssyncadd.s32 $0xFFFFE800  }
0x9b: {  	[tilespmem:s18], [sflag:$0x2] =	stream.indirect.gather [hbm4b:s4+s16], $0x30, s8, s16, $0xb8;
	[tilespmem:$0x18920] =	vst v63  }
0x9c: {  	_ =	swait.ge [sflag:s24], $0x1800  }
0x9d: {  	[sflag:s24] =	ssyncset.done $0x0  }
0x9e: {  	s8 =	sadd.s32 $0x2A10, s12;
	[sflag:s24] =	ssyncadd.s32 $0xFFFFE800  }
0x9f: {  	[spmem:s1] =	stream.indirect.scatter.add.bf16 [tilespmem:s3], [sflag:$0xF], $0x30, s8, s16, $0xb8;
	[tilespmem:$0x18920] =	vst v63  }
0xa0: {  	_ =	swait.ge [sflag:s5], $0x1800  }
0xa1: {  	[sflag:s5] =	ssyncset.done $0x0  }
0xa2: {  	s8 =	sadd.s32 $0x500, s12;
	[sflag:s5] =	ssyncadd.s32 $0xFFFFE800  }
0xa3: {  	[tilespmem:s20], [sflag:$0x3] =	stream.indirect.gather [hbm4b:s4+s16], $0x30, s8, s16, $0xb8;
	[tilespmem:$0x18920] =	vst v63  }
0xa4: {  	_ =	swait.ge [sflag:s7], $0x1800  }
0xa5: {  	[sflag:s7] =	ssyncset.done $0x0  }
0xa6: {  	s8 =	sadd.s32 $0x2A90, s12;
	[sflag:s7] =	ssyncadd.s32 $0xFFFFE800  }
0xa7: {  	[spmem:s1] =	stream.indirect.scatter.add.bf16 [tilespmem:s26], [sflag:$0x10], $0x30, s8, s16, $0xb8;
	[tilespmem:$0x18920] =	vst v63  }
0xa8: {  	_ =	swait.ge [sflag:s13], $0x1800  }
0xa9: {  	[sflag:s13] =	ssyncset.done $0x0  }
0xaa: {  	s8 =	sadd.s32 $0x580, s12;
	[sflag:s13] =	ssyncadd.s32 $0xFFFFE800  }
0xab: {  	[tilespmem:s22], [sflag:$0x4] =	stream.indirect.gather [hbm4b:s4+s16], $0x30, s8, s16, $0xb8;
	[tilespmem:$0x18920] =	vst v63  }
0xac: {  	_ =	swait.ge [sflag:s14], $0x1800  }
0xad: {  	[sflag:s14] =	ssyncset.done $0x0  }
0xae: {  	s8 =	sadd.s32 $0x2B10, s12;
	[sflag:s14] =	ssyncadd.s32 $0xFFFFE800  }
0xaf: {  	[spmem:s1] =	stream.indirect.scatter.add.bf16 [tilespmem:s17], [sflag:$0x9], $0x30, s8, s16, $0xb8;
	[tilespmem:$0x18920] =	vst v63  }
0xb0: {  	_ =	swait.ge [sflag:s9], $0x1800  }
0xb1: {  	[sflag:s9] =	ssyncset.done $0x0  }
0xb2: {  	s8 =	sadd.s32 $0x600, s12;
	[sflag:s9] =	ssyncadd.s32 $0xFFFFE800  }
0xb3: {  	[tilespmem:s25], [sflag:$0x5] =	stream.indirect.gather [hbm4b:s4+s16], $0x30, s8, s16, $0xb8;
	[tilespmem:$0x18920] =	vst v63  }
0xb4: {  	_ =	swait.ge [sflag:s15], $0x1800  }
0xb5: {  	[sflag:s15] =	ssyncset.done $0x0  }
0xb6: {  	s8 =	sadd.s32 $0x2B90, s12;
	[sflag:s15] =	ssyncadd.s32 $0xFFFFE800  }
0xb7: {  	[spmem:s1] =	stream.indirect.scatter.add.bf16 [tilespmem:s18], [sflag:$0xA], $0x30, s8, s16, $0xb8;
	[tilespmem:$0x18920] =	vst v63  }
0xb8: {  	_ =	swait.ge [sflag:s10], $0x1800  }
0xb9: {  	[sflag:s10] =	ssyncset.done $0x0  }
0xba: {  	s8 =	sadd.s32 $0x680, s12;
	[sflag:s10] =	ssyncadd.s32 $0xFFFFE800  }
0xbb: {  	[tilespmem:s29], [sflag:$0x6] =	stream.indirect.gather [hbm4b:s4+s16], $0x30, s8, s16, $0xb8;
	[tilespmem:$0x18920] =	vst v63  }
0xbc: {  	_ =	swait.ge [sflag:s30], $0x1800  }
0xbd: {  	[sflag:s30] =	ssyncset.done $0x0  }
0xbe: {  	s8 =	sadd.s32 $0x2C10, s12;
	[sflag:s30] =	ssyncadd.s32 $0xFFFFE800  }
0xbf: {  	[spmem:s1] =	stream.indirect.scatter.add.bf16 [tilespmem:s20], [sflag:$0xB], $0x30, s8, s16, $0xb8;
	[tilespmem:$0x18920] =	vst v63  }
0xc0: {  	_ =	swait.ge [sflag:s11], $0x1800  }
0xc1: {  	[sflag:s11] =	ssyncset.done $0x0  }
0xc2: {  	s8 =	sadd.s32 $0x700, s12;
	[sflag:s11] =	ssyncadd.s32 $0xFFFFE800  }
0xc3: {  	[tilespmem:s3], [sflag:$0x7] =	stream.indirect.gather [hbm4b:s4+s16], $0x30, s8, s16, $0xb8;
	[tilespmem:$0x18920] =	vst v63  }
0xc4: {  	_ =	swait.ge [sflag:s19], $0x1800  }
0xc5: {  	[sflag:s19] =	ssyncset.done $0x0  }
.Ltmp0:
0xc6: {  	s8 =	sadd.s32 $0x2C90, s12;
	[sflag:s19] =	ssyncadd.s32 $0xFFFFE800;
	(pc) =	sbr.rel @p0 .LBB2_2-.Ltmp0, $4  }
0xc7: {  	[spmem:s1] =	stream.indirect.scatter.add.bf16 [tilespmem:s22], [sflag:$0xC], $0x30, s8, s16, $0xb8;
	[tilespmem:$0x18920] =	vst v63  }
0xc8: {  	_ =	swait.ge [sflag:s6], $0x1800  }
0xc9: {  	[sflag:s6] =	ssyncset.done $0x0  }
0xca: {  	s12 =	sadd.s32 $0x780, s12;
	[sflag:s6] =	ssyncadd.s32 $0xFFFFE800  }
0xcb: {  	[tilespmem:s26], [sflag:$0x8] =	stream.indirect.gather [hbm4b:s4+s16], $0x30, s12, s16, $0xb8;
	[tilespmem:$0x18920] =	vst v63  }
0xcc: {  	_ =	swait.ge [sflag:s28], $0x1800  }
0xcd: {  	[sflag:s28] =	ssyncset.done $0x0  }
0xce: {  	s8 =	simm.s32 $0x4910;
	[sflag:s28] =	ssyncadd.s32 $0xFFFFE800  }
0xcf: {  	[spmem:s1] =	stream.indirect.scatter.add.bf16 [tilespmem:s25], [sflag:$0xD], $0x30, s8, s16, $0xb8;
	[tilespmem:$0x18920] =	vst v63  }
0xd0: {  	_ =	swait.ge [sflag:s31], $0x1800  }
0xd1: {  	[sflag:s31] =	ssyncset.done $0x0  }
0xd2: {  	s12 =	simm.s32 $0x2400;
	[sflag:s31] =	ssyncadd.s32 $0xFFFFE800  }
0xd3: {  	[tilespmem:s17], [sflag:$0x1] =	stream.indirect.gather [hbm4b:s4+s16], $0x30, s12, s16, $0xb8;
	[tilespmem:$0x18920] =	vst v63  }
0xd4: {  	_ =	swait.ge [sflag:s0], $0x1800  }
0xd5: {  	[sflag:s0] =	ssyncset.done $0x0  }
0xd6: {  	s23 =	simm.s32 $0x4990;
	[sflag:s0] =	ssyncadd.s32 $0xFFFFE800  }
0xd7: {  	[spmem:s1] =	stream.indirect.scatter.add.bf16 [tilespmem:s29], [sflag:$0xE], $0x30, s23, s16, $0xb8;
	[tilespmem:$0x18920] =	vst v63  }
0xd8: {  	_ =	swait.ge [sflag:s21], $0x1800  }
0xd9: {  	[sflag:s21] =	ssyncset.done $0x0  }
0xda: {  	s12 =	simm.s32 $0x2480;
	[sflag:s21] =	ssyncadd.s32 $0xFFFFE800  }
0xdb: {  	[tilespmem:s18], [sflag:$0x2] =	stream.indirect.gather [hbm4b:s4+s16], $0x30, s12, s16, $0xb8;
	[tilespmem:$0x18920] =	vst v63  }
0xdc: {  	_ =	swait.ge [sflag:s24], $0x1800  }
0xdd: {  	[sflag:s24] =	ssyncset.done $0x0  }
0xde: {  	s23 =	simm.s32 $0x4A10;
	[sflag:s24] =	ssyncadd.s32 $0xFFFFE800  }
0xdf: {  	[spmem:s1] =	stream.indirect.scatter.add.bf16 [tilespmem:s3], [sflag:$0xF], $0x30, s23, s16, $0xb8;
	[tilespmem:$0x18920] =	vst v63  }
0xe0: {  	_ =	swait.ge [sflag:s5], $0x1800  }
0xe1: {  	[sflag:s5] =	ssyncset.done $0x0  }
0xe2: {  	s12 =	simm.s32 $0x2500;
	[sflag:s5] =	ssyncadd.s32 $0xFFFFE800  }
0xe3: {  	[tilespmem:s20], [sflag:$0x3] =	stream.indirect.gather [hbm4b:s4+s16], $0x30, s12, s16, $0xb8;
	[tilespmem:$0x18920] =	vst v63  }
0xe4: {  	_ =	swait.ge [sflag:s7], $0x1800  }
0xe5: {  	[sflag:s7] =	ssyncset.done $0x0  }
0xe6: {  	s23 =	simm.s32 $0x4A90;
	[sflag:s7] =	ssyncadd.s32 $0xFFFFE800  }
0xe7: {  	[spmem:s1] =	stream.indirect.scatter.add.bf16 [tilespmem:s26], [sflag:$0x10], $0x30, s23, s16, $0xb8;
	[tilespmem:$0x18920] =	vst v63  }
0xe8: {  	_ =	swait.ge [sflag:s13], $0x1800  }
0xe9: {  	[sflag:s13] =	ssyncset.done $0x0  }
0xea: {  	s12 =	simm.s32 $0x2580;
	[sflag:s13] =	ssyncadd.s32 $0xFFFFE800  }
0xeb: {  	[tilespmem:s22], [sflag:$0x4] =	stream.indirect.gather [hbm4b:s4+s16], $0x30, s12, s16, $0xb8;
	[tilespmem:$0x18920] =	vst v63  }
0xec: {  	_ =	swait.ge [sflag:s14], $0x1800  }
0xed: {  	[sflag:s14] =	ssyncset.done $0x0  }
0xee: {  	s23 =	simm.s32 $0x4B10;
	[sflag:s14] =	ssyncadd.s32 $0xFFFFE800  }
0xef: {  	[spmem:s1] =	stream.indirect.scatter.add.bf16 [tilespmem:s17], [sflag:$0x9], $0x30, s23, s16, $0xb8;
	[tilespmem:$0x18920] =	vst v63  }
0xf0: {  	_ =	swait.ge [sflag:s9], $0x1800  }
0xf1: {  	[sflag:s9] =	ssyncset.done $0x0  }
0xf2: {  	s12 =	simm.s32 $0x2600;
	[sflag:s9] =	ssyncadd.s32 $0xFFFFE800  }
0xf3: {  	[tilespmem:s25], [sflag:$0x5] =	stream.indirect.gather [hbm4b:s4+s16], $0x30, s12, s16, $0xb8;
	[tilespmem:$0x18920] =	vst v63  }
0xf4: {  	_ =	swait.ge [sflag:s15], $0x1800  }
0xf5: {  	[sflag:s15] =	ssyncset.done $0x0  }
0xf6: {  	s23 =	simm.s32 $0x4B90;
	[sflag:s15] =	ssyncadd.s32 $0xFFFFE800  }
0xf7: {  	[spmem:s1] =	stream.indirect.scatter.add.bf16 [tilespmem:s18], [sflag:$0xA], $0x30, s23, s16, $0xb8;
	[tilespmem:$0x18920] =	vst v63  }
0xf8: {  	_ =	swait.ge [sflag:s10], $0x1800  }
0xf9: {  	[sflag:s10] =	ssyncset.done $0x0  }
0xfa: {  	s12 =	simm.s32 $0x2680;
	[sflag:s10] =	ssyncadd.s32 $0xFFFFE800  }
0xfb: {  	[tilespmem:s29], [sflag:$0x6] =	stream.indirect.gather [hbm4b:s4+s16], $0x30, s12, s16, $0xb8;
	[tilespmem:$0x18920] =	vst v63  }
0xfc: {  	_ =	swait.ge [sflag:s30], $0x1800  }
0xfd: {  	[sflag:s30] =	ssyncset.done $0x0  }
0xfe: {  	s23 =	simm.s32 $0x4C10;
	[sflag:s30] =	ssyncadd.s32 $0xFFFFE800  }
0xff: {  	[spmem:s1] =	stream.indirect.scatter.add.bf16 [tilespmem:s20], [sflag:$0xB], $0x30, s23, s16, $0xb8;
	[tilespmem:$0x18920] =	vst v63  }
0x100: {  	_ =	swait.ge [sflag:s11], $0x1800  }
0x101: {  	[sflag:s11] =	ssyncset.done $0x0  }
0x102: {  	[sflag:s11] =	ssyncadd.s32 $0xFFFFE800  }
0x103: {  	_ =	swait.ge [sflag:s19], $0x1800  }
0x104: {  	[sflag:s19] =	ssyncset.done $0x0  }
0x105: {  	s12 =	simm.s32 $0x4C90;
	[sflag:s19] =	ssyncadd.s32 $0xFFFFE800  }
0x106: {  	[spmem:s1] =	stream.indirect.scatter.add.bf16 [tilespmem:s22], [sflag:$0xC], $0x30, s12, s16, $0xb8;
	[tilespmem:$0x18920] =	vst v63  }
0x107: {  	_ =	swait.ge [sflag:s6], $0x1800  }
0x108: {  	[sflag:s6] =	ssyncset.done $0x0  }
0x109: {  	[sflag:s6] =	ssyncadd.s32 $0xFFFFE800  }
0x10a: {  	_ =	swait.ge [sflag:s28], $0x1800  }
0x10b: {  	[sflag:s28] =	ssyncset.done $0x0  }
0x10c: {  	s23 =	simm.s32 $0x4D10;
	[sflag:s28] =	ssyncadd.s32 $0xFFFFE800  }
0x10d: {  	[spmem:s1] =	stream.indirect.scatter.add.bf16 [tilespmem:s25], [sflag:$0xD], $0x30, s23, s16, $0xb8;
	[tilespmem:$0x18920] =	vst v63  }
0x10e: {  	_ =	swait.ge [sflag:s31], $0x1800  }
0x10f: {  	[sflag:s31] =	ssyncset.done $0x0  }
0x110: {  	[sflag:s31] =	ssyncadd.s32 $0xFFFFE800  }
0x111: {  	_ =	swait.ge [sflag:s0], $0x1800  }
0x112: {  	[sflag:s0] =	ssyncset.done $0x0  }
0x113: {  	s12 =	simm.s32 $0x4D90;
	[sflag:s0] =	ssyncadd.s32 $0xFFFFE800  }
0x114: {  	[spmem:s1] =	stream.indirect.scatter.add.bf16 [tilespmem:s29], [sflag:$0xE], $0x30, s12, s16, $0xb8;
	[tilespmem:$0x18920] =	vst v63  }
0x115: {  	_ =	swait.ge [sflag:s21], $0x1800  }
0x116: {  	[sflag:s21] =	ssyncset.done $0x0  }
0x117: {  	[sflag:s21] =	ssyncadd.s32 $0xFFFFE800  }
0x118: {  	_ =	swait.ge [sflag:s5], $0x1800  }
0x119: {  	[sflag:s5] =	ssyncset.done $0x0  }
0x11a: {  	[sflag:s5] =	ssyncadd.s32 $0xFFFFE800  }
0x11b: {  	_ =	swait.ge [sflag:s13], $0x1800  }
0x11c: {  	[sflag:s13] =	ssyncset.done $0x0  }
0x11d: {  	[sflag:s13] =	ssyncadd.s32 $0xFFFFE800  }
0x11e: {  	_ =	swait.ge [sflag:s9], $0x1800  }
0x11f: {  	[sflag:s9] =	ssyncset.done $0x0  }
0x120: {  	[sflag:s9] =	ssyncadd.s32 $0xFFFFE800  }
0x121: {  	_ =	swait.ge [sflag:s10], $0x1800  }
0x122: {  	[sflag:s10] =	ssyncset.done $0x0  }
0x123: {  	s23 =	simm.s32 $0x2700;
	s12 =	simm.s32 $0x10E20;
	[sflag:s10] =	ssyncadd.s32 $0xFFFFE800  }
0x124: {  	[tilespmem:s12], [sflag:$0x1] =	stream.indirect.gather [hbm4b:s4+s6], $0x30, s23, s6, $0xb8;
	[tilespmem:$0x18920] =	vst v63  }
0x125: {  	_ =	swait.ge [sflag:s14], $0x300  }
0x126: {  	[sflag:s14] =	ssyncset.done $0x0  }
0x127: {  	s23 =	simm.s32 $0x4E10;
	[sflag:s14] =	ssyncadd.s32 $0xFFFFFD00  }
0x128: {  	[spmem:s1] =	stream.indirect.scatter.add.bf16 [tilespmem:s12], [sflag:$0x12], $0x30, s23, s6, $0xb8;
	[tilespmem:$0x18920] =	vst v63  }
0x129: {  	_ =	swait.ge [sflag:s2], $0x300  }
0x12a: {  	[sflag:s2] =	ssyncset.done $0x0  }
0x12b: {  	[sflag:s2] =	ssyncadd.s32 $0xFFFFFD00  }
0x12c: {  	[bflag:$0x0] =	sbarrier.arrive $0xFFFF  }
0x12d: {  	s23 =	rddreg [dreg:$0x5]  }
0x12e: {  	s12 =	rddreg [dreg:$0xa]  }
0x12f: {  	s8 =	sor.u32 $0x1C12, s23;
	s23 =	rddreg [dreg:$0xb]  }
0x130: {  	[hbm:s12], [sflag:s8] =	dma.local [spmem:s23], $0xF00  }
0x131: {  	_ =	swait.ge [sflag:s2], $0xF00  }
0x132: {  	s8 =	rddreg [dreg:$0xc]  }
0x133: {  	s12 =	sadd.s32 $0x1, s8;
	s8 =	rddreg [dreg:$0x9]  }
0x134: {  	p0 =	sne.s32 s12, s8  }
.Ltmp1:
0x135: {  	_ = 	snop;
	(pc) =	sbr.rel @p0 .LBB2_1-.Ltmp1, $3  }
0x136: {  	_ =	sdelay $0x1  }
0x137: {  	[sflag:s2] =	ssyncset.done $0x0  }
0x138: {  	[sflag:s2] =	ssyncadd.s32 $0xFFFFF100  }
0x139: {  	_ =	sfence.sel $0x180000  }
0x13a: {  	[bflag:$0x0] =	sbarrier.arrive $0xFFFF  }
0x13b: {  	_ =	strace $0x9000004A  }
0x13c: {  	s0 =	stileid.u32;
	[bflag:$0x2] =	sbarrier.arrive $0xFFFF  }
0x13d: {  	p0 =	sne.s32 s0, $0x0;
	s0 =	rddreg [dreg:$0x3]  }
0x13e: {  	s0 =	sadd.s32 @!p0 $0x100000, s0  }
0x13f: {  	[sflag:s0] =	ssyncadd.tile.s32 @!p0 $0x1;
	_ =	shalt  }
.Lfunc_end2:
_tile_overlayer_lowered:
.L_overlay_start_2:
0x140: {  	(tag) =	ssettag $0x2  }
0x141: {  	s0 =	rddreg [dreg:$0x0];
	s2 =	stileid.u32  }
0x142: {  	s1 =	rddreg [dreg:$0x1];
	p0 =	sne.s32 s2, $0x0  }
0x143: {  	s3 =	rddreg [dreg:$0x2];
	[bflag:$0x3] =	sbarrier.arrive $0xFFFF;
	s2 =	simm.s32 @!p0 $0x1C12  }
0x144: {  	[timem:s3], [sflag:s2] =	dma.local @!p0 [hbm:s0], s1  }
0x145: {  	s0 =	simm.s32 @!p0 $0x12  }
0x146: {  	_ =	swait.ge @!p0 [sflag:s0], s1  }
0x147: {  	s1 =	ssub.s32 @!p0 $0x0, s1;
	[sflag:s0] =	ssyncset.done @!p0 $0x0  }
0x148: {  	[sflag:s0] =	ssyncadd.s32 @!p0 s1  }
0x149: {  	[bflag:$0x3] =	sbarrier.arrive $0xFFFF  }
0x14a: {  	_ =	shalt  }

// kernel: kernel.7.cloned.1.call-start
scs
__scs_entry_jumppad:
0x0: {  	(pc) =	sbr.rel $0x88, $3  }
0x1: {  	(tag) =	ssettag $0x0;
	lr =	simm.s32 $0x1  }
0x2: {  	[smem:$0x3F93] =	sst lr;
	_ =	strace $0xD0000000  }
0x3: {  	_ = 	snop  }
0x4: {  	_ = 	snop  }
0x5: {  	_ = 	snop  }
0x6: {  	_ = 	snop  }
0x7: {  	_ = 	snop  }
__scs_overlays_trampoline_lowered:
0x8: {  	[smem:$0x3FA2] =	sst s0  }
0x9: {  	[smem:$0x3FA3] =	sst s1  }
0xa: {  	[smem:$0x3FA4] =	sst s2  }
0xb: {  	[smem:$0x3FA5] =	sst s3  }
0xc: {  	[smem:$0x3FA6] =	sst s4  }
0xd: {  	[smem:$0x3FA7] =	sst s5  }
0xe: {  	[smem:$0x3FA8] =	sst s6  }
0xf: {  	[smem:$0x3FA9] =	sst s7  }
0x10: {  	[smem:$0x3FAA] =	sst s8  }
0x11: {  	[smem:$0x3FAB] =	sst s9;
	s0 =	simm.s32 @!p0 $0x0  }
0x12: {  	s1 =	sld [smem:$0x3F91];
	s0 =	simm.s32 @p0 $0x1  }
0x13: {  	[smem:$0x3FAC] =	sst s0;
	s0 =	simm.s32 @!p1 $0x0  }
0x14: {  	s2 =	sld [smem:$0x3F90];
	s0 =	simm.s32 @p1 $0x1  }
0x15: {  	[smem:$0x3FAD] =	sst s0;
	s0 =	simm.s32 @!p2 $0x0  }
0x16: {  	s3 =	sld [smem:$0x3FDB];
	s0 =	simm.s32 @p2 $0x1  }
0x17: {  	s4 =	simm.s32 $0x1BF5;
	[smem:$0x3FAF] =	sst s0  }
0x18: {  	s0 =	sld [smem:$0x3F92];
	_ =	swait.ge [sflag:s4], $0x0  }
0x19: {  	s7 =	sld [smem:$0x3F93]  }
0x1a: {  	s8 =	sadd.s32 $0xFFFFE003, lr  }
0x1b: {  	s9 =	sadd.s32 $0xFFFFFEF7, lr;
	s5 =	simm.s32 $0xFFFFFFFF;
	p2 =	slt.u32 s8, $0xFFFFF086  }
0x1c: {  	p1 =	slt.u32 s9, $0xF7A;
	s5 =	simm.s32 @!p2 $0x0  }
0x1d: {  	s5 =	simm.s32 @p1 $0x1;
	p0 =	seq.s32 s7, s2  }
0x1e: {  	s7 =	smul.u32 @!p0 $0xF7A, s2;
	p2 =	seq.s32 @!p0 s5, $0x0  }
0x1f: {  	s9 =	smul.u32 $0xF7A, s1;
	s8 =	simm.s32 @!p0 $0x1BF5;
	p2 =	por !p2, p0  }
0x20: {  	[sflag:s8] =	ssyncset.s32 @!p0 $0xFFFFF086;
	s6 =	sadd.s32 @!p0 s3, s7;
	s7 =	simm.s32 @!p0 $0x108  }
0x21: {  	s3 =	sadd.s32 s3, s9;
	s6 =	sadd.s32 @!p0 $0x88, s6;
	s7 =	simm.s32 @p2 $0x1082  }
0x22: {  	[simem:s7], [sflag:s8] =	dma.local @!p0 [hbm:s6], $0xF7A  }
0x23: {  	s9 =	sor.u32 $0xD0000000, s2;
	s6 =	simm.s32 $0x108;
	_ =	swait.ge @!p0 [sflag:s8], $0x0  }
0x24: {  	s3 =	sadd.s32 $0x88, s3;
	s6 =	simm.s32 @!p1 $0x1082;
	[sflag:s4] =	ssyncset.s32 $0xFFFFF086  }
0x25: {  	[simem:s6], [sflag:s4] =	dma.local [hbm:s3], $0xF7A  }
0x26: {  	[smem:$0x3F93] =	sst s1;
	(tag) =	ssettag s2;
	_ =	strace s9  }
0x27: {  	s1 =	sld [smem:$0x3FA3]  }
0x28: {  	s2 =	sld [smem:$0x3FA4]  }
0x29: {  	s4 =	sld [smem:$0x3FA6]  }
0x2a: {  	p0 =	seq.s32 s5, $0x0;
	s5 =	sld [smem:$0x3FA7]  }
0x2b: {  	s6 =	sld [smem:$0x3FA8]  }
0x2c: {  	s7 =	sld [smem:$0x3FA9]  }
0x2d: {  	s3 =	simm.s32 $0x108;
	s8 =	sld [smem:$0x3FAA]  }
0x2e: {  	s3 =	simm.s32 @!p0 $0x1082;
	s9 =	sld [smem:$0x3FAB]  }
0x2f: {  	lr =	sadd.s32 s0, s3;
	s0 =	sld [smem:$0x3FA2]  }
0x30: {  	s3 =	sld [smem:$0x3FA5]  }
0x31: {  	[smem:$0x3FAE] =	sst s10  }
0x32: {  	s10 =	sld [smem:$0x3FAC];
	_ =	sdelay $0x3  }
0x33: {  	p0 =	seq.s32 s10, $0x1;
	s10 =	sld [smem:$0x3FAE];
	_ =	sdelay $0x3  }
0x34: {  	[smem:$0x3FAE] =	sst s10  }
0x35: {  	s10 =	sld [smem:$0x3FAD];
	_ =	sdelay $0x3  }
0x36: {  	p1 =	seq.s32 s10, $0x1;
	s10 =	sld [smem:$0x3FAE];
	_ =	sdelay $0x3  }
0x37: {  	[smem:$0x3FAE] =	sst s10  }
0x38: {  	s10 =	sld [smem:$0x3FAF]  }
0x39: {  	_ = 	snop;
	(pc) =	sbr.ind lr, $3  }
0x3a: {  	_ = 	snop  }
0x3b: {  	_ = 	snop  }
0x3c: {  	p2 =	seq.s32 s10, $0x1;
	s10 =	sld [smem:$0x3FAE]  }
0x3d: {  	_ =	shalt  }
0x3e: {  	_ =	shalt  }
0x3f: {  	_ =	shalt  }
0x40: {  	_ =	shalt  }
0x41: {  	_ =	shalt  }
0x42: {  	_ =	shalt  }
0x43: {  	_ =	shalt  }
0x44: {  	_ =	shalt  }
0x45: {  	_ =	shalt  }
0x46: {  	_ =	shalt  }
0x47: {  	_ =	shalt  }
0x48: {  	_ =	shalt  }
0x49: {  	_ =	shalt  }
0x4a: {  	_ =	shalt  }
0x4b: {  	_ =	shalt  }
0x4c: {  	_ =	shalt  }
0x4d: {  	_ =	shalt  }
0x4e: {  	_ =	shalt  }
0x4f: {  	_ =	shalt  }
0x50: {  	_ =	shalt  }
0x51: {  	_ =	shalt  }
0x52: {  	_ =	shalt  }
0x53: {  	_ =	shalt  }
0x54: {  	_ =	shalt  }
0x55: {  	_ =	shalt  }
0x56: {  	_ =	shalt  }
0x57: {  	_ =	shalt  }
0x58: {  	_ =	shalt  }
0x59: {  	_ =	shalt  }
0x5a: {  	_ =	shalt  }
0x5b: {  	_ =	shalt  }
0x5c: {  	_ =	shalt  }
0x5d: {  	_ =	shalt  }
0x5e: {  	_ =	shalt  }
0x5f: {  	_ =	shalt  }
0x60: {  	_ =	shalt  }
0x61: {  	_ =	shalt  }
0x62: {  	_ =	shalt  }
0x63: {  	_ =	shalt  }
0x64: {  	_ =	shalt  }
0x65: {  	_ =	shalt  }
0x66: {  	_ =	shalt  }
0x67: {  	_ =	shalt  }
0x68: {  	_ =	shalt  }
0x69: {  	_ =	shalt  }
0x6a: {  	_ =	shalt  }
0x6b: {  	_ =	shalt  }
0x6c: {  	_ =	shalt  }
0x6d: {  	_ =	shalt  }
0x6e: {  	_ =	shalt  }
0x6f: {  	_ =	shalt  }
0x70: {  	_ =	shalt  }
0x71: {  	_ =	shalt  }
0x72: {  	_ =	shalt  }
0x73: {  	_ =	shalt  }
0x74: {  	_ =	shalt  }
0x75: {  	_ =	shalt  }
0x76: {  	_ =	shalt  }
0x77: {  	_ =	shalt  }
0x78: {  	_ =	shalt  }
0x79: {  	_ =	shalt  }
0x7a: {  	_ =	shalt  }
0x7b: {  	_ =	shalt  }
0x7c: {  	_ =	shalt  }
0x7d: {  	_ =	shalt  }
0x7e: {  	_ =	shalt  }
0x7f: {  	_ =	shalt  }
0x80: {  	_ =	shalt  }
0x81: {  	_ =	shalt  }
0x82: {  	_ =	shalt  }
0x83: {  	_ =	shalt  }
0x84: {  	_ =	shalt  }
0x85: {  	_ =	shalt  }
0x86: {  	_ =	shalt  }
0x87: {  	_ =	shalt  }
.Lfunc_end0:
.L_simem_size_0:
called_computation_lowered:
.L_overlay_start_0:
0x88: {  	s2 =	sld [smem:$0x3FD9]  }
0x89: {  	s3 =	sld [smem:$0x3FFE];
	_ =	sdelay $0x1  }
0x8a: {  	s1 =	srdreg.scid  }
0x8b: {  	s0 =	sand.u32 $0x1, s1  }
0x8c: {  	s17 =	sshll.u32 s0, $0xA;
	s2 =	sadd.s32 s3, s2  }
0x8d: {  	s2 =	sadd.s32 s2, s17  }
0x8e: {  	[smem:$0x3FBA] =	sst s2  }
0x8f: {  	_ = 	snop  }
0x90: {  	s2 =	sld [smem:$0x3FD0];
	(tm) =	ssettm $0x1  }
0x91: {  	s18 =	sld [smem:$0x3FFB];
	_ =	sdelay $0x3  }
0x92: {  	_ =	strace s18  }
0x93: {  	s3 =	sld [smem:$0x3FFC];
	_ =	sdelay $0x3  }
0x94: {  	_ =	strace s3  }
0x95: {  	s3 =	sld [smem:$0x3FFD];
	_ =	sdelay $0x3  }
0x96: {  	_ =	strace s3  }
0x97: {  	_ =	strace $0x8FFFFFFF  }
0x98: {  	s19 =	sld [smem:$0x3FDB];
	_ =	sdelay $0x1  }
0x99: {  	s4 =	simm.s32 $_scs_section_size  }
0x9a: {  	s5 =	simm.s32 $_size__tile_overlayer_lowered;
	s6 =	simm.s32 $_tile_overlayer_lowered  }
0x9b: {  	s22 =	simm.s32 $0x1BFF;
	s21 =	sshll.u32 s6, $0x1;
	s3 =	sadd.s32 s4, s19  }
0x9c: {  	s7 =	simm.s32 $0x0;
	s20 =	sshll.u32 s5, $0x1;
	s5 =	sadd.s32 s21, s3  }
0x9d: {  	[timem:s7], [sflag:s22] =	dma.local [hbm:s5], s20  }
0x9e: {  	_ =	swait.ge [sflag:s22], s20  }
0x9f: {  	s4 =	ssub.s32 $0x0, s20;
	[sflag:s22] =	ssyncset.done $0x0  }
0xa0: {  	[sflag:s22] =	ssyncadd.s32 s4;
	_ =	sdelay $0x1  }
0xa1: {  	s23 =	simm.s32 $0x1B8B  }
0xa2: {  	_ =	swait.ge [sflag:s23], $0x1  }
0xa3: {  	[sflag:s23] =	ssyncset.done $0x0  }
0xa4: {  	s25 =	simm.s32 $0x1B8E;
	s24 =	sld [smem:$0x3FFE];
	[sflag:s23] =	ssyncadd.s32 $0xFFFFFFFF  }
0xa5: {  	s26 =	simm.s32 $execute0_lowered;
	[smem:$0x3FD2] =	sst s25  }
0xa6: {  	s5 =	sshll.u32 s26, $0x1;
	_ =	strace $0x80000046;
	[dreg:$0x1] =	wrdreg $0xFFFFFFFF  }
0xa7: {  	s28 =	simm.s32 $_size_execute0_lowered;
	s3 =	sadd.s32 s3, s5;
	[dreg:$0x0] =	wrdreg $0x0  }
0xa8: {  	s5 =	sshll.u32 s28, $0x1;
	[dreg:$0x2] =	wrdreg s3  }
0xa9: {  	[dreg:$0x3] =	wrdreg s5  }
0xaa: {  	[dreg:$0x4] =	wrdreg $0xC0  }
0xab: {  	_ =	task [dreg:s7], $0x5FFFF  }
0xac: {  	[dreg:$0x1] =	wrdreg $0xFFFFFFFF  }
0xad: {  	[dreg:$0x0] =	wrdreg $0x60  }
0xae: {  	[dreg:$0x2] =	wrdreg s2  }
0xaf: {  	[dreg:$0x3] =	wrdreg s24  }
0xb0: {  	[dreg:$0x4] =	wrdreg $0x111200  }
0xb1: {  	[dreg:$0x5] =	wrdreg $0x9  }
0xb2: {  	_ =	task.clear_ibuf [dreg:s7], $0x6FFFF;
	_ =	strace $0x90000046  }
0xb3: {  	s29 =	simm.s32 $0x9;
	_ =	strace $0x80000048  }
0xb4: {  	_ =	swait.ge [sflag:s29], $0x1  }
0xb5: {  	[sflag:s29] =	ssyncadd.s32 $0xFFFFFFFF  }
0xb6: {  	_ =	strace $0x90000048  }
0xb7: {  	_ =	sfence  }
0xb8: {  	s30 =	sld [smem:$0x0];
	_ =	sdelay $0x2  }
0xb9: {  	s31 =	sshll.u32 s1, $0xD;
	s1 =	sshrl.u32 s1, $0x2  }
0xba: {  	s3 =	sand.u32 $0x4000, s31;
	s1 =	sadd.s32 s1, s30  }
0xbb: {  	s0 =	sor.u32 s3, s0;
	s1 =	sshll.u32 s1, $0x11  }
0xbc: {  	s0 =	sor.u32 s1, s0  }
0xbd: {  	s0 =	sadd.s32 $0x8F2B, s0  }
0xbe: {  	[sflag:s0] =	ssyncadd.remote.s32 $0x1  }
0xbf: {  	_ =	sfence.sel $0xFFFF  }
0xc0: {  	[dreg:$0x0] =	wrdreg $0xFFFFFFFF;
	(pc) =	sbr.abs _section_cstart, $3  }
0xc1: {  	[dreg:$0x1] =	wrdreg $0xFFFFFFFF  }
0xc2: {  	_ =	task.clear_ibuf [dreg:s7], $0x2FFFF;
	_ =	strace $0x9FFFFFFF  }
0xc3: {  	(tm) =	ssettm $0x7FFFFFFF  }
tec
execute0_lowered:
.L_overlay_start_1:
0x0: {  	(tag) =	ssettag $0x1  }
0x1: {  	s0 =	rddreg [dreg:$0x0]  }
0x2: {  	s2 =	rddreg [dreg:$0x1]  }
0x3: {  	s1 =	rddreg [dreg:$0x2];
	s3 =	simm.s32 $0x0;
	s21 =	srdreg.scid  }
0x4: {  	s10 =	stileid.u32;
	s14 =	simm.s32 $0x1;
	s15 =	simm.s32 $0x2  }
0x5: {  	s16 =	simm.s32 $0x80;
	s17 =	simm.s32 $0x4E20;
	s18 =	simm.s32 $0x6620  }
0x6: {  	s20 =	simm.s32 $0x7E20;
	s29 =	simm.s32 $0xC620;
	s30 =	simm.s32 $0x3  }
0x7: {  	s19 =	simm.s32 $0x4;
	s28 =	simm.s32 $0x5;
	s31 =	simm.s32 $0x9  }
0x8: {  	s13 =	simm.s32 $0xC;
	s11 =	simm.s32 $0xF;
	s12 =	simm.s32 $0x0  }
0x9: {  	[smem:$0x7FF] =	sst s3;
	s4 =	sadd.s32 $0x2E00, s2;
	s3 =	sand.u32 $0x1, s21  }
0xa: {  	s5 =	smul.u32 $0xF000, s10;
	s6 =	sshll.u32 s10, $0x1;
	s7 =	sadd.s32 $0x11A00, s2  }
0xb: {  	s24 =	sshll.u32 s10, $0x6;
	s21 =	simm.s32 $0xA;
	s10 =	simm.s32 $0xE  }
0xc: {  	_ =	strace $0x80000047;
	[dreg:$0x4] =	wrdreg s7;
	s22 =	ssub.s32 $0x2, s3  }
0xd: {  	s6 =	sor.u32 s3, s6;
	p0 =	seq.s32 s3, $0x1;
	s3 =	simm.s32 $0x12A00  }
0xe: {  	[dreg:$0x5] =	wrdreg s24;
	s8 =	sshrl.u32 s22, $0x1;
	s9 =	sshrl.u32 s5, $0x1  }
0xf: {  	s6 =	smul.u32 $0x2710, s6;
	s3 =	simm.s32 @!p0 $0x21A00;
	s25 =	sshrl.u32 s5, $0x4  }
0x10: {  	s5 =	simm.s32 $0xB;
	s7 =	ssub.s32 s22, s8;
	s23 =	sadd.s32 s9, s1  }
0x11: {  	s9 =	sor.u32 $0x1C11, s24;
	s2 =	sadd.s32 s3, s2;
	s22 =	simm.s32 $0x9620  }
0x12: {  	s3 =	simm.s32 $0xDE20;
	s24 =	simm.s32 $0x7;
	s6 =	sshrl.u32 s6, $0x3  }
0x13: {  	[dreg:$0x6] =	wrdreg s9;
	s26 =	smax.u32 s7, $0x1;
	s23 =	sshrl.u32 s23, $0x3  }
0x14: {  	s7 =	simm.s32 $0x8;
	s9 =	simm.s32 $0xD;
	[dreg:$0x9] =	wrdreg s26  }
0x15: {  	s0 =	sadd.s32 s0, s6;
	s26 =	simm.s32 $0xF620;
	[dreg:$0xb] =	wrdreg s23  }
0x16: {  	s6 =	simm.s32 $0x10;
	[dreg:$0x7] =	wrdreg s0;
	s0 =	sadd.s32 $0x9C40, s0  }
0x17: {  	[dreg:$0x8] =	wrdreg s0;
	s0 =	sadd.s32 s2, s25;
	s25 =	simm.s32 $0xAE20  }
0x18: {  	s2 =	simm.s32 $0x12;
	[dreg:$0xa] =	wrdreg s0;
	s0 =	simm.s32 $0x6  }
.LBB2_1:
0x19: {  	[dreg:$0xc] =	wrdreg s12  }
0x1a: {  	s8 =	rddreg [dreg:$0x4]  }
0x1b: {  	s12 =	rddreg [dreg:$0x6]  }
0x1c: {  	[spmem:s23], [sflag:s12] =	dma.local [hbm:s8], $0xF00  }
0x1d: {  	s8 =	simm.s32 $0x0;
	s12 =	rddreg [dreg:$0x7]  }
0x1e: {  	[tilespmem:s8], [sflag:$0x1] =	stream.linear.gather [hbm4b:s12+s8], $0x2710, $0x38;
	[tilespmem:$0x18920] =	vst v63  }
0x1f: {  	s23 =	simm.s32 $0x2710;
	s12 =	rddreg [dreg:$0x8]  }
0x20: {  	[tilespmem:s23], [sflag:$0x2] =	stream.linear.gather [hbm4b:s12+s8], $0x2710, $0x38;
	[tilespmem:$0x18920] =	vst v63  }
0x21: {  	_ =	swait.ge [sflag:s14], $0x2710  }
0x22: {  	[sflag:s14] =	ssyncset.done $0x0  }
0x23: {  	[sflag:s14] =	ssyncadd.s32 $0xFFFFD8F0  }
0x24: {  	_ =	swait.ge [sflag:s15], $0x2710  }
0x25: {  	[sflag:s15] =	ssyncset.done $0x0  }
0x26: {  	[sflag:s15] =	ssyncadd.s32 $0xFFFFD8F0  }
0x27: {  	[tilespmem:s17], [sflag:$0x1] =	stream.indirect.gather [hbm4b:s4+s16], $0x30, s8, s16, $0xb8;
	[tilespmem:$0x18920] =	vst v63  }
0x28: {  	_ = 	snop  }
0x29: {  	[tilespmem:s18], [sflag:$0x2] =	stream.indirect.gather [hbm4b:s4+s16], $0x30, s16, s16, $0xb8;
	[tilespmem:$0x18920] =	vst v63  }
0x2a: {  	s12 =	simm.s32 $0x100  }
0x2b: {  	[tilespmem:s20], [sflag:$0x3] =	stream.indirect.gather [hbm4b:s4+s16], $0x30, s12, s16, $0xb8;
	[tilespmem:$0x18920] =	vst v63  }
0x2c: {  	s12 =	simm.s32 $0x180  }
0x2d: {  	[tilespmem:s22], [sflag:$0x4] =	stream.indirect.gather [hbm4b:s4+s16], $0x30, s12, s16, $0xb8;
	[tilespmem:$0x18920] =	vst v63  }
0x2e: {  	s12 =	simm.s32 $0x11  }
0x2f: {  	_ =	swait.ge [sflag:s12], $0xF00  }
0x30: {  	[sflag:s12] =	ssyncset.done $0x0  }
0x31: {  	[sflag:s12] =	ssyncadd.s32 $0xFFFFF100  }
0x32: {  	[bflag:$0x0] =	sbarrier.arrive $0xFFFF  }
0x33: {  	_ =	swait.ge [sflag:s14], $0x1800  }
0x34: {  	[sflag:s14] =	ssyncset.done $0x0  }
0x35: {  	[sflag:s14] =	ssyncadd.s32 $0xFFFFE800  }
0x36: {  	[spmem:s1] =	stream.indirect.scatter.add.bf16 [tilespmem:s17], [sflag:$0x9], $0x30, s23, s16, $0xb8;
	[tilespmem:$0x18920] =	vst v63  }
0x37: {  	s12 =	simm.s32 $0x200  }
0x38: {  	[tilespmem:s25], [sflag:$0x5] =	stream.indirect.gather [hbm4b:s4+s16], $0x30, s12, s16, $0xb8;
	[tilespmem:$0x18920] =	vst v63  }
0x39: {  	_ =	swait.ge [sflag:s15], $0x1800  }
0x3a: {  	[sflag:s15] =	ssyncset.done $0x0  }
0x3b: {  	s23 =	simm.s32 $0x2790;
	[sflag:s15] =	ssyncadd.s32 $0xFFFFE800  }
0x3c: {  	[spmem:s1] =	stream.indirect.scatter.add.bf16 [tilespmem:s18], [sflag:$0xA], $0x30, s23, s16, $0xb8;
	[tilespmem:$0x18920] =	vst v63  }
0x3d: {  	s12 =	simm.s32 $0x280  }
0x3e: {  	[tilespmem:s29], [sflag:$0x6] =	stream.indirect.gather [hbm4b:s4+s16], $0x30, s12, s16, $0xb8;
	[tilespmem:$0x18920] =	vst v63  }
0x3f: {  	_ =	swait.ge [sflag:s30], $0x1800  }
0x40: {  	[sflag:s30] =	ssyncset.done $0x0  }
0x41: {  	s23 =	simm.s32 $0x2810;
	[sflag:s30] =	ssyncadd.s32 $0xFFFFE800  }
0x42: {  	[spmem:s1] =	stream.indirect.scatter.add.bf16 [tilespmem:s20], [sflag:$0xB], $0x30, s23, s16, $0xb8;
	[tilespmem:$0x18920] =	vst v63  }
0x43: {  	s12 =	simm.s32 $0x300  }
0x44: {  	[tilespmem:s3], [sflag:$0x7] =	stream.indirect.gather [hbm4b:s4+s16], $0x30, s12, s16, $0xb8;
	[tilespmem:$0x18920] =	vst v63  }
0x45: {  	_ =	swait.ge [sflag:s19], $0x1800  }
0x46: {  	[sflag:s19] =	ssyncset.done $0x0  }
0x47: {  	s23 =	simm.s32 $0x2890;
	[sflag:s19] =	ssyncadd.s32 $0xFFFFE800  }
0x48: {  	[spmem:s1] =	stream.indirect.scatter.add.bf16 [tilespmem:s22], [sflag:$0xC], $0x30, s23, s16, $0xb8;
	[tilespmem:$0x18920] =	vst v63  }
0x49: {  	s12 =	simm.s32 $0x380  }
0x4a: {  	[tilespmem:s26], [sflag:$0x8] =	stream.indirect.gather [hbm4b:s4+s16], $0x30, s12, s16, $0xb8;
	[tilespmem:$0x18920] =	vst v63  }
0x4b: {  	_ =	swait.ge [sflag:s28], $0x1800  }
0x4c: {  	[sflag:s28] =	ssyncset.done $0x0  }
0x4d: {  	s23 =	simm.s32 $0x2910;
	[sflag:s28] =	ssyncadd.s32 $0xFFFFE800  }
0x4e: {  	[spmem:s1] =	stream.indirect.scatter.add.bf16 [tilespmem:s25], [sflag:$0xD], $0x30, s23, s16, $0xb8;
	[tilespmem:$0x18920] =	vst v63  }
0x4f: {  	_ =	swait.ge [sflag:s31], $0x1800  }
0x50: {  	[sflag:s31] =	ssyncset.done $0x0  }
0x51: {  	s8 =	simm.s32 $0x400;
	[sflag:s31] =	ssyncadd.s32 $0xFFFFE800  }
0x52: {  	[tilespmem:s17], [sflag:$0x1] =	stream.indirect.gather [hbm4b:s4+s16], $0x30, s8, s16, $0xb8;
	[tilespmem:$0x18920] =	vst v63  }
0x53: {  	_ =	swait.ge [sflag:s0], $0x1800  }
0x54: {  	[sflag:s0] =	ssyncset.done $0x0  }
0x55: {  	s23 =	simm.s32 $0x2990;
	[sflag:s0] =	ssyncadd.s32 $0xFFFFE800  }
0x56: {  	[spmem:s1] =	stream.indirect.scatter.add.bf16 [tilespmem:s29], [sflag:$0xE], $0x30, s23, s16, $0xb8;
	[tilespmem:$0x18920] =	vst v63  }
0x57: {  	_ =	swait.ge [sflag:s21], $0x1800  }
0x58: {  	[sflag:s21] =	ssyncset.done $0x0  }
0x59: {  	s8 =	simm.s32 $0x480;
	[sflag:s21] =	ssyncadd.s32 $0xFFFFE800  }
0x5a: {  	[tilespmem:s18], [sflag:$0x2] =	stream.indirect.gather [hbm4b:s4+s16], $0x30, s8, s16, $0xb8;
	[tilespmem:$0x18920] =	vst v63  }
0x5b: {  	_ =	swait.ge [sflag:s24], $0x1800  }
0x5c: {  	[sflag:s24] =	ssyncset.done $0x0  }
0x5d: {  	s23 =	simm.s32 $0x2A10;
	[sflag:s24] =	ssyncadd.s32 $0xFFFFE800  }
0x5e: {  	[spmem:s1] =	stream.indirect.scatter.add.bf16 [tilespmem:s3], [sflag:$0xF], $0x30, s23, s16, $0xb8;
	[tilespmem:$0x18920] =	vst v63  }
0x5f: {  	_ =	swait.ge [sflag:s5], $0x1800  }
0x60: {  	[sflag:s5] =	ssyncset.done $0x0  }
0x61: {  	s8 =	simm.s32 $0x500;
	[sflag:s5] =	ssyncadd.s32 $0xFFFFE800  }
0x62: {  	[tilespmem:s20], [sflag:$0x3] =	stream.indirect.gather [hbm4b:s4+s16], $0x30, s8, s16, $0xb8;
	[tilespmem:$0x18920] =	vst v63  }
0x63: {  	_ =	swait.ge [sflag:s7], $0x1800  }
0x64: {  	[sflag:s7] =	ssyncset.done $0x0  }
0x65: {  	s23 =	simm.s32 $0x2A90;
	[sflag:s7] =	ssyncadd.s32 $0xFFFFE800  }
0x66: {  	[spmem:s1] =	stream.indirect.scatter.add.bf16 [tilespmem:s26], [sflag:$0x10], $0x30, s23, s16, $0xb8;
	[tilespmem:$0x18920] =	vst v63  }
0x67: {  	_ =	swait.ge [sflag:s13], $0x1800  }
0x68: {  	[sflag:s13] =	ssyncset.done $0x0  }
0x69: {  	s8 =	simm.s32 $0x580;
	[sflag:s13] =	ssyncadd.s32 $0xFFFFE800  }
0x6a: {  	[tilespmem:s22], [sflag:$0x4] =	stream.indirect.gather [hbm4b:s4+s16], $0x30, s8, s16, $0xb8;
	[tilespmem:$0x18920] =	vst v63  }
0x6b: {  	_ =	swait.ge [sflag:s14], $0x1800  }
0x6c: {  	[sflag:s14] =	ssyncset.done $0x0  }
0x6d: {  	s23 =	simm.s32 $0x2B10;
	[sflag:s14] =	ssyncadd.s32 $0xFFFFE800  }
0x6e: {  	[spmem:s1] =	stream.indirect.scatter.add.bf16 [tilespmem:s17], [sflag:$0x9], $0x30, s23, s16, $0xb8;
	[tilespmem:$0x18920] =	vst v63  }
0x6f: {  	_ =	swait.ge [sflag:s9], $0x1800  }
0x70: {  	[sflag:s9] =	ssyncset.done $0x0  }
0x71: {  	s8 =	simm.s32 $0x600;
	[sflag:s9] =	ssyncadd.s32 $0xFFFFE800  }
0x72: {  	[tilespmem:s25], [sflag:$0x5] =	stream.indirect.gather [hbm4b:s4+s16], $0x30, s8, s16, $0xb8;
	[tilespmem:$0x18920] =	vst v63  }
0x73: {  	_ =	swait.ge [sflag:s15], $0x1800  }
0x74: {  	[sflag:s15] =	ssyncset.done $0x0  }
0x75: {  	s23 =	simm.s32 $0x2B90;
	[sflag:s15] =	ssyncadd.s32 $0xFFFFE800  }
0x76: {  	[spmem:s1] =	stream.indirect.scatter.add.bf16 [tilespmem:s18], [sflag:$0xA], $0x30, s23, s16, $0xb8;
	[tilespmem:$0x18920] =	vst v63  }
0x77: {  	_ =	swait.ge [sflag:s10], $0x1800  }
0x78: {  	[sflag:s10] =	ssyncset.done $0x0  }
0x79: {  	s8 =	simm.s32 $0x680;
	[sflag:s10] =	ssyncadd.s32 $0xFFFFE800  }
0x7a: {  	[tilespmem:s29], [sflag:$0x6] =	stream.indirect.gather [hbm4b:s4+s16], $0x30, s8, s16, $0xb8;
	[tilespmem:$0x18920] =	vst v63  }
0x7b: {  	_ =	swait.ge [sflag:s30], $0x1800  }
0x7c: {  	[sflag:s30] =	ssyncset.done $0x0  }
0x7d: {  	s23 =	simm.s32 $0x2C10;
	[sflag:s30] =	ssyncadd.s32 $0xFFFFE800  }
0x7e: {  	[spmem:s1] =	stream.indirect.scatter.add.bf16 [tilespmem:s20], [sflag:$0xB], $0x30, s23, s16, $0xb8;
	[tilespmem:$0x18920] =	vst v63  }
0x7f: {  	_ =	swait.ge [sflag:s11], $0x1800  }
0x80: {  	[sflag:s11] =	ssyncset.done $0x0  }
0x81: {  	s8 =	simm.s32 $0x700;
	[sflag:s11] =	ssyncadd.s32 $0xFFFFE800  }
0x82: {  	[tilespmem:s3], [sflag:$0x7] =	stream.indirect.gather [hbm4b:s4+s16], $0x30, s8, s16, $0xb8;
	[tilespmem:$0x18920] =	vst v63  }
0x83: {  	_ =	swait.ge [sflag:s19], $0x1800  }
0x84: {  	[sflag:s19] =	ssyncset.done $0x0  }
0x85: {  	s23 =	simm.s32 $0x2C90;
	[sflag:s19] =	ssyncadd.s32 $0xFFFFE800  }
0x86: {  	[spmem:s1] =	stream.indirect.scatter.add.bf16 [tilespmem:s22], [sflag:$0xC], $0x30, s23, s16, $0xb8;
	[tilespmem:$0x18920] =	vst v63  }
0x87: {  	_ =	swait.ge [sflag:s6], $0x1800  }
0x88: {  	[sflag:s6] =	ssyncset.done $0x0  }
0x89: {  	s12 =	simm.s32 $0x780;
	s23 =	simm.s32 $0x1000;
	[sflag:s6] =	ssyncadd.s32 $0xFFFFE800  }
.LBB2_2:
0x8a: {  	[tilespmem:s26], [sflag:$0x8] =	stream.indirect.gather [hbm4b:s4+s16], $0x30, s12, s16, $0xb8;
	[tilespmem:$0x18920] =	vst v63  }
0x8b: {  	s12 =	smov.u32 s23  }
0x8c: {  	p0 =	sne.s32 s23, $0x7000;
	s23 =	sadd.s32 $0x1000, s23;
	_ =	swait.ge [sflag:s28], $0x1800  }
0x8d: {  	s12 =	sshra.s32 s12, $0x2;
	[sflag:s28] =	ssyncset.done $0x0  }
0x8e: {  	s8 =	sadd.s32 $0x2910, s12;
	[sflag:s28] =	ssyncadd.s32 $0xFFFFE800  }
0x8f: {  	[spmem:s1] =	stream.indirect.scatter.add.bf16 [tilespmem:s25], [sflag:$0xD], $0x30, s8, s16, $0xb8;
	[tilespmem:$0x18920] =	vst v63  }
0x90: {  	_ =	swait.ge [sflag:s31], $0x1800  }
0x91: {  	[sflag:s31] =	ssyncset.done $0x0  }
0x92: {  	s8 =	sadd.s32 $0x400, s12;
	[sflag:s31] =	ssyncadd.s32 $0xFFFFE800  }
0x93: {  	[tilespmem:s17], [sflag:$0x1] =	stream.indirect.gather [hbm4b:s4+s16], $0x30, s8, s16, $0xb8;
	[tilespmem:$0x18920] =	vst v63  }
0x94: {  	_ =	swait.ge [sflag:s0], $0x1800  }
0x95: {  	[sflag:s0] =	ssyncset.done $0x0  }
0x96: {  	s8 =	sadd.s32 $0x2990, s12;
	[sflag:s0] =	ssyncadd.s32 $0xFFFFE800  }
0x97: {  	[spmem:s1] =	stream.indirect.scatter.add.bf16 [tilespmem:s29], [sflag:$0xE], $0x30, s8, s16, $0xb8;
	[tilespmem:$0x18920] =	vst v63  }
0x98: {  	_ =	swait.ge [sflag:s21], $0x1800  }
0x99: {  	[sflag:s21] =	ssyncset.done $0x0  }
0x9a: {  	s8 =	sadd.s32 $0x480, s12;
	[sflag:s21] =	ssyncadd.s32 $0xFFFFE800  }
0x9b: {  	[tilespmem:s18], [sflag:$0x2] =	stream.indirect.gather [hbm4b:s4+s16], $0x30, s8, s16, $0xb8;
	[tilespmem:$0x18920] =	vst v63  }
0x9c: {  	_ =	swait.ge [sflag:s24], $0x1800  }
0x9d: {  	[sflag:s24] =	ssyncset.done $0x0  }
0x9e: {  	s8 =	sadd.s32 $0x2A10, s12;
	[sflag:s24] =	ssyncadd.s32 $0xFFFFE800  }
0x9f: {  	[spmem:s1] =	stream.indirect.scatter.add.bf16 [tilespmem:s3], [sflag:$0xF], $0x30, s8, s16, $0xb8;
	[tilespmem:$0x18920] =	vst v63  }
0xa0: {  	_ =	swait.ge [sflag:s5], $0x1800  }
0xa1: {  	[sflag:s5] =	ssyncset.done $0x0  }
0xa2: {  	s8 =	sadd.s32 $0x500, s12;
	[sflag:s5] =	ssyncadd.s32 $0xFFFFE800  }
0xa3: {  	[tilespmem:s20], [sflag:$0x3] =	stream.indirect.gather [hbm4b:s4+s16], $0x30, s8, s16, $0xb8;
	[tilespmem:$0x18920] =	vst v63  }
0xa4: {  	_ =	swait.ge [sflag:s7], $0x1800  }
0xa5: {  	[sflag:s7] =	ssyncset.done $0x0  }
0xa6: {  	s8 =	sadd.s32 $0x2A90, s12;
	[sflag:s7] =	ssyncadd.s32 $0xFFFFE800  }
0xa7: {  	[spmem:s1] =	stream.indirect.scatter.add.bf16 [tilespmem:s26], [sflag:$0x10], $0x30, s8, s16, $0xb8;
	[tilespmem:$0x18920] =	vst v63  }
0xa8: {  	_ =	swait.ge [sflag:s13], $0x1800  }
0xa9: {  	[sflag:s13] =	ssyncset.done $0x0  }
0xaa: {  	s8 =	sadd.s32 $0x580, s12;
	[sflag:s13] =	ssyncadd.s32 $0xFFFFE800  }
0xab: {  	[tilespmem:s22], [sflag:$0x4] =	stream.indirect.gather [hbm4b:s4+s16], $0x30, s8, s16, $0xb8;
	[tilespmem:$0x18920] =	vst v63  }
0xac: {  	_ =	swait.ge [sflag:s14], $0x1800  }
0xad: {  	[sflag:s14] =	ssyncset.done $0x0  }
0xae: {  	s8 =	sadd.s32 $0x2B10, s12;
	[sflag:s14] =	ssyncadd.s32 $0xFFFFE800  }
0xaf: {  	[spmem:s1] =	stream.indirect.scatter.add.bf16 [tilespmem:s17], [sflag:$0x9], $0x30, s8, s16, $0xb8;
	[tilespmem:$0x18920] =	vst v63  }
0xb0: {  	_ =	swait.ge [sflag:s9], $0x1800  }
0xb1: {  	[sflag:s9] =	ssyncset.done $0x0  }
0xb2: {  	s8 =	sadd.s32 $0x600, s12;
	[sflag:s9] =	ssyncadd.s32 $0xFFFFE800  }
0xb3: {  	[tilespmem:s25], [sflag:$0x5] =	stream.indirect.gather [hbm4b:s4+s16], $0x30, s8, s16, $0xb8;
	[tilespmem:$0x18920] =	vst v63  }
0xb4: {  	_ =	swait.ge [sflag:s15], $0x1800  }
0xb5: {  	[sflag:s15] =	ssyncset.done $0x0  }
0xb6: {  	s8 =	sadd.s32 $0x2B90, s12;
	[sflag:s15] =	ssyncadd.s32 $0xFFFFE800  }
0xb7: {  	[spmem:s1] =	stream.indirect.scatter.add.bf16 [tilespmem:s18], [sflag:$0xA], $0x30, s8, s16, $0xb8;
	[tilespmem:$0x18920] =	vst v63  }
0xb8: {  	_ =	swait.ge [sflag:s10], $0x1800  }
0xb9: {  	[sflag:s10] =	ssyncset.done $0x0  }
0xba: {  	s8 =	sadd.s32 $0x680, s12;
	[sflag:s10] =	ssyncadd.s32 $0xFFFFE800  }
0xbb: {  	[tilespmem:s29], [sflag:$0x6] =	stream.indirect.gather [hbm4b:s4+s16], $0x30, s8, s16, $0xb8;
	[tilespmem:$0x18920] =	vst v63  }
0xbc: {  	_ =	swait.ge [sflag:s30], $0x1800  }
0xbd: {  	[sflag:s30] =	ssyncset.done $0x0  }
0xbe: {  	s8 =	sadd.s32 $0x2C10, s12;
	[sflag:s30] =	ssyncadd.s32 $0xFFFFE800  }
0xbf: {  	[spmem:s1] =	stream.indirect.scatter.add.bf16 [tilespmem:s20], [sflag:$0xB], $0x30, s8, s16, $0xb8;
	[tilespmem:$0x18920] =	vst v63  }
0xc0: {  	_ =	swait.ge [sflag:s11], $0x1800  }
0xc1: {  	[sflag:s11] =	ssyncset.done $0x0  }
0xc2: {  	s8 =	sadd.s32 $0x700, s12;
	[sflag:s11] =	ssyncadd.s32 $0xFFFFE800  }
0xc3: {  	[tilespmem:s3], [sflag:$0x7] =	stream.indirect.gather [hbm4b:s4+s16], $0x30, s8, s16, $0xb8;
	[tilespmem:$0x18920] =	vst v63  }
0xc4: {  	_ =	swait.ge [sflag:s19], $0x1800  }
0xc5: {  	[sflag:s19] =	ssyncset.done $0x0  }
.Ltmp0:
0xc6: {  	s8 =	sadd.s32 $0x2C90, s12;
	[sflag:s19] =	ssyncadd.s32 $0xFFFFE800;
	(pc) =	sbr.rel @p0 .LBB2_2-.Ltmp0, $4  }
0xc7: {  	[spmem:s1] =	stream.indirect.scatter.add.bf16 [tilespmem:s22], [sflag:$0xC], $0x30, s8, s16, $0xb8;
	[tilespmem:$0x18920] =	vst v63  }
0xc8: {  	_ =	swait.ge [sflag:s6], $0x1800  }
0xc9: {  	[sflag:s6] =	ssyncset.done $0x0  }
0xca: {  	s12 =	sadd.s32 $0x780, s12;
	[sflag:s6] =	ssyncadd.s32 $0xFFFFE800  }
0xcb: {  	[tilespmem:s26], [sflag:$0x8] =	stream.indirect.gather [hbm4b:s4+s16], $0x30, s12, s16, $0xb8;
	[tilespmem:$0x18920] =	vst v63  }
0xcc: {  	_ =	swait.ge [sflag:s28], $0x1800  }
0xcd: {  	[sflag:s28] =	ssyncset.done $0x0  }
0xce: {  	s8 =	simm.s32 $0x4910;
	[sflag:s28] =	ssyncadd.s32 $0xFFFFE800  }
0xcf: {  	[spmem:s1] =	stream.indirect.scatter.add.bf16 [tilespmem:s25], [sflag:$0xD], $0x30, s8, s16, $0xb8;
	[tilespmem:$0x18920] =	vst v63  }
0xd0: {  	_ =	swait.ge [sflag:s31], $0x1800  }
0xd1: {  	[sflag:s31] =	ssyncset.done $0x0  }
0xd2: {  	s12 =	simm.s32 $0x2400;
	[sflag:s31] =	ssyncadd.s32 $0xFFFFE800  }
0xd3: {  	[tilespmem:s17], [sflag:$0x1] =	stream.indirect.gather [hbm4b:s4+s16], $0x30, s12, s16, $0xb8;
	[tilespmem:$0x18920] =	vst v63  }
0xd4: {  	_ =	swait.ge [sflag:s0], $0x1800  }
0xd5: {  	[sflag:s0] =	ssyncset.done $0x0  }
0xd6: {  	s23 =	simm.s32 $0x4990;
	[sflag:s0] =	ssyncadd.s32 $0xFFFFE800  }
0xd7: {  	[spmem:s1] =	stream.indirect.scatter.add.bf16 [tilespmem:s29], [sflag:$0xE], $0x30, s23, s16, $0xb8;
	[tilespmem:$0x18920] =	vst v63  }
0xd8: {  	_ =	swait.ge [sflag:s21], $0x1800  }
0xd9: {  	[sflag:s21] =	ssyncset.done $0x0  }
0xda: {  	s12 =	simm.s32 $0x2480;
	[sflag:s21] =	ssyncadd.s32 $0xFFFFE800  }
0xdb: {  	[tilespmem:s18], [sflag:$0x2] =	stream.indirect.gather [hbm4b:s4+s16], $0x30, s12, s16, $0xb8;
	[tilespmem:$0x18920] =	vst v63  }
0xdc: {  	_ =	swait.ge [sflag:s24], $0x1800  }
0xdd: {  	[sflag:s24] =	ssyncset.done $0x0  }
0xde: {  	s23 =	simm.s32 $0x4A10;
	[sflag:s24] =	ssyncadd.s32 $0xFFFFE800  }
0xdf: {  	[spmem:s1] =	stream.indirect.scatter.add.bf16 [tilespmem:s3], [sflag:$0xF], $0x30, s23, s16, $0xb8;
	[tilespmem:$0x18920] =	vst v63  }
0xe0: {  	_ =	swait.ge [sflag:s5], $0x1800  }
0xe1: {  	[sflag:s5] =	ssyncset.done $0x0  }
0xe2: {  	s12 =	simm.s32 $0x2500;
	[sflag:s5] =	ssyncadd.s32 $0xFFFFE800  }
0xe3: {  	[tilespmem:s20], [sflag:$0x3] =	stream.indirect.gather [hbm4b:s4+s16], $0x30, s12, s16, $0xb8;
	[tilespmem:$0x18920] =	vst v63  }
0xe4: {  	_ =	swait.ge [sflag:s7], $0x1800  }
0xe5: {  	[sflag:s7] =	ssyncset.done $0x0  }
0xe6: {  	s23 =	simm.s32 $0x4A90;
	[sflag:s7] =	ssyncadd.s32 $0xFFFFE800  }
0xe7: {  	[spmem:s1] =	stream.indirect.scatter.add.bf16 [tilespmem:s26], [sflag:$0x10], $0x30, s23, s16, $0xb8;
	[tilespmem:$0x18920] =	vst v63  }
0xe8: {  	_ =	swait.ge [sflag:s13], $0x1800  }
0xe9: {  	[sflag:s13] =	ssyncset.done $0x0  }
0xea: {  	s12 =	simm.s32 $0x2580;
	[sflag:s13] =	ssyncadd.s32 $0xFFFFE800  }
0xeb: {  	[tilespmem:s22], [sflag:$0x4] =	stream.indirect.gather [hbm4b:s4+s16], $0x30, s12, s16, $0xb8;
	[tilespmem:$0x18920] =	vst v63  }
0xec: {  	_ =	swait.ge [sflag:s14], $0x1800  }
0xed: {  	[sflag:s14] =	ssyncset.done $0x0  }
0xee: {  	s23 =	simm.s32 $0x4B10;
	[sflag:s14] =	ssyncadd.s32 $0xFFFFE800  }
0xef: {  	[spmem:s1] =	stream.indirect.scatter.add.bf16 [tilespmem:s17], [sflag:$0x9], $0x30, s23, s16, $0xb8;
	[tilespmem:$0x18920] =	vst v63  }
0xf0: {  	_ =	swait.ge [sflag:s9], $0x1800  }
0xf1: {  	[sflag:s9] =	ssyncset.done $0x0  }
0xf2: {  	s12 =	simm.s32 $0x2600;
	[sflag:s9] =	ssyncadd.s32 $0xFFFFE800  }
0xf3: {  	[tilespmem:s25], [sflag:$0x5] =	stream.indirect.gather [hbm4b:s4+s16], $0x30, s12, s16, $0xb8;
	[tilespmem:$0x18920] =	vst v63  }
0xf4: {  	_ =	swait.ge [sflag:s15], $0x1800  }
0xf5: {  	[sflag:s15] =	ssyncset.done $0x0  }
0xf6: {  	s23 =	simm.s32 $0x4B90;
	[sflag:s15] =	ssyncadd.s32 $0xFFFFE800  }
0xf7: {  	[spmem:s1] =	stream.indirect.scatter.add.bf16 [tilespmem:s18], [sflag:$0xA], $0x30, s23, s16, $0xb8;
	[tilespmem:$0x18920] =	vst v63  }
0xf8: {  	_ =	swait.ge [sflag:s10], $0x1800  }
0xf9: {  	[sflag:s10] =	ssyncset.done $0x0  }
0xfa: {  	s12 =	simm.s32 $0x2680;
	[sflag:s10] =	ssyncadd.s32 $0xFFFFE800  }
0xfb: {  	[tilespmem:s29], [sflag:$0x6] =	stream.indirect.gather [hbm4b:s4+s16], $0x30, s12, s16, $0xb8;
	[tilespmem:$0x18920] =	vst v63  }
0xfc: {  	_ =	swait.ge [sflag:s30], $0x1800  }
0xfd: {  	[sflag:s30] =	ssyncset.done $0x0  }
0xfe: {  	s23 =	simm.s32 $0x4C10;
	[sflag:s30] =	ssyncadd.s32 $0xFFFFE800  }
0xff: {  	[spmem:s1] =	stream.indirect.scatter.add.bf16 [tilespmem:s20], [sflag:$0xB], $0x30, s23, s16, $0xb8;
	[tilespmem:$0x18920] =	vst v63  }
0x100: {  	_ =	swait.ge [sflag:s11], $0x1800  }
0x101: {  	[sflag:s11] =	ssyncset.done $0x0  }
0x102: {  	[sflag:s11] =	ssyncadd.s32 $0xFFFFE800  }
0x103: {  	_ =	swait.ge [sflag:s19], $0x1800  }
0x104: {  	[sflag:s19] =	ssyncset.done $0x0  }
0x105: {  	s12 =	simm.s32 $0x4C90;
	[sflag:s19] =	ssyncadd.s32 $0xFFFFE800  }
0x106: {  	[spmem:s1] =	stream.indirect.scatter.add.bf16 [tilespmem:s22], [sflag:$0xC], $0x30, s12, s16, $0xb8;
	[tilespmem:$0x18920] =	vst v63  }
0x107: {  	_ =	swait.ge [sflag:s6], $0x1800  }
0x108: {  	[sflag:s6] =	ssyncset.done $0x0  }
0x109: {  	[sflag:s6] =	ssyncadd.s32 $0xFFFFE800  }
0x10a: {  	_ =	swait.ge [sflag:s28], $0x1800  }
0x10b: {  	[sflag:s28] =	ssyncset.done $0x0  }
0x10c: {  	s23 =	simm.s32 $0x4D10;
	[sflag:s28] =	ssyncadd.s32 $0xFFFFE800  }
0x10d: {  	[spmem:s1] =	stream.indirect.scatter.add.bf16 [tilespmem:s25], [sflag:$0xD], $0x30, s23, s16, $0xb8;
	[tilespmem:$0x18920] =	vst v63  }
0x10e: {  	_ =	swait.ge [sflag:s31], $0x1800  }
0x10f: {  	[sflag:s31] =	ssyncset.done $0x0  }
0x110: {  	[sflag:s31] =	ssyncadd.s32 $0xFFFFE800  }
0x111: {  	_ =	swait.ge [sflag:s0], $0x1800  }
0x112: {  	[sflag:s0] =	ssyncset.done $0x0  }
0x113: {  	s12 =	simm.s32 $0x4D90;
	[sflag:s0] =	ssyncadd.s32 $0xFFFFE800  }
0x114: {  	[spmem:s1] =	stream.indirect.scatter.add.bf16 [tilespmem:s29], [sflag:$0xE], $0x30, s12, s16, $0xb8;
	[tilespmem:$0x18920] =	vst v63  }
0x115: {  	_ =	swait.ge [sflag:s21], $0x1800  }
0x116: {  	[sflag:s21] =	ssyncset.done $0x0  }
0x117: {  	[sflag:s21] =	ssyncadd.s32 $0xFFFFE800  }
0x118: {  	_ =	swait.ge [sflag:s5], $0x1800  }
0x119: {  	[sflag:s5] =	ssyncset.done $0x0  }
0x11a: {  	[sflag:s5] =	ssyncadd.s32 $0xFFFFE800  }
0x11b: {  	_ =	swait.ge [sflag:s13], $0x1800  }
0x11c: {  	[sflag:s13] =	ssyncset.done $0x0  }
0x11d: {  	[sflag:s13] =	ssyncadd.s32 $0xFFFFE800  }
0x11e: {  	_ =	swait.ge [sflag:s9], $0x1800  }
0x11f: {  	[sflag:s9] =	ssyncset.done $0x0  }
0x120: {  	[sflag:s9] =	ssyncadd.s32 $0xFFFFE800  }
0x121: {  	_ =	swait.ge [sflag:s10], $0x1800  }
0x122: {  	[sflag:s10] =	ssyncset.done $0x0  }
0x123: {  	s23 =	simm.s32 $0x2700;
	s12 =	simm.s32 $0x10E20;
	[sflag:s10] =	ssyncadd.s32 $0xFFFFE800  }
0x124: {  	[tilespmem:s12], [sflag:$0x1] =	stream.indirect.gather [hbm4b:s4+s6], $0x30, s23, s6, $0xb8;
	[tilespmem:$0x18920] =	vst v63  }
0x125: {  	_ =	swait.ge [sflag:s14], $0x300  }
0x126: {  	[sflag:s14] =	ssyncset.done $0x0  }
0x127: {  	s23 =	simm.s32 $0x4E10;
	[sflag:s14] =	ssyncadd.s32 $0xFFFFFD00  }
0x128: {  	[spmem:s1] =	stream.indirect.scatter.add.bf16 [tilespmem:s12], [sflag:$0x12], $0x30, s23, s6, $0xb8;
	[tilespmem:$0x18920] =	vst v63  }
0x129: {  	_ =	swait.ge [sflag:s2], $0x300  }
0x12a: {  	[sflag:s2] =	ssyncset.done $0x0  }
0x12b: {  	[sflag:s2] =	ssyncadd.s32 $0xFFFFFD00  }
0x12c: {  	[bflag:$0x0] =	sbarrier.arrive $0xFFFF  }
0x12d: {  	s23 =	rddreg [dreg:$0x5]  }
0x12e: {  	s12 =	rddreg [dreg:$0xa]  }
0x12f: {  	s8 =	sor.u32 $0x1C12, s23;
	s23 =	rddreg [dreg:$0xb]  }
0x130: {  	[hbm:s12], [sflag:s8] =	dma.local [spmem:s23], $0xF00  }
0x131: {  	_ =	swait.ge [sflag:s2], $0xF00  }
0x132: {  	s8 =	rddreg [dreg:$0xc]  }
0x133: {  	s12 =	sadd.s32 $0x1, s8;
	s8 =	rddreg [dreg:$0x9]  }
0x134: {  	p0 =	sne.s32 s12, s8  }
.Ltmp1:
0x135: {  	_ = 	snop;
	(pc) =	sbr.rel @p0 .LBB2_1-.Ltmp1, $3  }
0x136: {  	_ =	sdelay $0x1  }
0x137: {  	[sflag:s2] =	ssyncset.done $0x0  }
0x138: {  	[sflag:s2] =	ssyncadd.s32 $0xFFFFF100  }
0x139: {  	_ =	sfence.sel $0x180000  }
0x13a: {  	[bflag:$0x0] =	sbarrier.arrive $0xFFFF  }
0x13b: {  	_ =	strace $0x90000047  }
0x13c: {  	s0 =	stileid.u32;
	[bflag:$0x2] =	sbarrier.arrive $0xFFFF  }
0x13d: {  	p0 =	sne.s32 s0, $0x0;
	s0 =	rddreg [dreg:$0x3]  }
0x13e: {  	s0 =	sadd.s32 @!p0 $0x100000, s0  }
0x13f: {  	[sflag:s0] =	ssyncadd.tile.s32 @!p0 $0x1;
	_ =	shalt  }
.Lfunc_end2:
_tile_overlayer_lowered:
.L_overlay_start_2:
0x140: {  	(tag) =	ssettag $0x2  }
0x141: {  	s0 =	rddreg [dreg:$0x0];
	s2 =	stileid.u32  }
0x142: {  	s1 =	rddreg [dreg:$0x1];
	p0 =	sne.s32 s2, $0x0  }
0x143: {  	s3 =	rddreg [dreg:$0x2];
	[bflag:$0x3] =	sbarrier.arrive $0xFFFF;
	s2 =	simm.s32 @!p0 $0x1C12  }
0x144: {  	[timem:s3], [sflag:s2] =	dma.local @!p0 [hbm:s0], s1  }
0x145: {  	s0 =	simm.s32 @!p0 $0x12  }
0x146: {  	_ =	swait.ge @!p0 [sflag:s0], s1  }
0x147: {  	s1 =	ssub.s32 @!p0 $0x0, s1;
	[sflag:s0] =	ssyncset.done @!p0 $0x0  }
0x148: {  	[sflag:s0] =	ssyncadd.s32 @!p0 s1  }
0x149: {  	[bflag:$0x3] =	sbarrier.arrive $0xFFFF  }
0x14a: {  	_ =	shalt  }

</sc_bundles>
